<compile_context>
chip_gen: v7x
topology: tpu7x:2x2x1
jax: 0.10.2.dev20260603
libtpu: 0.0.44.dev20260713+nightly
codegen_flags: <defaults>
</compile_context>

<pallas_src>
import functools

import jax
import jax.numpy as jnp
from jax import lax
from jax.experimental import pallas as pl
from jax.experimental.pallas import tpu as pltpu
from jax.experimental.pallas import tpu_sc as plsc

N = 10000
D_IN = 128
DH = 16
DO = 8
NP = 10240
NZ = NP - N
E_RAW = 320000
E_TOT = E_RAW + N
NC, NS, L = 2, 16, 16
CHUNK = 128
NBUF = 4
CH_SUM = 164
CHMAX = 104
TOTAL_CH = NS * CH_SUM
ROWS_PAD = TOTAL_CH + 44
E_PAD = ROWS_PAD * CHUNK
RPS = NP // NS

CH_DEG = (100, 64)
CH_AGG1 = (92, 72)
CH_AGG2 = (100, 64)

_mesh = functools.partial(
    plsc.VectorSubcoreMesh, core_axis_name="c", subcore_axis_name="s"
)
_sc_params = pltpu.CompilerParams(use_tc_tiling_on_sc=False)


def _tile_plan(split, c, s):
    ch0, ch1 = split
    assert ch0 + ch1 == CH_SUM and ch0 % NBUF == 0 and ch1 % NBUF == 0
    assert ch0 <= CHMAX and ch0 - ch1 <= ROWS_PAD - TOTAL_CH
    start = jnp.where(c == 0, s * ch0, NS * ch0 + s * ch1)
    nch = jnp.where(c == 0, ch0, ch1)
    ngrp = jnp.where(c == 0, ch0 // NBUF, ch1 // NBUF)
    return start, nch, ngrp


@functools.partial(
    pl.kernel,
    out_type=jax.ShapeDtypeStruct((NC, NP), jnp.float32),
    mesh=_mesh(),
    scratch_types=[
        pltpu.VMEM_SHARED((NP,), jnp.float32),
        pltpu.VMEM((CHMAX, CHUNK), jnp.int32),
        pltpu.VMEM((CHUNK,), jnp.float32),
        pltpu.VMEM((RPS,), jnp.float32),
        pltpu.SemaphoreType.DMA((NBUF,)),
        pltpu.SemaphoreType.DMA,
    ],
    compiler_params=_sc_params,
)
def _deg_kernel(dst_hbm, out_hbm, acc_sh, dst_v, ones_v, zero_v, ssem, isem):
    c = lax.axis_index("c")
    s = lax.axis_index("s")
    start, nch, ngrp = _tile_plan(CH_DEG, c, s)

    idx_cp = pltpu.async_copy(dst_hbm.at[pl.ds(start, CHMAX)], dst_v, isem)

    def fill_ones(i, carry):
        ones_v[pl.ds(i * L, L)] = jnp.full((L,), 1.0, jnp.float32)
        return carry

    lax.fori_loop(0, CHUNK // L, fill_ones, 0)

    def fill_zero(i, carry):
        zero_v[pl.ds(i * L, L)] = jnp.zeros((L,), jnp.float32)
        return carry

    lax.fori_loop(0, RPS // L, fill_zero, 0)

    pltpu.sync_copy(zero_v, acc_sh.at[pl.ds(s * RPS, RPS)])
    idx_cp.wait()
    plsc.subcore_barrier()

    def group(g, carry):
        for b in range(NBUF):
            j = g * NBUF + b
            pltpu.async_copy(ones_v, acc_sh.at[dst_v.at[j]], ssem.at[b],
                             add=True)
        for b in range(NBUF):
            pltpu.make_async_copy(ones_v, acc_sh.at[dst_v.at[b]],
                                  ssem.at[b]).wait()
        return carry

    lax.fori_loop(0, ngrp, group, 0)

    plsc.subcore_barrier()
    pltpu.sync_copy(
        acc_sh.at[pl.ds(s * RPS, RPS)], out_hbm.at[c, pl.ds(s * RPS, RPS)]
    )


def _agg_body(D, split, feat_hbm, src_hbm, dst_hbm, out_hbm,
              acc_sh, src_v, dst_v, rows_v, gsem, ssem, isem):
    c = lax.axis_index("c")
    s = lax.axis_index("s")
    start, nch, ngrp = _tile_plan(split, c, s)

    cp_s = pltpu.async_copy(src_hbm.at[pl.ds(start, CHMAX)], src_v, isem)
    cp_d = pltpu.async_copy(dst_hbm.at[pl.ds(start, CHMAX)], dst_v, isem)

    base = s * RPS
    pltpu.sync_copy(feat_hbm.at[pl.ds(N, NZ)], acc_sh.at[pl.ds(base, NZ)])
    pltpu.sync_copy(feat_hbm.at[pl.ds(N, NZ)],
                    acc_sh.at[pl.ds(base + NZ, NZ)])
    pltpu.sync_copy(feat_hbm.at[pl.ds(N, RPS - 2 * NZ)],
                    acc_sh.at[pl.ds(base + 2 * NZ, RPS - 2 * NZ)])
    cp_s.wait()
    cp_d.wait()
    plsc.subcore_barrier()

    for b in range(NBUF):
        pltpu.async_copy(feat_hbm.at[src_v.at[b]], rows_v.at[b], gsem.at[b])

    def group(g, carry):
        for b in range(NBUF):
            j = g * NBUF + b
            pltpu.make_async_copy(feat_hbm.at[src_v.at[b]], rows_v.at[b],
                                  gsem.at[b]).wait()
            pltpu.async_copy(rows_v.at[b], acc_sh.at[dst_v.at[j]],
                             ssem.at[b], add=True)
        for b in range(NBUF):
            nxt = g * NBUF + b + NBUF
            pltpu.make_async_copy(rows_v.at[b], acc_sh.at[dst_v.at[b]],
                                  ssem.at[b]).wait()

            @pl.when(nxt < nch)
            def _():
                pltpu.async_copy(feat_hbm.at[src_v.at[nxt]], rows_v.at[b],
                                 gsem.at[b])

        return carry

    lax.fori_loop(0, ngrp, group, 0)

    plsc.subcore_barrier()
    pltpu.sync_copy(
        acc_sh.at[pl.ds(s * RPS, RPS)], out_hbm.at[c, pl.ds(s * RPS, RPS)]
    )


def _make_agg(D, split):
    return functools.partial(
        pl.kernel,
        out_type=jax.ShapeDtypeStruct((NC, NP, D), jnp.float32),
        mesh=_mesh(),
        scratch_types=[
            pltpu.VMEM_SHARED((NP, D), jnp.float32),
            pltpu.VMEM((CHMAX, CHUNK), jnp.int32),
            pltpu.VMEM((CHMAX, CHUNK), jnp.int32),
            pltpu.VMEM((NBUF, CHUNK, D), jnp.float32),
            pltpu.SemaphoreType.DMA((NBUF,)),
            pltpu.SemaphoreType.DMA((NBUF,)),
            pltpu.SemaphoreType.DMA,
        ],
        compiler_params=_sc_params,
    )(functools.partial(_agg_body, D, split))


_agg16 = _make_agg(DH, CH_AGG1)
_agg8 = _make_agg(DO, CH_AGG2)


def _tca0_body(x_ref, w1_ref, h_ref):
    h_ref[...] = jnp.dot(x_ref[...], w1_ref[...],
                         preferred_element_type=jnp.float32)


def _tca1_body(h_ref, deg_ref, hs_ref, dis_ref):
    deg = deg_ref[0] + deg_ref[1]
    dis = jnp.where(deg > 0, lax.rsqrt(jnp.maximum(deg, 1e-12)), 0.0)
    dis_ref[...] = dis
    h = jnp.concatenate([h_ref[...], jnp.zeros((NP - N, DH), jnp.float32)],
                        axis=0)
    hs_ref[...] = h * dis[:, None]


def _tcb_body(s1_ref, dis_ref, b1_ref, w2_ref, gs_ref):
    s = s1_ref[0] + s1_ref[1]
    dis = dis_ref[...]
    x2 = jnp.maximum(s * dis[:, None] + b1_ref[...][None, :], 0.0)
    g = jnp.dot(x2, w2_ref[...], preferred_element_type=jnp.float32)
    g = g * dis[:, None]
    row = lax.broadcasted_iota(jnp.int32, (NP, DO), 0)
    gs_ref[...] = jnp.where(row < N, g, 0.0)


def _tcc_body(s2_ref, dis_ref, b2_ref, out_ref):
    su = s2_ref[0] + s2_ref[1]
    dis = dis_ref[...]
    z = su[:, :2] * dis[:, None] + b2_ref[...][None, :]
    z = z[:N]
    m = jnp.max(z, axis=1, keepdims=True)
    lse = m + jnp.log(jnp.sum(jnp.exp(z - m), axis=1, keepdims=True))
    out_ref[...] = z - lse


def kernel(x, edge_index, W1, b1, W2, b2):
    loop = jnp.arange(N, dtype=jnp.int32)
    pad = jnp.full((E_PAD - E_TOT,), N, jnp.int32)
    src = jnp.concatenate([edge_index[0], loop, pad]).reshape(ROWS_PAD, CHUNK)
    dst = jnp.concatenate([edge_index[1], loop, pad]).reshape(ROWS_PAD, CHUNK)
    W2p = jnp.pad(W2, ((0, 0), (0, DO - 2)))

    deg2 = _deg_kernel(dst)

    h = pl.pallas_call(
        _tca0_body,
        out_shape=jax.ShapeDtypeStruct((N, DH), jnp.float32),
    )(x, W1)

    hs, dis = pl.pallas_call(
        _tca1_body,
        out_shape=(
            jax.ShapeDtypeStruct((NP, DH), jnp.float32),
            jax.ShapeDtypeStruct((NP,), jnp.float32),
        ),
    )(h, deg2)

    s1 = _agg16(hs, src, dst)

    gs = pl.pallas_call(
        _tcb_body,
        out_shape=jax.ShapeDtypeStruct((NP, DO), jnp.float32),
    )(s1, dis, b1, W2p)

    s2 = _agg8(gs, src, dst)

    out = pl.pallas_call(
        _tcc_body,
        out_shape=jax.ShapeDtypeStruct((N, 2), jnp.float32),
    )(s2, dis, b2)

    return out

# --- scband reference (transcript-rebuilt; emitter-appended) ---
"""Pipeline reference for scband-gcn-40054865002827 (READ-ONLY COPY).

The authoritative reference and input builder live on the scoring server;
editing this copy changes nothing except your own understanding.
"""

import jax, jax.numpy as jnp
import numpy as np

N = 10000
D_IN = 128
D_HID = 16
D_OUT = 2
E = 320000


def setup_inputs(seed: int = 0) -> dict:
    key = jax.random.key(seed)
    k1, k2, k3, k4, k5, k6 = jax.random.split(key, 6)
    x = jax.random.normal(k1, (N, D_IN), dtype=jnp.float32)
    edge_index = jax.random.randint(k2, (2, E), 0, N, dtype=jnp.int32)
    # GCNConv params (glorot-ish init)
    W1 = jax.random.normal(k3, (D_IN, D_HID), dtype=jnp.float32) * (1.0 / np.sqrt(D_IN))
    b1 = jnp.zeros((D_HID,), dtype=jnp.float32)
    W2 = jax.random.normal(k4, (D_HID, D_OUT), dtype=jnp.float32) * (1.0 / np.sqrt(D_HID))
    b2 = jnp.zeros((D_OUT,), dtype=jnp.float32)
    return {"x": x, "edge_index": edge_index, "W1": W1, "b1": b1, "W2": W2, "b2": b2}


def _gcn_conv(x, src, dst, W, b, n):
    # linear transform first (out_dim small)
    h = x @ W
    # symmetric normalization using in-degree computed with self-loops already appended
    ones = jnp.ones_like(src, dtype=h.dtype)
    deg = jnp.zeros((n,), dtype=h.dtype).at[dst].add(ones)
    deg_inv_sqrt = jnp.where(deg > 0, jax.lax.rsqrt(jnp.maximum(deg, 1e-12)), 0.0)
    norm = deg_inv_sqrt[src] * deg_inv_sqrt[dst]
    msg = h[src] * norm[:, None]
    out = jnp.zeros((n, h.shape[1]), dtype=h.dtype).at[dst].add(msg)
    return out + b


def reference(x, edge_index, W1, b1, W2, b2):
    n = x.shape[0]
    loop = jnp.arange(n, dtype=edge_index.dtype)
    src = jnp.concatenate([edge_index[0], loop])
    dst = jnp.concatenate([edge_index[1], loop])
    h = _gcn_conv(x, src, dst, W1, b1, n)
    h = jax.nn.relu(h)
    # F.dropout with training=False is identity in eval mode
    h = _gcn_conv(h, src, dst, W2, b2, n)
    return jax.nn.log_softmax(h, axis=1)

if __name__ == "__main__":
    import jax
    _d = setup_inputs()
    print(jax.jit(kernel)(*tuple(_d.values())))

</pallas_src>

<mosaic_0001>
#map = affine_map<(d0, d1) -> (0, 0)>
#map1 = affine_map<(d0, d1) -> (0, 0, 0)>
module attributes {stable_mosaic.version = 14 : i64} {
  func.func @_agg_body(%arg0: i32, %arg1: i32, %arg2: memref<10240x16xf32, #tpu.memory_space<hbm>>, %arg3: memref<2668x128xi32, #tpu.memory_space<hbm>>, %arg4: memref<2668x128xi32, #tpu.memory_space<hbm>>, %arg5: memref<2x10240x16xf32, #tpu.memory_space<hbm>>, %arg6: memref<10240x16xf32, #tpu.memory_space<vmem_shared>>, %arg7: memref<104x128xi32, #tpu.memory_space<vmem>>, %arg8: memref<104x128xi32, #tpu.memory_space<vmem>>, %arg9: memref<4x128x16xf32, #tpu.memory_space<vmem>>, %arg10: memref<4x!tpu.dma_semaphore, #tpu.memory_space<semaphore_mem>>, %arg11: memref<4x!tpu.dma_semaphore, #tpu.memory_space<semaphore_mem>>, %arg12: memref<!tpu.dma_semaphore, #tpu.memory_space<semaphore_mem>>) attributes {dimension_semantics = [#tpu.dimension_semantics<core_parallel>, #tpu.dimension_semantics<subcore_parallel>], iteration_bounds = array<i64: 2, 16>, scalar_prefetch = 0 : i64, scratch_operands = 7 : i64, tpu.core_type = #tpu.core_type<sc_vector_subcore>, window_params = [{transform_indices = #map}, {transform_indices = #map}, {transform_indices = #map}, {transform_indices = #map1}]} {
    %eq3A = arith.constant 0 : i32
    %eq3A_0 = arith.cmpi eq, %arg0, %eq3A : i32
    %mul3A = arith.constant 92 : i32
    %mul3A_1 = arith.muli %arg1, %mul3A : i32
    %mul3A_2 = arith.constant 72 : i32
    %mul3A_3 = arith.muli %arg1, %mul3A_2 : i32
    %add3A = arith.constant 1472 : i32
    %add3A_4 = arith.addi %add3A, %mul3A_3 : i32
    %select_n3A = arith.select %eq3A_0, %mul3A_1, %add3A_4 : i32
    %eq3A_5 = arith.constant 0 : i32
    %eq3A_6 = arith.cmpi eq, %arg0, %eq3A_5 : i32
    %jit3A = arith.constant 92 : i32
    %jit3A_7 = arith.constant 72 : i32
    %select_n3A_8 = arith.select %eq3A_6, %jit3A, %jit3A_7 : i32
    %eq3A_9 = arith.constant 0 : i32
    %eq3A_10 = arith.cmpi eq, %arg0, %eq3A_9 : i32
    %jit3A_11 = arith.constant 23 : i32
    %jit3A_12 = arith.constant 18 : i32
    %select_n3A_13 = arith.select %eq3A_10, %jit3A_11, %jit3A_12 : i32
    %dma_start3A = arith.constant 0 : i32
    %dma_start3A_14 = tpu.memref_slice %arg3[%select_n3A, %dma_start3A] : memref<2668x128xi32, #tpu.memory_space<hbm>> -> memref<104x128xi32, #tpu.memory_space<hbm>>
    %dma_start3A_15 = arith.constant 0 : i32
    %dma_start3A_16 = tpu.memref_slice %arg3[%select_n3A, %dma_start3A_15] : memref<2668x128xi32, #tpu.memory_space<hbm>> -> memref<104x128xi32, #tpu.memory_space<hbm>>
    tpu.enqueue_dma source(%dma_start3A_16 : memref<104x128xi32, #tpu.memory_space<hbm>>) target(%arg7 : memref<104x128xi32, #tpu.memory_space<vmem>>) target_semaphore(%arg12 : memref<!tpu.dma_semaphore, #tpu.memory_space<semaphore_mem>>)
    %dma_start3A_17 = arith.constant 0 : i32
    %dma_start3A_18 = tpu.memref_slice %arg4[%select_n3A, %dma_start3A_17] : memref<2668x128xi32, #tpu.memory_space<hbm>> -> memref<104x128xi32, #tpu.memory_space<hbm>>
    %dma_start3A_19 = arith.constant 0 : i32
    %dma_start3A_20 = tpu.memref_slice %arg4[%select_n3A, %dma_start3A_19] : memref<2668x128xi32, #tpu.memory_space<hbm>> -> memref<104x128xi32, #tpu.memory_space<hbm>>
    tpu.enqueue_dma source(%dma_start3A_20 : memref<104x128xi32, #tpu.memory_space<hbm>>) target(%arg8 : memref<104x128xi32, #tpu.memory_space<vmem>>) target_semaphore(%arg12 : memref<!tpu.dma_semaphore, #tpu.memory_space<semaphore_mem>>)
    %mul3A_21 = arith.constant 640 : i32
    %mul3A_22 = arith.muli %arg1, %mul3A_21 : i32
    "tpu.region"() ({
      %run_scoped3A = tpu.sem_alloc : memref<!tpu.dma_semaphore, #tpu.memory_space<semaphore_mem>>
      %dma_start3A_108 = arith.constant 0 : i32
      %dma_start3A_109 = tpu.memref_slice %arg6[%mul3A_22, %dma_start3A_108] : memref<10240x16xf32, #tpu.memory_space<vmem_shared>> -> memref<240x16xf32, #tpu.memory_space<vmem_shared>>
      %dma_start3A_110 = arith.constant 10000 : i32
      %dma_start3A_111 = arith.constant 0 : i32
      %dma_start3A_112 = tpu.memref_slice %arg2[%dma_start3A_110, %dma_start3A_111] : memref<10240x16xf32, #tpu.memory_space<hbm>> -> memref<240x16xf32, #tpu.memory_space<hbm>>
      tpu.enqueue_dma source(%dma_start3A_112 : memref<240x16xf32, #tpu.memory_space<hbm>>) target(%dma_start3A_109 : memref<240x16xf32, #tpu.memory_space<vmem_shared>>) target_semaphore(%run_scoped3A : memref<!tpu.dma_semaphore, #tpu.memory_space<semaphore_mem>>)
      %dma_wait3A_113 = arith.constant 0 : i32
      %dma_wait3A_114 = tpu.memref_slice %arg6[%mul3A_22, %dma_wait3A_113] : memref<10240x16xf32, #tpu.memory_space<vmem_shared>> -> memref<240x16xf32, #tpu.memory_space<vmem_shared>>
      %dma_wait3A_115 = arith.constant 10000 : i32
      %dma_wait3A_116 = arith.constant 0 : i32
      %dma_wait3A_117 = tpu.memref_slice %arg2[%dma_wait3A_115, %dma_wait3A_116] : memref<10240x16xf32, #tpu.memory_space<hbm>> -> memref<240x16xf32, #tpu.memory_space<hbm>>
      tpu.wait_dma2 semaphore(%run_scoped3A : memref<!tpu.dma_semaphore, #tpu.memory_space<semaphore_mem>>) src(%dma_wait3A_117 : memref<240x16xf32, #tpu.memory_space<hbm>>) dst(%dma_wait3A_114 : memref<240x16xf32, #tpu.memory_space<vmem_shared>>)
      tpu.yield
    }) : () -> ()
    %add3A_23 = arith.constant 240 : i32
    %add3A_24 = arith.addi %mul3A_22, %add3A_23 : i32
    "tpu.region"() ({
      %run_scoped3A = tpu.sem_alloc : memref<!tpu.dma_semaphore, #tpu.memory_space<semaphore_mem>>
      %dma_start3A_108 = arith.constant 0 : i32
      %dma_start3A_109 = tpu.memref_slice %arg6[%add3A_24, %dma_start3A_108] : memref<10240x16xf32, #tpu.memory_space<vmem_shared>> -> memref<240x16xf32, #tpu.memory_space<vmem_shared>>
      %dma_start3A_110 = arith.constant 10000 : i32
      %dma_start3A_111 = arith.constant 0 : i32
      %dma_start3A_112 = tpu.memref_slice %arg2[%dma_start3A_110, %dma_start3A_111] : memref<10240x16xf32, #tpu.memory_space<hbm>> -> memref<240x16xf32, #tpu.memory_space<hbm>>
      tpu.enqueue_dma source(%dma_start3A_112 : memref<240x16xf32, #tpu.memory_space<hbm>>) target(%dma_start3A_109 : memref<240x16xf32, #tpu.memory_space<vmem_shared>>) target_semaphore(%run_scoped3A : memref<!tpu.dma_semaphore, #tpu.memory_space<semaphore_mem>>)
      %dma_wait3A_113 = arith.constant 0 : i32
      %dma_wait3A_114 = tpu.memref_slice %arg6[%add3A_24, %dma_wait3A_113] : memref<10240x16xf32, #tpu.memory_space<vmem_shared>> -> memref<240x16xf32, #tpu.memory_space<vmem_shared>>
      %dma_wait3A_115 = arith.constant 10000 : i32
      %dma_wait3A_116 = arith.constant 0 : i32
      %dma_wait3A_117 = tpu.memref_slice %arg2[%dma_wait3A_115, %dma_wait3A_116] : memref<10240x16xf32, #tpu.memory_space<hbm>> -> memref<240x16xf32, #tpu.memory_space<hbm>>
      tpu.wait_dma2 semaphore(%run_scoped3A : memref<!tpu.dma_semaphore, #tpu.memory_space<semaphore_mem>>) src(%dma_wait3A_117 : memref<240x16xf32, #tpu.memory_space<hbm>>) dst(%dma_wait3A_114 : memref<240x16xf32, #tpu.memory_space<vmem_shared>>)
      tpu.yield
    }) : () -> ()
    %add3A_25 = arith.constant 480 : i32
    %add3A_26 = arith.addi %mul3A_22, %add3A_25 : i32
    "tpu.region"() ({
      %run_scoped3A = tpu.sem_alloc : memref<!tpu.dma_semaphore, #tpu.memory_space<semaphore_mem>>
      %dma_start3A_108 = arith.constant 0 : i32
      %dma_start3A_109 = tpu.memref_slice %arg6[%add3A_26, %dma_start3A_108] : memref<10240x16xf32, #tpu.memory_space<vmem_shared>> -> memref<160x16xf32, #tpu.memory_space<vmem_shared>>
      %dma_start3A_110 = arith.constant 10000 : i32
      %dma_start3A_111 = arith.constant 0 : i32
      %dma_start3A_112 = tpu.memref_slice %arg2[%dma_start3A_110, %dma_start3A_111] : memref<10240x16xf32, #tpu.memory_space<hbm>> -> memref<160x16xf32, #tpu.memory_space<hbm>>
      tpu.enqueue_dma source(%dma_start3A_112 : memref<160x16xf32, #tpu.memory_space<hbm>>) target(%dma_start3A_109 : memref<160x16xf32, #tpu.memory_space<vmem_shared>>) target_semaphore(%run_scoped3A : memref<!tpu.dma_semaphore, #tpu.memory_space<semaphore_mem>>)
      %dma_wait3A_113 = arith.constant 0 : i32
      %dma_wait3A_114 = tpu.memref_slice %arg6[%add3A_26, %dma_wait3A_113] : memref<10240x16xf32, #tpu.memory_space<vmem_shared>> -> memref<160x16xf32, #tpu.memory_space<vmem_shared>>
      %dma_wait3A_115 = arith.constant 10000 : i32
      %dma_wait3A_116 = arith.constant 0 : i32
      %dma_wait3A_117 = tpu.memref_slice %arg2[%dma_wait3A_115, %dma_wait3A_116] : memref<10240x16xf32, #tpu.memory_space<hbm>> -> memref<160x16xf32, #tpu.memory_space<hbm>>
      tpu.wait_dma2 semaphore(%run_scoped3A : memref<!tpu.dma_semaphore, #tpu.memory_space<semaphore_mem>>) src(%dma_wait3A_117 : memref<160x16xf32, #tpu.memory_space<hbm>>) dst(%dma_wait3A_114 : memref<160x16xf32, #tpu.memory_space<vmem_shared>>)
      tpu.yield
    }) : () -> ()
    %dma_wait3A = arith.constant 0 : i32
    %dma_wait3A_27 = tpu.memref_slice %arg3[%select_n3A, %dma_wait3A] : memref<2668x128xi32, #tpu.memory_space<hbm>> -> memref<104x128xi32, #tpu.memory_space<hbm>>
    %dma_wait3A_28 = arith.constant 0 : i32
    %dma_wait3A_29 = tpu.memref_slice %arg3[%select_n3A, %dma_wait3A_28] : memref<2668x128xi32, #tpu.memory_space<hbm>> -> memref<104x128xi32, #tpu.memory_space<hbm>>
    tpu.wait_dma2 semaphore(%arg12 : memref<!tpu.dma_semaphore, #tpu.memory_space<semaphore_mem>>) src(%dma_wait3A_29 : memref<104x128xi32, #tpu.memory_space<hbm>>) dst(%arg7 : memref<104x128xi32, #tpu.memory_space<vmem>>)
    %dma_wait3A_30 = arith.constant 0 : i32
    %dma_wait3A_31 = tpu.memref_slice %arg4[%select_n3A, %dma_wait3A_30] : memref<2668x128xi32, #tpu.memory_space<hbm>> -> memref<104x128xi32, #tpu.memory_space<hbm>>
    %dma_wait3A_32 = arith.constant 0 : i32
    %dma_wait3A_33 = tpu.memref_slice %arg4[%select_n3A, %dma_wait3A_32] : memref<2668x128xi32, #tpu.memory_space<hbm>> -> memref<104x128xi32, #tpu.memory_space<hbm>>
    tpu.wait_dma2 semaphore(%arg12 : memref<!tpu.dma_semaphore, #tpu.memory_space<semaphore_mem>>) src(%dma_wait3A_33 : memref<104x128xi32, #tpu.memory_space<hbm>>) dst(%arg8 : memref<104x128xi32, #tpu.memory_space<vmem>>)
    %barrier3A = arith.constant 0 : index
    tpu.barrier barrier_id(%barrier3A)
    %dma_start3A_34 = arith.constant 0 : i32
    %dma_start3A_35 = arith.constant 0 : i32
    %dma_start3A_36 = arith.constant 0 : i32
    %dma_start3A_37 = arith.constant 0 : i32
    %dma_start3A_38 = arith.constant 0 : i32
    %dma_start3A_39 = tpu.memref_slice %arg9[%dma_start3A_35, %dma_start3A_37, %dma_start3A_38] : memref<4x128x16xf32, #tpu.memory_space<vmem>> -> memref<1x128x16xf32, #tpu.memory_space<vmem>>
    %dma_start3A_40 = tpu.memref_squeeze %dma_start3A_39 : memref<1x128x16xf32, #tpu.memory_space<vmem>> -> memref<128x16xf32, #tpu.memory_space<vmem>>
    %dma_start3A_41 = arith.constant 0 : i32
    %dma_start3A_42 = tpu.memref_slice %arg7[%dma_start3A_34, %dma_start3A_41] : memref<104x128xi32, #tpu.memory_space<vmem>> -> memref<1x128xi32, #tpu.memory_space<vmem>>
    %dma_start3A_43 = tpu.memref_squeeze %dma_start3A_42 : memref<1x128xi32, #tpu.memory_space<vmem>> -> memref<128xi32, #tpu.memory_space<vmem>>
    %dma_start3A_44 = arith.constant 0 : i32
    %dma_start3A_45 = arith.constant 0 : i32
    %dma_start3A_46 = tpu.memref_slice %arg2[%dma_start3A_44, %dma_start3A_45] : memref<10240x16xf32, #tpu.memory_space<hbm>> -> memref<10240x16xf32, #tpu.memory_space<hbm>>
    %dma_start3A_47 = tpu.memref_slice %arg10[%dma_start3A_36] : memref<4x!tpu.dma_semaphore, #tpu.memory_space<semaphore_mem>> -> memref<1x!tpu.dma_semaphore, #tpu.memory_space<semaphore_mem>>
    %dma_start3A_48 = tpu.memref_squeeze %dma_start3A_47 : memref<1x!tpu.dma_semaphore, #tpu.memory_space<semaphore_mem>> -> memref<!tpu.dma_semaphore, #tpu.memory_space<semaphore_mem>>
    tpu.enqueue_indirect_dma source(%dma_start3A_46 : memref<10240x16xf32, #tpu.memory_space<hbm>>) target(%dma_start3A_40 : memref<128x16xf32, #tpu.memory_space<vmem>>) offsets(%dma_start3A_43 : memref<128xi32, #tpu.memory_space<vmem>>) semaphore(%dma_start3A_48 : memref<!tpu.dma_semaphore, #tpu.memory_space<semaphore_mem>>)
    %dma_start3A_49 = arith.constant 1 : i32
    %dma_start3A_50 = arith.constant 1 : i32
    %dma_start3A_51 = arith.constant 1 : i32
    %dma_start3A_52 = arith.constant 0 : i32
    %dma_start3A_53 = arith.constant 0 : i32
    %dma_start3A_54 = tpu.memref_slice %arg9[%dma_start3A_50, %dma_start3A_52, %dma_start3A_53] : memref<4x128x16xf32, #tpu.memory_space<vmem>> -> memref<1x128x16xf32, #tpu.memory_space<vmem>>
    %dma_start3A_55 = tpu.memref_squeeze %dma_start3A_54 : memref<1x128x16xf32, #tpu.memory_space<vmem>> -> memref<128x16xf32, #tpu.memory_space<vmem>>
    %dma_start3A_56 = arith.constant 0 : i32
    %dma_start3A_57 = tpu.memref_slice %arg7[%dma_start3A_49, %dma_start3A_56] : memref<104x128xi32, #tpu.memory_space<vmem>> -> memref<1x128xi32, #tpu.memory_space<vmem>>
    %dma_start3A_58 = tpu.memref_squeeze %dma_start3A_57 : memref<1x128xi32, #tpu.memory_space<vmem>> -> memref<128xi32, #tpu.memory_space<vmem>>
    %dma_start3A_59 = arith.constant 0 : i32
    %dma_start3A_60 = arith.constant 0 : i32
    %dma_start3A_61 = tpu.memref_slice %arg2[%dma_start3A_59, %dma_start3A_60] : memref<10240x16xf32, #tpu.memory_space<hbm>> -> memref<10240x16xf32, #tpu.memory_space<hbm>>
    %dma_start3A_62 = tpu.memref_slice %arg10[%dma_start3A_51] : memref<4x!tpu.dma_semaphore, #tpu.memory_space<semaphore_mem>> -> memref<1x!tpu.dma_semaphore, #tpu.memory_space<semaphore_mem>>
    %dma_start3A_63 = tpu.memref_squeeze %dma_start3A_62 : memref<1x!tpu.dma_semaphore, #tpu.memory_space<semaphore_mem>> -> memref<!tpu.dma_semaphore, #tpu.memory_space<semaphore_mem>>
    tpu.enqueue_indirect_dma source(%dma_start3A_61 : memref<10240x16xf32, #tpu.memory_space<hbm>>) target(%dma_start3A_55 : memref<128x16xf32, #tpu.memory_space<vmem>>) offsets(%dma_start3A_58 : memref<128xi32, #tpu.memory_space<vmem>>) semaphore(%dma_start3A_63 : memref<!tpu.dma_semaphore, #tpu.memory_space<semaphore_mem>>)
    %dma_start3A_64 = arith.constant 2 : i32
    %dma_start3A_65 = arith.constant 2 : i32
    %dma_start3A_66 = arith.constant 2 : i32
    %dma_start3A_67 = arith.constant 0 : i32
    %dma_start3A_68 = arith.constant 0 : i32
    %dma_start3A_69 = tpu.memref_slice %arg9[%dma_start3A_65, %dma_start3A_67, %dma_start3A_68] : memref<4x128x16xf32, #tpu.memory_space<vmem>> -> memref<1x128x16xf32, #tpu.memory_space<vmem>>
    %dma_start3A_70 = tpu.memref_squeeze %dma_start3A_69 : memref<1x128x16xf32, #tpu.memory_space<vmem>> -> memref<128x16xf32, #tpu.memory_space<vmem>>
    %dma_start3A_71 = arith.constant 0 : i32
    %dma_start3A_72 = tpu.memref_slice %arg7[%dma_start3A_64, %dma_start3A_71] : memref<104x128xi32, #tpu.memory_space<vmem>> -> memref<1x128xi32, #tpu.memory_space<vmem>>
    %dma_start3A_73 = tpu.memref_squeeze %dma_start3A_72 : memref<1x128xi32, #tpu.memory_space<vmem>> -> memref<128xi32, #tpu.memory_space<vmem>>
    %dma_start3A_74 = arith.constant 0 : i32
    %dma_start3A_75 = arith.constant 0 : i32
    %dma_start3A_76 = tpu.memref_slice %arg2[%dma_start3A_74, %dma_start3A_75] : memref<10240x16xf32, #tpu.memory_space<hbm>> -> memref<10240x16xf32, #tpu.memory_space<hbm>>
    %dma_start3A_77 = tpu.memref_slice %arg10[%dma_start3A_66] : memref<4x!tpu.dma_semaphore, #tpu.memory_space<semaphore_mem>> -> memref<1x!tpu.dma_semaphore, #tpu.memory_space<semaphore_mem>>
    %dma_start3A_78 = tpu.memref_squeeze %dma_start3A_77 : memref<1x!tpu.dma_semaphore, #tpu.memory_space<semaphore_mem>> -> memref<!tpu.dma_semaphore, #tpu.memory_space<semaphore_mem>>
    tpu.enqueue_indirect_dma source(%dma_start3A_76 : memref<10240x16xf32, #tpu.memory_space<hbm>>) target(%dma_start3A_70 : memref<128x16xf32, #tpu.memory_space<vmem>>) offsets(%dma_start3A_73 : memref<128xi32, #tpu.memory_space<vmem>>) semaphore(%dma_start3A_78 : memref<!tpu.dma_semaphore, #tpu.memory_space<semaphore_mem>>)
    %dma_start3A_79 = arith.constant 3 : i32
    %dma_start3A_80 = arith.constant 3 : i32
    %dma_start3A_81 = arith.constant 3 : i32
    %dma_start3A_82 = arith.constant 0 : i32
    %dma_start3A_83 = arith.constant 0 : i32
    %dma_start3A_84 = tpu.memref_slice %arg9[%dma_start3A_80, %dma_start3A_82, %dma_start3A_83] : memref<4x128x16xf32, #tpu.memory_space<vmem>> -> memref<1x128x16xf32, #tpu.memory_space<vmem>>
    %dma_start3A_85 = tpu.memref_squeeze %dma_start3A_84 : memref<1x128x16xf32, #tpu.memory_space<vmem>> -> memref<128x16xf32, #tpu.memory_space<vmem>>
    %dma_start3A_86 = arith.constant 0 : i32
    %dma_start3A_87 = tpu.memref_slice %arg7[%dma_start3A_79, %dma_start3A_86] : memref<104x128xi32, #tpu.memory_space<vmem>> -> memref<1x128xi32, #tpu.memory_space<vmem>>
    %dma_start3A_88 = tpu.memref_squeeze %dma_start3A_87 : memref<1x128xi32, #tpu.memory_space<vmem>> -> memref<128xi32, #tpu.memory_space<vmem>>
    %dma_start3A_89 = arith.constant 0 : i32
    %dma_start3A_90 = arith.constant 0 : i32
    %dma_start3A_91 = tpu.memref_slice %arg2[%dma_start3A_89, %dma_start3A_90] : memref<10240x16xf32, #tpu.memory_space<hbm>> -> memref<10240x16xf32, #tpu.memory_space<hbm>>
    %dma_start3A_92 = tpu.memref_slice %arg10[%dma_start3A_81] : memref<4x!tpu.dma_semaphore, #tpu.memory_space<semaphore_mem>> -> memref<1x!tpu.dma_semaphore, #tpu.memory_space<semaphore_mem>>
    %dma_start3A_93 = tpu.memref_squeeze %dma_start3A_92 : memref<1x!tpu.dma_semaphore, #tpu.memory_space<semaphore_mem>> -> memref<!tpu.dma_semaphore, #tpu.memory_space<semaphore_mem>>
    tpu.enqueue_indirect_dma source(%dma_start3A_91 : memref<10240x16xf32, #tpu.memory_space<hbm>>) target(%dma_start3A_85 : memref<128x16xf32, #tpu.memory_space<vmem>>) offsets(%dma_start3A_88 : memref<128xi32, #tpu.memory_space<vmem>>) semaphore(%dma_start3A_93 : memref<!tpu.dma_semaphore, #tpu.memory_space<semaphore_mem>>)
    %while3A = arith.constant 0 : i32
    %while3A_94 = arith.constant 0 : i32
    %while3A_95 = arith.subi %select_n3A_13, %while3A_94 : i32
    %while3A_96 = arith.addi %while3A_94, %while3A_95 : i32
    %while3A_97 = arith.constant 1 : i32
    %while3A_98 = arith.divsi %while3A_95, %while3A_97 : i32
    %while3A_99 = arith.muli %while3A_98, %while3A_97 : i32
    %while3A_100 = arith.addi %while3A_94, %while3A_99 : i32
    %while3A_101 = arith.constant 1 : i32
    scf.for %while3A_108 = %while3A_94 to %while3A_100 step %while3A_101  : i32 {
      %mul3A_109 = arith.constant 4 : i32
      %mul3A_110 = arith.muli %while3A_108, %mul3A_109 : i32
      %add3A_111 = arith.constant 0 : i32
      %add3A_112 = arith.addi %mul3A_110, %add3A_111 : i32
      %dma_wait3A_113 = arith.constant 0 : i32
      %dma_wait3A_114 = arith.constant 0 : i32
      %dma_wait3A_115 = arith.constant 0 : i32
      %dma_wait3A_116 = arith.constant 0 : i32
      %dma_wait3A_117 = arith.constant 0 : i32
      %dma_wait3A_118 = tpu.memref_slice %arg9[%dma_wait3A_114, %dma_wait3A_116, %dma_wait3A_117] : memref<4x128x16xf32, #tpu.memory_space<vmem>> -> memref<1x128x16xf32, #tpu.memory_space<vmem>>
      %dma_wait3A_119 = tpu.memref_squeeze %dma_wait3A_118 : memref<1x128x16xf32, #tpu.memory_space<vmem>> -> memref<128x16xf32, #tpu.memory_space<vmem>>
      %dma_wait3A_120 = arith.constant 0 : i32
      %dma_wait3A_121 = tpu.memref_slice %arg7[%dma_wait3A_113, %dma_wait3A_120] : memref<104x128xi32, #tpu.memory_space<vmem>> -> memref<1x128xi32, #tpu.memory_space<vmem>>
      %dma_wait3A_122 = tpu.memref_squeeze %dma_wait3A_121 : memref<1x128xi32, #tpu.memory_space<vmem>> -> memref<128xi32, #tpu.memory_space<vmem>>
      %dma_wait3A_123 = arith.constant 0 : i32
      %dma_wait3A_124 = arith.constant 0 : i32
      %dma_wait3A_125 = tpu.memref_slice %arg2[%dma_wait3A_123, %dma_wait3A_124] : memref<10240x16xf32, #tpu.memory_space<hbm>> -> memref<10240x16xf32, #tpu.memory_space<hbm>>
      %dma_wait3A_126 = tpu.memref_slice %arg10[%dma_wait3A_115] : memref<4x!tpu.dma_semaphore, #tpu.memory_space<semaphore_mem>> -> memref<1x!tpu.dma_semaphore, #tpu.memory_space<semaphore_mem>>
      %dma_wait3A_127 = tpu.memref_squeeze %dma_wait3A_126 : memref<1x!tpu.dma_semaphore, #tpu.memory_space<semaphore_mem>> -> memref<!tpu.dma_semaphore, #tpu.memory_space<semaphore_mem>>
      tpu.wait_indirect_dma semaphore(%dma_wait3A_127 : memref<!tpu.dma_semaphore, #tpu.memory_space<semaphore_mem>>) src(%dma_wait3A_125 : memref<10240x16xf32, #tpu.memory_space<hbm>>) dst(%dma_wait3A_119 : memref<128x16xf32, #tpu.memory_space<vmem>>)
      %dma_start3A_128 = arith.constant 0 : i32
      %dma_start3A_129 = arith.constant 0 : i32
      %dma_start3A_130 = arith.constant 0 : i32
      %dma_start3A_131 = arith.constant 0 : i32
      %dma_start3A_132 = tpu.memref_slice %arg9[%dma_start3A_128, %dma_start3A_130, %dma_start3A_131] : memref<4x128x16xf32, #tpu.memory_space<vmem>> -> memref<1x128x16xf32, #tpu.memory_space<vmem>>
      %dma_start3A_133 = tpu.memref_squeeze %dma_start3A_132 : memref<1x128x16xf32, #tpu.memory_space<vmem>> -> memref<128x16xf32, #tpu.memory_space<vmem>>
      %dma_start3A_134 = arith.constant 0 : i32
      %dma_start3A_135 = tpu.memref_slice %arg8[%add3A_112, %dma_start3A_134] : memref<104x128xi32, #tpu.memory_space<vmem>> -> memref<1x128xi32, #tpu.memory_space<vmem>>
      %dma_start3A_136 = tpu.memref_squeeze %dma_start3A_135 : memref<1x128xi32, #tpu.memory_space<vmem>> -> memref<128xi32, #tpu.memory_space<vmem>>
      %dma_start3A_137 = arith.constant 0 : i32
      %dma_start3A_138 = arith.constant 0 : i32
      %dma_start3A_139 = tpu.memref_slice %arg6[%dma_start3A_137, %dma_start3A_138] : memref<10240x16xf32, #tpu.memory_space<vmem_shared>> -> memref<10240x16xf32, #tpu.memory_space<vmem_shared>>
      %dma_start3A_140 = tpu.memref_slice %arg11[%dma_start3A_129] : memref<4x!tpu.dma_semaphore, #tpu.memory_space<semaphore_mem>> -> memref<1x!tpu.dma_semaphore, #tpu.memory_space<semaphore_mem>>
      %dma_start3A_141 = tpu.memref_squeeze %dma_start3A_140 : memref<1x!tpu.dma_semaphore, #tpu.memory_space<semaphore_mem>> -> memref<!tpu.dma_semaphore, #tpu.memory_space<semaphore_mem>>
      tpu.enqueue_indirect_dma source(%dma_start3A_133 : memref<128x16xf32, #tpu.memory_space<vmem>>) target(%dma_start3A_139 : memref<10240x16xf32, #tpu.memory_space<vmem_shared>>) offsets(%dma_start3A_136 : memref<128xi32, #tpu.memory_space<vmem>>) semaphore(%dma_start3A_141 : memref<!tpu.dma_semaphore, #tpu.memory_space<semaphore_mem>>) {add = true}
      %mul3A_142 = arith.constant 4 : i32
      %mul3A_143 = arith.muli %while3A_108, %mul3A_142 : i32
      %add3A_144 = arith.constant 1 : i32
      %add3A_145 = arith.addi %mul3A_143, %add3A_144 : i32
      %dma_wait3A_146 = arith.constant 1 : i32
      %dma_wait3A_147 = arith.constant 1 : i32
      %dma_wait3A_148 = arith.constant 1 : i32
      %dma_wait3A_149 = arith.constant 0 : i32
      %dma_wait3A_150 = arith.constant 0 : i32
      %dma_wait3A_151 = tpu.memref_slice %arg9[%dma_wait3A_147, %dma_wait3A_149, %dma_wait3A_150] : memref<4x128x16xf32, #tpu.memory_space<vmem>> -> memref<1x128x16xf32, #tpu.memory_space<vmem>>
      %dma_wait3A_152 = tpu.memref_squeeze %dma_wait3A_151 : memref<1x128x16xf32, #tpu.memory_space<vmem>> -> memref<128x16xf32, #tpu.memory_space<vmem>>
      %dma_wait3A_153 = arith.constant 0 : i32
      %dma_wait3A_154 = tpu.memref_slice %arg7[%dma_wait3A_146, %dma_wait3A_153] : memref<104x128xi32, #tpu.memory_space<vmem>> -> memref<1x128xi32, #tpu.memory_space<vmem>>
      %dma_wait3A_155 = tpu.memref_squeeze %dma_wait3A_154 : memref<1x128xi32, #tpu.memory_space<vmem>> -> memref<128xi32, #tpu.memory_space<vmem>>
      %dma_wait3A_156 = arith.constant 0 : i32
      %dma_wait3A_157 = arith.constant 0 : i32
      %dma_wait3A_158 = tpu.memref_slice %arg2[%dma_wait3A_156, %dma_wait3A_157] : memref<10240x16xf32, #tpu.memory_space<hbm>> -> memref<10240x16xf32, #tpu.memory_space<hbm>>
      %dma_wait3A_159 = tpu.memref_slice %arg10[%dma_wait3A_148] : memref<4x!tpu.dma_semaphore, #tpu.memory_space<semaphore_mem>> -> memref<1x!tpu.dma_semaphore, #tpu.memory_space<semaphore_mem>>
      %dma_wait3A_160 = tpu.memref_squeeze %dma_wait3A_159 : memref<1x!tpu.dma_semaphore, #tpu.memory_space<semaphore_mem>> -> memref<!tpu.dma_semaphore, #tpu.memory_space<semaphore_mem>>
      tpu.wait_indirect_dma semaphore(%dma_wait3A_160 : memref<!tpu.dma_semaphore, #tpu.memory_space<semaphore_mem>>) src(%dma_wait3A_158 : memref<10240x16xf32, #tpu.memory_space<hbm>>) dst(%dma_wait3A_152 : memref<128x16xf32, #tpu.memory_space<vmem>>)
      %dma_start3A_161 = arith.constant 1 : i32
      %dma_start3A_162 = arith.constant 1 : i32
      %dma_start3A_163 = arith.constant 0 : i32
      %dma_start3A_164 = arith.constant 0 : i32
      %dma_start3A_165 = tpu.memref_slice %arg9[%dma_start3A_161, %dma_start3A_163, %dma_start3A_164] : memref<4x128x16xf32, #tpu.memory_space<vmem>> -> memref<1x128x16xf32, #tpu.memory_space<vmem>>
      %dma_start3A_166 = tpu.memref_squeeze %dma_start3A_165 : memref<1x128x16xf32, #tpu.memory_space<vmem>> -> memref<128x16xf32, #tpu.memory_space<vmem>>
      %dma_start3A_167 = arith.constant 0 : i32
      %dma_start3A_168 = tpu.memref_slice %arg8[%add3A_145, %dma_start3A_167] : memref<104x128xi32, #tpu.memory_space<vmem>> -> memref<1x128xi32, #tpu.memory_space<vmem>>
      %dma_start3A_169 = tpu.memref_squeeze %dma_start3A_168 : memref<1x128xi32, #tpu.memory_space<vmem>> -> memref<128xi32, #tpu.memory_space<vmem>>
      %dma_start3A_170 = arith.constant 0 : i32
      %dma_start3A_171 = arith.constant 0 : i32
      %dma_start3A_172 = tpu.memref_slice %arg6[%dma_start3A_170, %dma_start3A_171] : memref<10240x16xf32, #tpu.memory_space<vmem_shared>> -> memref<10240x16xf32, #tpu.memory_space<vmem_shared>>
      %dma_start3A_173 = tpu.memref_slice %arg11[%dma_start3A_162] : memref<4x!tpu.dma_semaphore, #tpu.memory_space<semaphore_mem>> -> memref<1x!tpu.dma_semaphore, #tpu.memory_space<semaphore_mem>>
      %dma_start3A_174 = tpu.memref_squeeze %dma_start3A_173 : memref<1x!tpu.dma_semaphore, #tpu.memory_space<semaphore_mem>> -> memref<!tpu.dma_semaphore, #tpu.memory_space<semaphore_mem>>
      tpu.enqueue_indirect_dma source(%dma_start3A_166 : memref<128x16xf32, #tpu.memory_space<vmem>>) target(%dma_start3A_172 : memref<10240x16xf32, #tpu.memory_space<vmem_shared>>) offsets(%dma_start3A_169 : memref<128xi32, #tpu.memory_space<vmem>>) semaphore(%dma_start3A_174 : memref<!tpu.dma_semaphore, #tpu.memory_space<semaphore_mem>>) {add = true}
      %mul3A_175 = arith.constant 4 : i32
      %mul3A_176 = arith.muli %while3A_108, %mul3A_175 : i32
      %add3A_177 = arith.constant 2 : i32
      %add3A_178 = arith.addi %mul3A_176, %add3A_177 : i32
      %dma_wait3A_179 = arith.constant 2 : i32
      %dma_wait3A_180 = arith.constant 2 : i32
      %dma_wait3A_181 = arith.constant 2 : i32
      %dma_wait3A_182 = arith.constant 0 : i32
      %dma_wait3A_183 = arith.constant 0 : i32
      %dma_wait3A_184 = tpu.memref_slice %arg9[%dma_wait3A_180, %dma_wait3A_182, %dma_wait3A_183] : memref<4x128x16xf32, #tpu.memory_space<vmem>> -> memref<1x128x16xf32, #tpu.memory_space<vmem>>
      %dma_wait3A_185 = tpu.memref_squeeze %dma_wait3A_184 : memref<1x128x16xf32, #tpu.memory_space<vmem>> -> memref<128x16xf32, #tpu.memory_space<vmem>>
      %dma_wait3A_186 = arith.constant 0 : i32
      %dma_wait3A_187 = tpu.memref_slice %arg7[%dma_wait3A_179, %dma_wait3A_186] : memref<104x128xi32, #tpu.memory_space<vmem>> -> memref<1x128xi32, #tpu.memory_space<vmem>>
      %dma_wait3A_188 = tpu.memref_squeeze %dma_wait3A_187 : memref<1x128xi32, #tpu.memory_space<vmem>> -> memref<128xi32, #tpu.memory_space<vmem>>
      %dma_wait3A_189 = arith.constant 0 : i32
      %dma_wait3A_190 = arith.constant 0 : i32
      %dma_wait3A_191 = tpu.memref_slice %arg2[%dma_wait3A_189, %dma_wait3A_190] : memref<10240x16xf32, #tpu.memory_space<hbm>> -> memref<10240x16xf32, #tpu.memory_space<hbm>>
      %dma_wait3A_192 = tpu.memref_slice %arg10[%dma_wait3A_181] : memref<4x!tpu.dma_semaphore, #tpu.memory_space<semaphore_mem>> -> memref<1x!tpu.dma_semaphore, #tpu.memory_space<semaphore_mem>>
      %dma_wait3A_193 = tpu.memref_squeeze %dma_wait3A_192 : memref<1x!tpu.dma_semaphore, #tpu.memory_space<semaphore_mem>> -> memref<!tpu.dma_semaphore, #tpu.memory_space<semaphore_mem>>
      tpu.wait_indirect_dma semaphore(%dma_wait3A_193 : memref<!tpu.dma_semaphore, #tpu.memory_space<semaphore_mem>>) src(%dma_wait3A_191 : memref<10240x16xf32, #tpu.memory_space<hbm>>) dst(%dma_wait3A_185 : memref<128x16xf32, #tpu.memory_space<vmem>>)
      %dma_start3A_194 = arith.constant 2 : i32
      %dma_start3A_195 = arith.constant 2 : i32
      %dma_start3A_196 = arith.constant 0 : i32
      %dma_start3A_197 = arith.constant 0 : i32
      %dma_start3A_198 = tpu.memref_slice %arg9[%dma_start3A_194, %dma_start3A_196, %dma_start3A_197] : memref<4x128x16xf32, #tpu.memory_space<vmem>> -> memref<1x128x16xf32, #tpu.memory_space<vmem>>
      %dma_start3A_199 = tpu.memref_squeeze %dma_start3A_198 : memref<1x128x16xf32, #tpu.memory_space<vmem>> -> memref<128x16xf32, #tpu.memory_space<vmem>>
      %dma_start3A_200 = arith.constant 0 : i32
      %dma_start3A_201 = tpu.memref_slice %arg8[%add3A_178, %dma_start3A_200] : memref<104x128xi32, #tpu.memory_space<vmem>> -> memref<1x128xi32, #tpu.memory_space<vmem>>
      %dma_start3A_202 = tpu.memref_squeeze %dma_start3A_201 : memref<1x128xi32, #tpu.memory_space<vmem>> -> memref<128xi32, #tpu.memory_space<vmem>>
      %dma_start3A_203 = arith.constant 0 : i32
      %dma_start3A_204 = arith.constant 0 : i32
      %dma_start3A_205 = tpu.memref_slice %arg6[%dma_start3A_203, %dma_start3A_204] : memref<10240x16xf32, #tpu.memory_space<vmem_shared>> -> memref<10240x16xf32, #tpu.memory_space<vmem_shared>>
      %dma_start3A_206 = tpu.memref_slice %arg11[%dma_start3A_195] : memref<4x!tpu.dma_semaphore, #tpu.memory_space<semaphore_mem>> -> memref<1x!tpu.dma_semaphore, #tpu.memory_space<semaphore_mem>>
      %dma_start3A_207 = tpu.memref_squeeze %dma_start3A_206 : memref<1x!tpu.dma_semaphore, #tpu.memory_space<semaphore_mem>> -> memref<!tpu.dma_semaphore, #tpu.memory_space<semaphore_mem>>
      tpu.enqueue_indirect_dma source(%dma_start3A_199 : memref<128x16xf32, #tpu.memory_space<vmem>>) target(%dma_start3A_205 : memref<10240x16xf32, #tpu.memory_space<vmem_shared>>) offsets(%dma_start3A_202 : memref<128xi32, #tpu.memory_space<vmem>>) semaphore(%dma_start3A_207 : memref<!tpu.dma_semaphore, #tpu.memory_space<semaphore_mem>>) {add = true}
      %mul3A_208 = arith.constant 4 : i32
      %mul3A_209 = arith.muli %while3A_108, %mul3A_208 : i32
      %add3A_210 = arith.constant 3 : i32
      %add3A_211 = arith.addi %mul3A_209, %add3A_210 : i32
      %dma_wait3A_212 = arith.constant 3 : i32
      %dma_wait3A_213 = arith.constant 3 : i32
      %dma_wait3A_214 = arith.constant 3 : i32
      %dma_wait3A_215 = arith.constant 0 : i32
      %dma_wait3A_216 = arith.constant 0 : i32
      %dma_wait3A_217 = tpu.memref_slice %arg9[%dma_wait3A_213, %dma_wait3A_215, %dma_wait3A_216] : memref<4x128x16xf32, #tpu.memory_space<vmem>> -> memref<1x128x16xf32, #tpu.memory_space<vmem>>
      %dma_wait3A_218 = tpu.memref_squeeze %dma_wait3A_217 : memref<1x128x16xf32, #tpu.memory_space<vmem>> -> memref<128x16xf32, #tpu.memory_space<vmem>>
      %dma_wait3A_219 = arith.constant 0 : i32
      %dma_wait3A_220 = tpu.memref_slice %arg7[%dma_wait3A_212, %dma_wait3A_219] : memref<104x128xi32, #tpu.memory_space<vmem>> -> memref<1x128xi32, #tpu.memory_space<vmem>>
      %dma_wait3A_221 = tpu.memref_squeeze %dma_wait3A_220 : memref<1x128xi32, #tpu.memory_space<vmem>> -> memref<128xi32, #tpu.memory_space<vmem>>
      %dma_wait3A_222 = arith.constant 0 : i32
      %dma_wait3A_223 = arith.constant 0 : i32
      %dma_wait3A_224 = tpu.memref_slice %arg2[%dma_wait3A_222, %dma_wait3A_223] : memref<10240x16xf32, #tpu.memory_space<hbm>> -> memref<10240x16xf32, #tpu.memory_space<hbm>>
      %dma_wait3A_225 = tpu.memref_slice %arg10[%dma_wait3A_214] : memref<4x!tpu.dma_semaphore, #tpu.memory_space<semaphore_mem>> -> memref<1x!tpu.dma_semaphore, #tpu.memory_space<semaphore_mem>>
      %dma_wait3A_226 = tpu.memref_squeeze %dma_wait3A_225 : memref<1x!tpu.dma_semaphore, #tpu.memory_space<semaphore_mem>> -> memref<!tpu.dma_semaphore, #tpu.memory_space<semaphore_mem>>
      tpu.wait_indirect_dma semaphore(%dma_wait3A_226 : memref<!tpu.dma_semaphore, #tpu.memory_space<semaphore_mem>>) src(%dma_wait3A_224 : memref<10240x16xf32, #tpu.memory_space<hbm>>) dst(%dma_wait3A_218 : memref<128x16xf32, #tpu.memory_space<vmem>>)
      %dma_start3A_227 = arith.constant 3 : i32
      %dma_start3A_228 = arith.constant 3 : i32
      %dma_start3A_229 = arith.constant 0 : i32
      %dma_start3A_230 = arith.constant 0 : i32
      %dma_start3A_231 = tpu.memref_slice %arg9[%dma_start3A_227, %dma_start3A_229, %dma_start3A_230] : memref<4x128x16xf32, #tpu.memory_space<vmem>> -> memref<1x128x16xf32, #tpu.memory_space<vmem>>
      %dma_start3A_232 = tpu.memref_squeeze %dma_start3A_231 : memref<1x128x16xf32, #tpu.memory_space<vmem>> -> memref<128x16xf32, #tpu.memory_space<vmem>>
      %dma_start3A_233 = arith.constant 0 : i32
      %dma_start3A_234 = tpu.memref_slice %arg8[%add3A_211, %dma_start3A_233] : memref<104x128xi32, #tpu.memory_space<vmem>> -> memref<1x128xi32, #tpu.memory_space<vmem>>
      %dma_start3A_235 = tpu.memref_squeeze %dma_start3A_234 : memref<1x128xi32, #tpu.memory_space<vmem>> -> memref<128xi32, #tpu.memory_space<vmem>>
      %dma_start3A_236 = arith.constant 0 : i32
      %dma_start3A_237 = arith.constant 0 : i32
      %dma_start3A_238 = tpu.memref_slice %arg6[%dma_start3A_236, %dma_start3A_237] : memref<10240x16xf32, #tpu.memory_space<vmem_shared>> -> memref<10240x16xf32, #tpu.memory_space<vmem_shared>>
      %dma_start3A_239 = tpu.memref_slice %arg11[%dma_start3A_228] : memref<4x!tpu.dma_semaphore, #tpu.memory_space<semaphore_mem>> -> memref<1x!tpu.dma_semaphore, #tpu.memory_space<semaphore_mem>>
      %dma_start3A_240 = tpu.memref_squeeze %dma_start3A_239 : memref<1x!tpu.dma_semaphore, #tpu.memory_space<semaphore_mem>> -> memref<!tpu.dma_semaphore, #tpu.memory_space<semaphore_mem>>
      tpu.enqueue_indirect_dma source(%dma_start3A_232 : memref<128x16xf32, #tpu.memory_space<vmem>>) target(%dma_start3A_238 : memref<10240x16xf32, #tpu.memory_space<vmem_shared>>) offsets(%dma_start3A_235 : memref<128xi32, #tpu.memory_space<vmem>>) semaphore(%dma_start3A_240 : memref<!tpu.dma_semaphore, #tpu.memory_space<semaphore_mem>>) {add = true}
      %mul3A_241 = arith.constant 4 : i32
      %mul3A_242 = arith.muli %while3A_108, %mul3A_241 : i32
      %add3A_243 = arith.constant 0 : i32
      %add3A_244 = arith.addi %mul3A_242, %add3A_243 : i32
      %add3A_245 = arith.constant 4 : i32
      %add3A_246 = arith.addi %add3A_244, %add3A_245 : i32
      %dma_wait3A_247 = arith.constant 0 : i32
      %dma_wait3A_248 = arith.constant 0 : i32
      %dma_wait3A_249 = arith.constant 0 : i32
      %dma_wait3A_250 = arith.constant 0 : i32
      %dma_wait3A_251 = arith.constant 0 : i32
      %dma_wait3A_252 = tpu.memref_slice %arg9[%dma_wait3A_247, %dma_wait3A_250, %dma_wait3A_251] : memref<4x128x16xf32, #tpu.memory_space<vmem>> -> memref<1x128x16xf32, #tpu.memory_space<vmem>>
      %dma_wait3A_253 = tpu.memref_squeeze %dma_wait3A_252 : memref<1x128x16xf32, #tpu.memory_space<vmem>> -> memref<128x16xf32, #tpu.memory_space<vmem>>
      %dma_wait3A_254 = arith.constant 0 : i32
      %dma_wait3A_255 = tpu.memref_slice %arg8[%dma_wait3A_248, %dma_wait3A_254] : memref<104x128xi32, #tpu.memory_space<vmem>> -> memref<1x128xi32, #tpu.memory_space<vmem>>
      %dma_wait3A_256 = tpu.memref_squeeze %dma_wait3A_255 : memref<1x128xi32, #tpu.memory_space<vmem>> -> memref<128xi32, #tpu.memory_space<vmem>>
      %dma_wait3A_257 = arith.constant 0 : i32
      %dma_wait3A_258 = arith.constant 0 : i32
      %dma_wait3A_259 = tpu.memref_slice %arg6[%dma_wait3A_257, %dma_wait3A_258] : memref<10240x16xf32, #tpu.memory_space<vmem_shared>> -> memref<10240x16xf32, #tpu.memory_space<vmem_shared>>
      %dma_wait3A_260 = tpu.memref_slice %arg11[%dma_wait3A_249] : memref<4x!tpu.dma_semaphore, #tpu.memory_space<semaphore_mem>> -> memref<1x!tpu.dma_semaphore, #tpu.memory_space<semaphore_mem>>
      %dma_wait3A_261 = tpu.memref_squeeze %dma_wait3A_260 : memref<1x!tpu.dma_semaphore, #tpu.memory_space<semaphore_mem>> -> memref<!tpu.dma_semaphore, #tpu.memory_space<semaphore_mem>>
      tpu.wait_indirect_dma semaphore(%dma_wait3A_261 : memref<!tpu.dma_semaphore, #tpu.memory_space<semaphore_mem>>) src(%dma_wait3A_253 : memref<128x16xf32, #tpu.memory_space<vmem>>) dst(%dma_wait3A_259 : memref<10240x16xf32, #tpu.memory_space<vmem_shared>>)
      %lt3A = arith.cmpi slt, %add3A_246, %select_n3A_8 : i32
      %convert_element_type3A = arith.extui %lt3A : i1 to i32
      %cond3A = arith.constant 0 : i32
      %cond3A_262 = arith.cmpi ne, %convert_element_type3A, %cond3A : i32
      scf.if %cond3A_262 {
        %dma_start3A_338 = arith.constant 0 : i32
        %dma_start3A_339 = arith.constant 0 : i32
        %dma_start3A_340 = arith.constant 0 : i32
        %dma_start3A_341 = arith.constant 0 : i32
        %dma_start3A_342 = tpu.memref_slice %arg9[%dma_start3A_338, %dma_start3A_340, %dma_start3A_341] : memref<4x128x16xf32, #tpu.memory_space<vmem>> -> memref<1x128x16xf32, #tpu.memory_space<vmem>>
        %dma_start3A_343 = tpu.memref_squeeze %dma_start3A_342 : memref<1x128x16xf32, #tpu.memory_space<vmem>> -> memref<128x16xf32, #tpu.memory_space<vmem>>
        %dma_start3A_344 = arith.constant 0 : i32
        %dma_start3A_345 = tpu.memref_slice %arg7[%add3A_246, %dma_start3A_344] : memref<104x128xi32, #tpu.memory_space<vmem>> -> memref<1x128xi32, #tpu.memory_space<vmem>>
        %dma_start3A_346 = tpu.memref_squeeze %dma_start3A_345 : memref<1x128xi32, #tpu.memory_space<vmem>> -> memref<128xi32, #tpu.memory_space<vmem>>
        %dma_start3A_347 = arith.constant 0 : i32
        %dma_start3A_348 = arith.constant 0 : i32
        %dma_start3A_349 = tpu.memref_slice %arg2[%dma_start3A_347, %dma_start3A_348] : memref<10240x16xf32, #tpu.memory_space<hbm>> -> memref<10240x16xf32, #tpu.memory_space<hbm>>
        %dma_start3A_350 = tpu.memref_slice %arg10[%dma_start3A_339] : memref<4x!tpu.dma_semaphore, #tpu.memory_space<semaphore_mem>> -> memref<1x!tpu.dma_semaphore, #tpu.memory_space<semaphore_mem>>
        %dma_start3A_351 = tpu.memref_squeeze %dma_start3A_350 : memref<1x!tpu.dma_semaphore, #tpu.memory_space<semaphore_mem>> -> memref<!tpu.dma_semaphore, #tpu.memory_space<semaphore_mem>>
        tpu.enqueue_indirect_dma source(%dma_start3A_349 : memref<10240x16xf32, #tpu.memory_space<hbm>>) target(%dma_start3A_343 : memref<128x16xf32, #tpu.memory_space<vmem>>) offsets(%dma_start3A_346 : memref<128xi32, #tpu.memory_space<vmem>>) semaphore(%dma_start3A_351 : memref<!tpu.dma_semaphore, #tpu.memory_space<semaphore_mem>>)
      } else {
      }
      %mul3A_263 = arith.constant 4 : i32
      %mul3A_264 = arith.muli %while3A_108, %mul3A_263 : i32
      %add3A_265 = arith.constant 1 : i32
      %add3A_266 = arith.addi %mul3A_264, %add3A_265 : i32
      %add3A_267 = arith.constant 4 : i32
      %add3A_268 = arith.addi %add3A_266, %add3A_267 : i32
      %dma_wait3A_269 = arith.constant 1 : i32
      %dma_wait3A_270 = arith.constant 1 : i32
      %dma_wait3A_271 = arith.constant 1 : i32
      %dma_wait3A_272 = arith.constant 0 : i32
      %dma_wait3A_273 = arith.constant 0 : i32
      %dma_wait3A_274 = tpu.memref_slice %arg9[%dma_wait3A_269, %dma_wait3A_272, %dma_wait3A_273] : memref<4x128x16xf32, #tpu.memory_space<vmem>> -> memref<1x128x16xf32, #tpu.memory_space<vmem>>
      %dma_wait3A_275 = tpu.memref_squeeze %dma_wait3A_274 : memref<1x128x16xf32, #tpu.memory_space<vmem>> -> memref<128x16xf32, #tpu.memory_space<vmem>>
      %dma_wait3A_276 = arith.constant 0 : i32
      %dma_wait3A_277 = tpu.memref_slice %arg8[%dma_wait3A_270, %dma_wait3A_276] : memref<104x128xi32, #tpu.memory_space<vmem>> -> memref<1x128xi32, #tpu.memory_space<vmem>>
      %dma_wait3A_278 = tpu.memref_squeeze %dma_wait3A_277 : memref<1x128xi32, #tpu.memory_space<vmem>> -> memref<128xi32, #tpu.memory_space<vmem>>
      %dma_wait3A_279 = arith.constant 0 : i32
      %dma_wait3A_280 = arith.constant 0 : i32
      %dma_wait3A_281 = tpu.memref_slice %arg6[%dma_wait3A_279, %dma_wait3A_280] : memref<10240x16xf32, #tpu.memory_space<vmem_shared>> -> memref<10240x16xf32, #tpu.memory_space<vmem_shared>>
      %dma_wait3A_282 = tpu.memref_slice %arg11[%dma_wait3A_271] : memref<4x!tpu.dma_semaphore, #tpu.memory_space<semaphore_mem>> -> memref<1x!tpu.dma_semaphore, #tpu.memory_space<semaphore_mem>>
      %dma_wait3A_283 = tpu.memref_squeeze %dma_wait3A_282 : memref<1x!tpu.dma_semaphore, #tpu.memory_space<semaphore_mem>> -> memref<!tpu.dma_semaphore, #tpu.memory_space<semaphore_mem>>
      tpu.wait_indirect_dma semaphore(%dma_wait3A_283 : memref<!tpu.dma_semaphore, #tpu.memory_space<semaphore_mem>>) src(%dma_wait3A_275 : memref<128x16xf32, #tpu.memory_space<vmem>>) dst(%dma_wait3A_281 : memref<10240x16xf32, #tpu.memory_space<vmem_shared>>)
      %lt3A_284 = arith.cmpi slt, %add3A_268, %select_n3A_8 : i32
      %convert_element_type3A_285 = arith.extui %lt3A_284 : i1 to i32
      %cond3A_286 = arith.constant 0 : i32
      %cond3A_287 = arith.cmpi ne, %convert_element_type3A_285, %cond3A_286 : i32
      scf.if %cond3A_287 {
        %dma_start3A_338 = arith.constant 1 : i32
        %dma_start3A_339 = arith.constant 1 : i32
        %dma_start3A_340 = arith.constant 0 : i32
        %dma_start3A_341 = arith.constant 0 : i32
        %dma_start3A_342 = tpu.memref_slice %arg9[%dma_start3A_338, %dma_start3A_340, %dma_start3A_341] : memref<4x128x16xf32, #tpu.memory_space<vmem>> -> memref<1x128x16xf32, #tpu.memory_space<vmem>>
        %dma_start3A_343 = tpu.memref_squeeze %dma_start3A_342 : memref<1x128x16xf32, #tpu.memory_space<vmem>> -> memref<128x16xf32, #tpu.memory_space<vmem>>
        %dma_start3A_344 = arith.constant 0 : i32
        %dma_start3A_345 = tpu.memref_slice %arg7[%add3A_268, %dma_start3A_344] : memref<104x128xi32, #tpu.memory_space<vmem>> -> memref<1x128xi32, #tpu.memory_space<vmem>>
        %dma_start3A_346 = tpu.memref_squeeze %dma_start3A_345 : memref<1x128xi32, #tpu.memory_space<vmem>> -> memref<128xi32, #tpu.memory_space<vmem>>
        %dma_start3A_347 = arith.constant 0 : i32
        %dma_start3A_348 = arith.constant 0 : i32
        %dma_start3A_349 = tpu.memref_slice %arg2[%dma_start3A_347, %dma_start3A_348] : memref<10240x16xf32, #tpu.memory_space<hbm>> -> memref<10240x16xf32, #tpu.memory_space<hbm>>
        %dma_start3A_350 = tpu.memref_slice %arg10[%dma_start3A_339] : memref<4x!tpu.dma_semaphore, #tpu.memory_space<semaphore_mem>> -> memref<1x!tpu.dma_semaphore, #tpu.memory_space<semaphore_mem>>
        %dma_start3A_351 = tpu.memref_squeeze %dma_start3A_350 : memref<1x!tpu.dma_semaphore, #tpu.memory_space<semaphore_mem>> -> memref<!tpu.dma_semaphore, #tpu.memory_space<semaphore_mem>>
        tpu.enqueue_indirect_dma source(%dma_start3A_349 : memref<10240x16xf32, #tpu.memory_space<hbm>>) target(%dma_start3A_343 : memref<128x16xf32, #tpu.memory_space<vmem>>) offsets(%dma_start3A_346 : memref<128xi32, #tpu.memory_space<vmem>>) semaphore(%dma_start3A_351 : memref<!tpu.dma_semaphore, #tpu.memory_space<semaphore_mem>>)
      } else {
      }
      %mul3A_288 = arith.constant 4 : i32
      %mul3A_289 = arith.muli %while3A_108, %mul3A_288 : i32
      %add3A_290 = arith.constant 2 : i32
      %add3A_291 = arith.addi %mul3A_289, %add3A_290 : i32
      %add3A_292 = arith.constant 4 : i32
      %add3A_293 = arith.addi %add3A_291, %add3A_292 : i32
      %dma_wait3A_294 = arith.constant 2 : i32
      %dma_wait3A_295 = arith.constant 2 : i32
      %dma_wait3A_296 = arith.constant 2 : i32
      %dma_wait3A_297 = arith.constant 0 : i32
      %dma_wait3A_298 = arith.constant 0 : i32
      %dma_wait3A_299 = tpu.memref_slice %arg9[%dma_wait3A_294, %dma_wait3A_297, %dma_wait3A_298] : memref<4x128x16xf32, #tpu.memory_space<vmem>> -> memref<1x128x16xf32, #tpu.memory_space<vmem>>
      %dma_wait3A_300 = tpu.memref_squeeze %dma_wait3A_299 : memref<1x128x16xf32, #tpu.memory_space<vmem>> -> memref<128x16xf32, #tpu.memory_space<vmem>>
      %dma_wait3A_301 = arith.constant 0 : i32
      %dma_wait3A_302 = tpu.memref_slice %arg8[%dma_wait3A_295, %dma_wait3A_301] : memref<104x128xi32, #tpu.memory_space<vmem>> -> memref<1x128xi32, #tpu.memory_space<vmem>>
      %dma_wait3A_303 = tpu.memref_squeeze %dma_wait3A_302 : memref<1x128xi32, #tpu.memory_space<vmem>> -> memref<128xi32, #tpu.memory_space<vmem>>
      %dma_wait3A_304 = arith.constant 0 : i32
      %dma_wait3A_305 = arith.constant 0 : i32
      %dma_wait3A_306 = tpu.memref_slice %arg6[%dma_wait3A_304, %dma_wait3A_305] : memref<10240x16xf32, #tpu.memory_space<vmem_shared>> -> memref<10240x16xf32, #tpu.memory_space<vmem_shared>>
      %dma_wait3A_307 = tpu.memref_slice %arg11[%dma_wait3A_296] : memref<4x!tpu.dma_semaphore, #tpu.memory_space<semaphore_mem>> -> memref<1x!tpu.dma_semaphore, #tpu.memory_space<semaphore_mem>>
      %dma_wait3A_308 = tpu.memref_squeeze %dma_wait3A_307 : memref<1x!tpu.dma_semaphore, #tpu.memory_space<semaphore_mem>> -> memref<!tpu.dma_semaphore, #tpu.memory_space<semaphore_mem>>
      tpu.wait_indirect_dma semaphore(%dma_wait3A_308 : memref<!tpu.dma_semaphore, #tpu.memory_space<semaphore_mem>>) src(%dma_wait3A_300 : memref<128x16xf32, #tpu.memory_space<vmem>>) dst(%dma_wait3A_306 : memref<10240x16xf32, #tpu.memory_space<vmem_shared>>)
      %lt3A_309 = arith.cmpi slt, %add3A_293, %select_n3A_8 : i32
      %convert_element_type3A_310 = arith.extui %lt3A_309 : i1 to i32
      %cond3A_311 = arith.constant 0 : i32
      %cond3A_312 = arith.cmpi ne, %convert_element_type3A_310, %cond3A_311 : i32
      scf.if %cond3A_312 {
        %dma_start3A_338 = arith.constant 2 : i32
        %dma_start3A_339 = arith.constant 2 : i32
        %dma_start3A_340 = arith.constant 0 : i32
        %dma_start3A_341 = arith.constant 0 : i32
        %dma_start3A_342 = tpu.memref_slice %arg9[%dma_start3A_338, %dma_start3A_340, %dma_start3A_341] : memref<4x128x16xf32, #tpu.memory_space<vmem>> -> memref<1x128x16xf32, #tpu.memory_space<vmem>>
        %dma_start3A_343 = tpu.memref_squeeze %dma_start3A_342 : memref<1x128x16xf32, #tpu.memory_space<vmem>> -> memref<128x16xf32, #tpu.memory_space<vmem>>
        %dma_start3A_344 = arith.constant 0 : i32
        %dma_start3A_345 = tpu.memref_slice %arg7[%add3A_293, %dma_start3A_344] : memref<104x128xi32, #tpu.memory_space<vmem>> -> memref<1x128xi32, #tpu.memory_space<vmem>>
        %dma_start3A_346 = tpu.memref_squeeze %dma_start3A_345 : memref<1x128xi32, #tpu.memory_space<vmem>> -> memref<128xi32, #tpu.memory_space<vmem>>
        %dma_start3A_347 = arith.constant 0 : i32
        %dma_start3A_348 = arith.constant 0 : i32
        %dma_start3A_349 = tpu.memref_slice %arg2[%dma_start3A_347, %dma_start3A_348] : memref<10240x16xf32, #tpu.memory_space<hbm>> -> memref<10240x16xf32, #tpu.memory_space<hbm>>
        %dma_start3A_350 = tpu.memref_slice %arg10[%dma_start3A_339] : memref<4x!tpu.dma_semaphore, #tpu.memory_space<semaphore_mem>> -> memref<1x!tpu.dma_semaphore, #tpu.memory_space<semaphore_mem>>
        %dma_start3A_351 = tpu.memref_squeeze %dma_start3A_350 : memref<1x!tpu.dma_semaphore, #tpu.memory_space<semaphore_mem>> -> memref<!tpu.dma_semaphore, #tpu.memory_space<semaphore_mem>>
        tpu.enqueue_indirect_dma source(%dma_start3A_349 : memref<10240x16xf32, #tpu.memory_space<hbm>>) target(%dma_start3A_343 : memref<128x16xf32, #tpu.memory_space<vmem>>) offsets(%dma_start3A_346 : memref<128xi32, #tpu.memory_space<vmem>>) semaphore(%dma_start3A_351 : memref<!tpu.dma_semaphore, #tpu.memory_space<semaphore_mem>>)
      } else {
      }
      %mul3A_313 = arith.constant 4 : i32
      %mul3A_314 = arith.muli %while3A_108, %mul3A_313 : i32
      %add3A_315 = arith.constant 3 : i32
      %add3A_316 = arith.addi %mul3A_314, %add3A_315 : i32
      %add3A_317 = arith.constant 4 : i32
      %add3A_318 = arith.addi %add3A_316, %add3A_317 : i32
      %dma_wait3A_319 = arith.constant 3 : i32
      %dma_wait3A_320 = arith.constant 3 : i32
      %dma_wait3A_321 = arith.constant 3 : i32
      %dma_wait3A_322 = arith.constant 0 : i32
      %dma_wait3A_323 = arith.constant 0 : i32
      %dma_wait3A_324 = tpu.memref_slice %arg9[%dma_wait3A_319, %dma_wait3A_322, %dma_wait3A_323] : memref<4x128x16xf32, #tpu.memory_space<vmem>> -> memref<1x128x16xf32, #tpu.memory_space<vmem>>
      %dma_wait3A_325 = tpu.memref_squeeze %dma_wait3A_324 : memref<1x128x16xf32, #tpu.memory_space<vmem>> -> memref<128x16xf32, #tpu.memory_space<vmem>>
      %dma_wait3A_326 = arith.constant 0 : i32
      %dma_wait3A_327 = tpu.memref_slice %arg8[%dma_wait3A_320, %dma_wait3A_326] : memref<104x128xi32, #tpu.memory_space<vmem>> -> memref<1x128xi32, #tpu.memory_space<vmem>>
      %dma_wait3A_328 = tpu.memref_squeeze %dma_wait3A_327 : memref<1x128xi32, #tpu.memory_space<vmem>> -> memref<128xi32, #tpu.memory_space<vmem>>
      %dma_wait3A_329 = arith.constant 0 : i32
      %dma_wait3A_330 = arith.constant 0 : i32
      %dma_wait3A_331 = tpu.memref_slice %arg6[%dma_wait3A_329, %dma_wait3A_330] : memref<10240x16xf32, #tpu.memory_space<vmem_shared>> -> memref<10240x16xf32, #tpu.memory_space<vmem_shared>>
      %dma_wait3A_332 = tpu.memref_slice %arg11[%dma_wait3A_321] : memref<4x!tpu.dma_semaphore, #tpu.memory_space<semaphore_mem>> -> memref<1x!tpu.dma_semaphore, #tpu.memory_space<semaphore_mem>>
      %dma_wait3A_333 = tpu.memref_squeeze %dma_wait3A_332 : memref<1x!tpu.dma_semaphore, #tpu.memory_space<semaphore_mem>> -> memref<!tpu.dma_semaphore, #tpu.memory_space<semaphore_mem>>
      tpu.wait_indirect_dma semaphore(%dma_wait3A_333 : memref<!tpu.dma_semaphore, #tpu.memory_space<semaphore_mem>>) src(%dma_wait3A_325 : memref<128x16xf32, #tpu.memory_space<vmem>>) dst(%dma_wait3A_331 : memref<10240x16xf32, #tpu.memory_space<vmem_shared>>)
      %lt3A_334 = arith.cmpi slt, %add3A_318, %select_n3A_8 : i32
      %convert_element_type3A_335 = arith.extui %lt3A_334 : i1 to i32
      %cond3A_336 = arith.constant 0 : i32
      %cond3A_337 = arith.cmpi ne, %convert_element_type3A_335, %cond3A_336 : i32
      scf.if %cond3A_337 {
        %dma_start3A_338 = arith.constant 3 : i32
        %dma_start3A_339 = arith.constant 3 : i32
        %dma_start3A_340 = arith.constant 0 : i32
        %dma_start3A_341 = arith.constant 0 : i32
        %dma_start3A_342 = tpu.memref_slice %arg9[%dma_start3A_338, %dma_start3A_340, %dma_start3A_341] : memref<4x128x16xf32, #tpu.memory_space<vmem>> -> memref<1x128x16xf32, #tpu.memory_space<vmem>>
        %dma_start3A_343 = tpu.memref_squeeze %dma_start3A_342 : memref<1x128x16xf32, #tpu.memory_space<vmem>> -> memref<128x16xf32, #tpu.memory_space<vmem>>
        %dma_start3A_344 = arith.constant 0 : i32
        %dma_start3A_345 = tpu.memref_slice %arg7[%add3A_318, %dma_start3A_344] : memref<104x128xi32, #tpu.memory_space<vmem>> -> memref<1x128xi32, #tpu.memory_space<vmem>>
        %dma_start3A_346 = tpu.memref_squeeze %dma_start3A_345 : memref<1x128xi32, #tpu.memory_space<vmem>> -> memref<128xi32, #tpu.memory_space<vmem>>
        %dma_start3A_347 = arith.constant 0 : i32
        %dma_start3A_348 = arith.constant 0 : i32
        %dma_start3A_349 = tpu.memref_slice %arg2[%dma_start3A_347, %dma_start3A_348] : memref<10240x16xf32, #tpu.memory_space<hbm>> -> memref<10240x16xf32, #tpu.memory_space<hbm>>
        %dma_start3A_350 = tpu.memref_slice %arg10[%dma_start3A_339] : memref<4x!tpu.dma_semaphore, #tpu.memory_space<semaphore_mem>> -> memref<1x!tpu.dma_semaphore, #tpu.memory_space<semaphore_mem>>
        %dma_start3A_351 = tpu.memref_squeeze %dma_start3A_350 : memref<1x!tpu.dma_semaphore, #tpu.memory_space<semaphore_mem>> -> memref<!tpu.dma_semaphore, #tpu.memory_space<semaphore_mem>>
        tpu.enqueue_indirect_dma source(%dma_start3A_349 : memref<10240x16xf32, #tpu.memory_space<hbm>>) target(%dma_start3A_343 : memref<128x16xf32, #tpu.memory_space<vmem>>) offsets(%dma_start3A_346 : memref<128xi32, #tpu.memory_space<vmem>>) semaphore(%dma_start3A_351 : memref<!tpu.dma_semaphore, #tpu.memory_space<semaphore_mem>>)
      } else {
      }
    }
    %while3A_102 = arith.constant 1 : i32
    scf.for %while3A_108 = %while3A_100 to %while3A_96 step %while3A_102  : i32 {
      %mul3A_109 = arith.constant 4 : i32
      %mul3A_110 = arith.muli %while3A_108, %mul3A_109 : i32
      %add3A_111 = arith.constant 0 : i32
      %add3A_112 = arith.addi %mul3A_110, %add3A_111 : i32
      %dma_wait3A_113 = arith.constant 0 : i32
      %dma_wait3A_114 = arith.constant 0 : i32
      %dma_wait3A_115 = arith.constant 0 : i32
      %dma_wait3A_116 = arith.constant 0 : i32
      %dma_wait3A_117 = arith.constant 0 : i32
      %dma_wait3A_118 = tpu.memref_slice %arg9[%dma_wait3A_114, %dma_wait3A_116, %dma_wait3A_117] : memref<4x128x16xf32, #tpu.memory_space<vmem>> -> memref<1x128x16xf32, #tpu.memory_space<vmem>>
      %dma_wait3A_119 = tpu.memref_squeeze %dma_wait3A_118 : memref<1x128x16xf32, #tpu.memory_space<vmem>> -> memref<128x16xf32, #tpu.memory_space<vmem>>
      %dma_wait3A_120 = arith.constant 0 : i32
      %dma_wait3A_121 = tpu.memref_slice %arg7[%dma_wait3A_113, %dma_wait3A_120] : memref<104x128xi32, #tpu.memory_space<vmem>> -> memref<1x128xi32, #tpu.memory_space<vmem>>
      %dma_wait3A_122 = tpu.memref_squeeze %dma_wait3A_121 : memref<1x128xi32, #tpu.memory_space<vmem>> -> memref<128xi32, #tpu.memory_space<vmem>>
      %dma_wait3A_123 = arith.constant 0 : i32
      %dma_wait3A_124 = arith.constant 0 : i32
      %dma_wait3A_125 = tpu.memref_slice %arg2[%dma_wait3A_123, %dma_wait3A_124] : memref<10240x16xf32, #tpu.memory_space<hbm>> -> memref<10240x16xf32, #tpu.memory_space<hbm>>
      %dma_wait3A_126 = tpu.memref_slice %arg10[%dma_wait3A_115] : memref<4x!tpu.dma_semaphore, #tpu.memory_space<semaphore_mem>> -> memref<1x!tpu.dma_semaphore, #tpu.memory_space<semaphore_mem>>
      %dma_wait3A_127 = tpu.memref_squeeze %dma_wait3A_126 : memref<1x!tpu.dma_semaphore, #tpu.memory_space<semaphore_mem>> -> memref<!tpu.dma_semaphore, #tpu.memory_space<semaphore_mem>>
      tpu.wait_indirect_dma semaphore(%dma_wait3A_127 : memref<!tpu.dma_semaphore, #tpu.memory_space<semaphore_mem>>) src(%dma_wait3A_125 : memref<10240x16xf32, #tpu.memory_space<hbm>>) dst(%dma_wait3A_119 : memref<128x16xf32, #tpu.memory_space<vmem>>)
      %dma_start3A_128 = arith.constant 0 : i32
      %dma_start3A_129 = arith.constant 0 : i32
      %dma_start3A_130 = arith.constant 0 : i32
      %dma_start3A_131 = arith.constant 0 : i32
      %dma_start3A_132 = tpu.memref_slice %arg9[%dma_start3A_128, %dma_start3A_130, %dma_start3A_131] : memref<4x128x16xf32, #tpu.memory_space<vmem>> -> memref<1x128x16xf32, #tpu.memory_space<vmem>>
      %dma_start3A_133 = tpu.memref_squeeze %dma_start3A_132 : memref<1x128x16xf32, #tpu.memory_space<vmem>> -> memref<128x16xf32, #tpu.memory_space<vmem>>
      %dma_start3A_134 = arith.constant 0 : i32
      %dma_start3A_135 = tpu.memref_slice %arg8[%add3A_112, %dma_start3A_134] : memref<104x128xi32, #tpu.memory_space<vmem>> -> memref<1x128xi32, #tpu.memory_space<vmem>>
      %dma_start3A_136 = tpu.memref_squeeze %dma_start3A_135 : memref<1x128xi32, #tpu.memory_space<vmem>> -> memref<128xi32, #tpu.memory_space<vmem>>
      %dma_start3A_137 = arith.constant 0 : i32
      %dma_start3A_138 = arith.constant 0 : i32
      %dma_start3A_139 = tpu.memref_slice %arg6[%dma_start3A_137, %dma_start3A_138] : memref<10240x16xf32, #tpu.memory_space<vmem_shared>> -> memref<10240x16xf32, #tpu.memory_space<vmem_shared>>
      %dma_start3A_140 = tpu.memref_slice %arg11[%dma_start3A_129] : memref<4x!tpu.dma_semaphore, #tpu.memory_space<semaphore_mem>> -> memref<1x!tpu.dma_semaphore, #tpu.memory_space<semaphore_mem>>
      %dma_start3A_141 = tpu.memref_squeeze %dma_start3A_140 : memref<1x!tpu.dma_semaphore, #tpu.memory_space<semaphore_mem>> -> memref<!tpu.dma_semaphore, #tpu.memory_space<semaphore_mem>>
      tpu.enqueue_indirect_dma source(%dma_start3A_133 : memref<128x16xf32, #tpu.memory_space<vmem>>) target(%dma_start3A_139 : memref<10240x16xf32, #tpu.memory_space<vmem_shared>>) offsets(%dma_start3A_136 : memref<128xi32, #tpu.memory_space<vmem>>) semaphore(%dma_start3A_141 : memref<!tpu.dma_semaphore, #tpu.memory_space<semaphore_mem>>) {add = true}
      %mul3A_142 = arith.constant 4 : i32
      %mul3A_143 = arith.muli %while3A_108, %mul3A_142 : i32
      %add3A_144 = arith.constant 1 : i32
      %add3A_145 = arith.addi %mul3A_143, %add3A_144 : i32
      %dma_wait3A_146 = arith.constant 1 : i32
      %dma_wait3A_147 = arith.constant 1 : i32
      %dma_wait3A_148 = arith.constant 1 : i32
      %dma_wait3A_149 = arith.constant 0 : i32
      %dma_wait3A_150 = arith.constant 0 : i32
      %dma_wait3A_151 = tpu.memref_slice %arg9[%dma_wait3A_147, %dma_wait3A_149, %dma_wait3A_150] : memref<4x128x16xf32, #tpu.memory_space<vmem>> -> memref<1x128x16xf32, #tpu.memory_space<vmem>>
      %dma_wait3A_152 = tpu.memref_squeeze %dma_wait3A_151 : memref<1x128x16xf32, #tpu.memory_space<vmem>> -> memref<128x16xf32, #tpu.memory_space<vmem>>
      %dma_wait3A_153 = arith.constant 0 : i32
      %dma_wait3A_154 = tpu.memref_slice %arg7[%dma_wait3A_146, %dma_wait3A_153] : memref<104x128xi32, #tpu.memory_space<vmem>> -> memref<1x128xi32, #tpu.memory_space<vmem>>
      %dma_wait3A_155 = tpu.memref_squeeze %dma_wait3A_154 : memref<1x128xi32, #tpu.memory_space<vmem>> -> memref<128xi32, #tpu.memory_space<vmem>>
      %dma_wait3A_156 = arith.constant 0 : i32
      %dma_wait3A_157 = arith.constant 0 : i32
      %dma_wait3A_158 = tpu.memref_slice %arg2[%dma_wait3A_156, %dma_wait3A_157] : memref<10240x16xf32, #tpu.memory_space<hbm>> -> memref<10240x16xf32, #tpu.memory_space<hbm>>
      %dma_wait3A_159 = tpu.memref_slice %arg10[%dma_wait3A_148] : memref<4x!tpu.dma_semaphore, #tpu.memory_space<semaphore_mem>> -> memref<1x!tpu.dma_semaphore, #tpu.memory_space<semaphore_mem>>
      %dma_wait3A_160 = tpu.memref_squeeze %dma_wait3A_159 : memref<1x!tpu.dma_semaphore, #tpu.memory_space<semaphore_mem>> -> memref<!tpu.dma_semaphore, #tpu.memory_space<semaphore_mem>>
      tpu.wait_indirect_dma semaphore(%dma_wait3A_160 : memref<!tpu.dma_semaphore, #tpu.memory_space<semaphore_mem>>) src(%dma_wait3A_158 : memref<10240x16xf32, #tpu.memory_space<hbm>>) dst(%dma_wait3A_152 : memref<128x16xf32, #tpu.memory_space<vmem>>)
      %dma_start3A_161 = arith.constant 1 : i32
      %dma_start3A_162 = arith.constant 1 : i32
      %dma_start3A_163 = arith.constant 0 : i32
      %dma_start3A_164 = arith.constant 0 : i32
      %dma_start3A_165 = tpu.memref_slice %arg9[%dma_start3A_161, %dma_start3A_163, %dma_start3A_164] : memref<4x128x16xf32, #tpu.memory_space<vmem>> -> memref<1x128x16xf32, #tpu.memory_space<vmem>>
      %dma_start3A_166 = tpu.memref_squeeze %dma_start3A_165 : memref<1x128x16xf32, #tpu.memory_space<vmem>> -> memref<128x16xf32, #tpu.memory_space<vmem>>
      %dma_start3A_167 = arith.constant 0 : i32
      %dma_start3A_168 = tpu.memref_slice %arg8[%add3A_145, %dma_start3A_167] : memref<104x128xi32, #tpu.memory_space<vmem>> -> memref<1x128xi32, #tpu.memory_space<vmem>>
      %dma_start3A_169 = tpu.memref_squeeze %dma_start3A_168 : memref<1x128xi32, #tpu.memory_space<vmem>> -> memref<128xi32, #tpu.memory_space<vmem>>
      %dma_start3A_170 = arith.constant 0 : i32
      %dma_start3A_171 = arith.constant 0 : i32
      %dma_start3A_172 = tpu.memref_slice %arg6[%dma_start3A_170, %dma_start3A_171] : memref<10240x16xf32, #tpu.memory_space<vmem_shared>> -> memref<10240x16xf32, #tpu.memory_space<vmem_shared>>
      %dma_start3A_173 = tpu.memref_slice %arg11[%dma_start3A_162] : memref<4x!tpu.dma_semaphore, #tpu.memory_space<semaphore_mem>> -> memref<1x!tpu.dma_semaphore, #tpu.memory_space<semaphore_mem>>
      %dma_start3A_174 = tpu.memref_squeeze %dma_start3A_173 : memref<1x!tpu.dma_semaphore, #tpu.memory_space<semaphore_mem>> -> memref<!tpu.dma_semaphore, #tpu.memory_space<semaphore_mem>>
      tpu.enqueue_indirect_dma source(%dma_start3A_166 : memref<128x16xf32, #tpu.memory_space<vmem>>) target(%dma_start3A_172 : memref<10240x16xf32, #tpu.memory_space<vmem_shared>>) offsets(%dma_start3A_169 : memref<128xi32, #tpu.memory_space<vmem>>) semaphore(%dma_start3A_174 : memref<!tpu.dma_semaphore, #tpu.memory_space<semaphore_mem>>) {add = true}
      %mul3A_175 = arith.constant 4 : i32
      %mul3A_176 = arith.muli %while3A_108, %mul3A_175 : i32
      %add3A_177 = arith.constant 2 : i32
      %add3A_178 = arith.addi %mul3A_176, %add3A_177 : i32
      %dma_wait3A_179 = arith.constant 2 : i32
      %dma_wait3A_180 = arith.constant 2 : i32
      %dma_wait3A_181 = arith.constant 2 : i32
      %dma_wait3A_182 = arith.constant 0 : i32
      %dma_wait3A_183 = arith.constant 0 : i32
      %dma_wait3A_184 = tpu.memref_slice %arg9[%dma_wait3A_180, %dma_wait3A_182, %dma_wait3A_183] : memref<4x128x16xf32, #tpu.memory_space<vmem>> -> memref<1x128x16xf32, #tpu.memory_space<vmem>>
      %dma_wait3A_185 = tpu.memref_squeeze %dma_wait3A_184 : memref<1x128x16xf32, #tpu.memory_space<vmem>> -> memref<128x16xf32, #tpu.memory_space<vmem>>
      %dma_wait3A_186 = arith.constant 0 : i32
      %dma_wait3A_187 = tpu.memref_slice %arg7[%dma_wait3A_179, %dma_wait3A_186] : memref<104x128xi32, #tpu.memory_space<vmem>> -> memref<1x128xi32, #tpu.memory_space<vmem>>
      %dma_wait3A_188 = tpu.memref_squeeze %dma_wait3A_187 : memref<1x128xi32, #tpu.memory_space<vmem>> -> memref<128xi32, #tpu.memory_space<vmem>>
      %dma_wait3A_189 = arith.constant 0 : i32
      %dma_wait3A_190 = arith.constant 0 : i32
      %dma_wait3A_191 = tpu.memref_slice %arg2[%dma_wait3A_189, %dma_wait3A_190] : memref<10240x16xf32, #tpu.memory_space<hbm>> -> memref<10240x16xf32, #tpu.memory_space<hbm>>
      %dma_wait3A_192 = tpu.memref_slice %arg10[%dma_wait3A_181] : memref<4x!tpu.dma_semaphore, #tpu.memory_space<semaphore_mem>> -> memref<1x!tpu.dma_semaphore, #tpu.memory_space<semaphore_mem>>
      %dma_wait3A_193 = tpu.memref_squeeze %dma_wait3A_192 : memref<1x!tpu.dma_semaphore, #tpu.memory_space<semaphore_mem>> -> memref<!tpu.dma_semaphore, #tpu.memory_space<semaphore_mem>>
      tpu.wait_indirect_dma semaphore(%dma_wait3A_193 : memref<!tpu.dma_semaphore, #tpu.memory_space<semaphore_mem>>) src(%dma_wait3A_191 : memref<10240x16xf32, #tpu.memory_space<hbm>>) dst(%dma_wait3A_185 : memref<128x16xf32, #tpu.memory_space<vmem>>)
      %dma_start3A_194 = arith.constant 2 : i32
      %dma_start3A_195 = arith.constant 2 : i32
      %dma_start3A_196 = arith.constant 0 : i32
      %dma_start3A_197 = arith.constant 0 : i32
      %dma_start3A_198 = tpu.memref_slice %arg9[%dma_start3A_194, %dma_start3A_196, %dma_start3A_197] : memref<4x128x16xf32, #tpu.memory_space<vmem>> -> memref<1x128x16xf32, #tpu.memory_space<vmem>>
      %dma_start3A_199 = tpu.memref_squeeze %dma_start3A_198 : memref<1x128x16xf32, #tpu.memory_space<vmem>> -> memref<128x16xf32, #tpu.memory_space<vmem>>
      %dma_start3A_200 = arith.constant 0 : i32
      %dma_start3A_201 = tpu.memref_slice %arg8[%add3A_178, %dma_start3A_200] : memref<104x128xi32, #tpu.memory_space<vmem>> -> memref<1x128xi32, #tpu.memory_space<vmem>>
      %dma_start3A_202 = tpu.memref_squeeze %dma_start3A_201 : memref<1x128xi32, #tpu.memory_space<vmem>> -> memref<128xi32, #tpu.memory_space<vmem>>
      %dma_start3A_203 = arith.constant 0 : i32
      %dma_start3A_204 = arith.constant 0 : i32
      %dma_start3A_205 = tpu.memref_slice %arg6[%dma_start3A_203, %dma_start3A_204] : memref<10240x16xf32, #tpu.memory_space<vmem_shared>> -> memref<10240x16xf32, #tpu.memory_space<vmem_shared>>
      %dma_start3A_206 = tpu.memref_slice %arg11[%dma_start3A_195] : memref<4x!tpu.dma_semaphore, #tpu.memory_space<semaphore_mem>> -> memref<1x!tpu.dma_semaphore, #tpu.memory_space<semaphore_mem>>
      %dma_start3A_207 = tpu.memref_squeeze %dma_start3A_206 : memref<1x!tpu.dma_semaphore, #tpu.memory_space<semaphore_mem>> -> memref<!tpu.dma_semaphore, #tpu.memory_space<semaphore_mem>>
      tpu.enqueue_indirect_dma source(%dma_start3A_199 : memref<128x16xf32, #tpu.memory_space<vmem>>) target(%dma_start3A_205 : memref<10240x16xf32, #tpu.memory_space<vmem_shared>>) offsets(%dma_start3A_202 : memref<128xi32, #tpu.memory_space<vmem>>) semaphore(%dma_start3A_207 : memref<!tpu.dma_semaphore, #tpu.memory_space<semaphore_mem>>) {add = true}
      %mul3A_208 = arith.constant 4 : i32
      %mul3A_209 = arith.muli %while3A_108, %mul3A_208 : i32
      %add3A_210 = arith.constant 3 : i32
      %add3A_211 = arith.addi %mul3A_209, %add3A_210 : i32
      %dma_wait3A_212 = arith.constant 3 : i32
      %dma_wait3A_213 = arith.constant 3 : i32
      %dma_wait3A_214 = arith.constant 3 : i32
      %dma_wait3A_215 = arith.constant 0 : i32
      %dma_wait3A_216 = arith.constant 0 : i32
      %dma_wait3A_217 = tpu.memref_slice %arg9[%dma_wait3A_213, %dma_wait3A_215, %dma_wait3A_216] : memref<4x128x16xf32, #tpu.memory_space<vmem>> -> memref<1x128x16xf32, #tpu.memory_space<vmem>>
      %dma_wait3A_218 = tpu.memref_squeeze %dma_wait3A_217 : memref<1x128x16xf32, #tpu.memory_space<vmem>> -> memref<128x16xf32, #tpu.memory_space<vmem>>
      %dma_wait3A_219 = arith.constant 0 : i32
      %dma_wait3A_220 = tpu.memref_slice %arg7[%dma_wait3A_212, %dma_wait3A_219] : memref<104x128xi32, #tpu.memory_space<vmem>> -> memref<1x128xi32, #tpu.memory_space<vmem>>
      %dma_wait3A_221 = tpu.memref_squeeze %dma_wait3A_220 : memref<1x128xi32, #tpu.memory_space<vmem>> -> memref<128xi32, #tpu.memory_space<vmem>>
      %dma_wait3A_222 = arith.constant 0 : i32
      %dma_wait3A_223 = arith.constant 0 : i32
      %dma_wait3A_224 = tpu.memref_slice %arg2[%dma_wait3A_222, %dma_wait3A_223] : memref<10240x16xf32, #tpu.memory_space<hbm>> -> memref<10240x16xf32, #tpu.memory_space<hbm>>
      %dma_wait3A_225 = tpu.memref_slice %arg10[%dma_wait3A_214] : memref<4x!tpu.dma_semaphore, #tpu.memory_space<semaphore_mem>> -> memref<1x!tpu.dma_semaphore, #tpu.memory_space<semaphore_mem>>
      %dma_wait3A_226 = tpu.memref_squeeze %dma_wait3A_225 : memref<1x!tpu.dma_semaphore, #tpu.memory_space<semaphore_mem>> -> memref<!tpu.dma_semaphore, #tpu.memory_space<semaphore_mem>>
      tpu.wait_indirect_dma semaphore(%dma_wait3A_226 : memref<!tpu.dma_semaphore, #tpu.memory_space<semaphore_mem>>) src(%dma_wait3A_224 : memref<10240x16xf32, #tpu.memory_space<hbm>>) dst(%dma_wait3A_218 : memref<128x16xf32, #tpu.memory_space<vmem>>)
      %dma_start3A_227 = arith.constant 3 : i32
      %dma_start3A_228 = arith.constant 3 : i32
      %dma_start3A_229 = arith.constant 0 : i32
      %dma_start3A_230 = arith.constant 0 : i32
      %dma_start3A_231 = tpu.memref_slice %arg9[%dma_start3A_227, %dma_start3A_229, %dma_start3A_230] : memref<4x128x16xf32, #tpu.memory_space<vmem>> -> memref<1x128x16xf32, #tpu.memory_space<vmem>>
      %dma_start3A_232 = tpu.memref_squeeze %dma_start3A_231 : memref<1x128x16xf32, #tpu.memory_space<vmem>> -> memref<128x16xf32, #tpu.memory_space<vmem>>
      %dma_start3A_233 = arith.constant 0 : i32
      %dma_start3A_234 = tpu.memref_slice %arg8[%add3A_211, %dma_start3A_233] : memref<104x128xi32, #tpu.memory_space<vmem>> -> memref<1x128xi32, #tpu.memory_space<vmem>>
      %dma_start3A_235 = tpu.memref_squeeze %dma_start3A_234 : memref<1x128xi32, #tpu.memory_space<vmem>> -> memref<128xi32, #tpu.memory_space<vmem>>
      %dma_start3A_236 = arith.constant 0 : i32
      %dma_start3A_237 = arith.constant 0 : i32
      %dma_start3A_238 = tpu.memref_slice %arg6[%dma_start3A_236, %dma_start3A_237] : memref<10240x16xf32, #tpu.memory_space<vmem_shared>> -> memref<10240x16xf32, #tpu.memory_space<vmem_shared>>
      %dma_start3A_239 = tpu.memref_slice %arg11[%dma_start3A_228] : memref<4x!tpu.dma_semaphore, #tpu.memory_space<semaphore_mem>> -> memref<1x!tpu.dma_semaphore, #tpu.memory_space<semaphore_mem>>
      %dma_start3A_240 = tpu.memref_squeeze %dma_start3A_239 : memref<1x!tpu.dma_semaphore, #tpu.memory_space<semaphore_mem>> -> memref<!tpu.dma_semaphore, #tpu.memory_space<semaphore_mem>>
      tpu.enqueue_indirect_dma source(%dma_start3A_232 : memref<128x16xf32, #tpu.memory_space<vmem>>) target(%dma_start3A_238 : memref<10240x16xf32, #tpu.memory_space<vmem_shared>>) offsets(%dma_start3A_235 : memref<128xi32, #tpu.memory_space<vmem>>) semaphore(%dma_start3A_240 : memref<!tpu.dma_semaphore, #tpu.memory_space<semaphore_mem>>) {add = true}
      %mul3A_241 = arith.constant 4 : i32
      %mul3A_242 = arith.muli %while3A_108, %mul3A_241 : i32
      %add3A_243 = arith.constant 0 : i32
      %add3A_244 = arith.addi %mul3A_242, %add3A_243 : i32
      %add3A_245 = arith.constant 4 : i32
      %add3A_246 = arith.addi %add3A_244, %add3A_245 : i32
      %dma_wait3A_247 = arith.constant 0 : i32
      %dma_wait3A_248 = arith.constant 0 : i32
      %dma_wait3A_249 = arith.constant 0 : i32
      %dma_wait3A_250 = arith.constant 0 : i32
      %dma_wait3A_251 = arith.constant 0 : i32
      %dma_wait3A_252 = tpu.memref_slice %arg9[%dma_wait3A_247, %dma_wait3A_250, %dma_wait3A_251] : memref<4x128x16xf32, #tpu.memory_space<vmem>> -> memref<1x128x16xf32, #tpu.memory_space<vmem>>
      %dma_wait3A_253 = tpu.memref_squeeze %dma_wait3A_252 : memref<1x128x16xf32, #tpu.memory_space<vmem>> -> memref<128x16xf32, #tpu.memory_space<vmem>>
      %dma_wait3A_254 = arith.constant 0 : i32
      %dma_wait3A_255 = tpu.memref_slice %arg8[%dma_wait3A_248, %dma_wait3A_254] : memref<104x128xi32, #tpu.memory_space<vmem>> -> memref<1x128xi32, #tpu.memory_space<vmem>>
      %dma_wait3A_256 = tpu.memref_squeeze %dma_wait3A_255 : memref<1x128xi32, #tpu.memory_space<vmem>> -> memref<128xi32, #tpu.memory_space<vmem>>
      %dma_wait3A_257 = arith.constant 0 : i32
      %dma_wait3A_258 = arith.constant 0 : i32
      %dma_wait3A_259 = tpu.memref_slice %arg6[%dma_wait3A_257, %dma_wait3A_258] : memref<10240x16xf32, #tpu.memory_space<vmem_shared>> -> memref<10240x16xf32, #tpu.memory_space<vmem_shared>>
      %dma_wait3A_260 = tpu.memref_slice %arg11[%dma_wait3A_249] : memref<4x!tpu.dma_semaphore, #tpu.memory_space<semaphore_mem>> -> memref<1x!tpu.dma_semaphore, #tpu.memory_space<semaphore_mem>>
      %dma_wait3A_261 = tpu.memref_squeeze %dma_wait3A_260 : memref<1x!tpu.dma_semaphore, #tpu.memory_space<semaphore_mem>> -> memref<!tpu.dma_semaphore, #tpu.memory_space<semaphore_mem>>
      tpu.wait_indirect_dma semaphore(%dma_wait3A_261 : memref<!tpu.dma_semaphore, #tpu.memory_space<semaphore_mem>>) src(%dma_wait3A_253 : memref<128x16xf32, #tpu.memory_space<vmem>>) dst(%dma_wait3A_259 : memref<10240x16xf32, #tpu.memory_space<vmem_shared>>)
      %lt3A = arith.cmpi slt, %add3A_246, %select_n3A_8 : i32
      %convert_element_type3A = arith.extui %lt3A : i1 to i32
      %cond3A = arith.constant 0 : i32
      %cond3A_262 = arith.cmpi ne, %convert_element_type3A, %cond3A : i32
      scf.if %cond3A_262 {
        %dma_start3A_338 = arith.constant 0 : i32
        %dma_start3A_339 = arith.constant 0 : i32
        %dma_start3A_340 = arith.constant 0 : i32
        %dma_start3A_341 = arith.constant 0 : i32
        %dma_start3A_342 = tpu.memref_slice %arg9[%dma_start3A_338, %dma_start3A_340, %dma_start3A_341] : memref<4x128x16xf32, #tpu.memory_space<vmem>> -> memref<1x128x16xf32, #tpu.memory_space<vmem>>
        %dma_start3A_343 = tpu.memref_squeeze %dma_start3A_342 : memref<1x128x16xf32, #tpu.memory_space<vmem>> -> memref<128x16xf32, #tpu.memory_space<vmem>>
        %dma_start3A_344 = arith.constant 0 : i32
        %dma_start3A_345 = tpu.memref_slice %arg7[%add3A_246, %dma_start3A_344] : memref<104x128xi32, #tpu.memory_space<vmem>> -> memref<1x128xi32, #tpu.memory_space<vmem>>
        %dma_start3A_346 = tpu.memref_squeeze %dma_start3A_345 : memref<1x128xi32, #tpu.memory_space<vmem>> -> memref<128xi32, #tpu.memory_space<vmem>>
        %dma_start3A_347 = arith.constant 0 : i32
        %dma_start3A_348 = arith.constant 0 : i32
        %dma_start3A_349 = tpu.memref_slice %arg2[%dma_start3A_347, %dma_start3A_348] : memref<10240x16xf32, #tpu.memory_space<hbm>> -> memref<10240x16xf32, #tpu.memory_space<hbm>>
        %dma_start3A_350 = tpu.memref_slice %arg10[%dma_start3A_339] : memref<4x!tpu.dma_semaphore, #tpu.memory_space<semaphore_mem>> -> memref<1x!tpu.dma_semaphore, #tpu.memory_space<semaphore_mem>>
        %dma_start3A_351 = tpu.memref_squeeze %dma_start3A_350 : memref<1x!tpu.dma_semaphore, #tpu.memory_space<semaphore_mem>> -> memref<!tpu.dma_semaphore, #tpu.memory_space<semaphore_mem>>
        tpu.enqueue_indirect_dma source(%dma_start3A_349 : memref<10240x16xf32, #tpu.memory_space<hbm>>) target(%dma_start3A_343 : memref<128x16xf32, #tpu.memory_space<vmem>>) offsets(%dma_start3A_346 : memref<128xi32, #tpu.memory_space<vmem>>) semaphore(%dma_start3A_351 : memref<!tpu.dma_semaphore, #tpu.memory_space<semaphore_mem>>)
      } else {
      }
      %mul3A_263 = arith.constant 4 : i32
      %mul3A_264 = arith.muli %while3A_108, %mul3A_263 : i32
      %add3A_265 = arith.constant 1 : i32
      %add3A_266 = arith.addi %mul3A_264, %add3A_265 : i32
      %add3A_267 = arith.constant 4 : i32
      %add3A_268 = arith.addi %add3A_266, %add3A_267 : i32
      %dma_wait3A_269 = arith.constant 1 : i32
      %dma_wait3A_270 = arith.constant 1 : i32
      %dma_wait3A_271 = arith.constant 1 : i32
      %dma_wait3A_272 = arith.constant 0 : i32
      %dma_wait3A_273 = arith.constant 0 : i32
      %dma_wait3A_274 = tpu.memref_slice %arg9[%dma_wait3A_269, %dma_wait3A_272, %dma_wait3A_273] : memref<4x128x16xf32, #tpu.memory_space<vmem>> -> memref<1x128x16xf32, #tpu.memory_space<vmem>>
      %dma_wait3A_275 = tpu.memref_squeeze %dma_wait3A_274 : memref<1x128x16xf32, #tpu.memory_space<vmem>> -> memref<128x16xf32, #tpu.memory_space<vmem>>
      %dma_wait3A_276 = arith.constant 0 : i32
      %dma_wait3A_277 = tpu.memref_slice %arg8[%dma_wait3A_270, %dma_wait3A_276] : memref<104x128xi32, #tpu.memory_space<vmem>> -> memref<1x128xi32, #tpu.memory_space<vmem>>
      %dma_wait3A_278 = tpu.memref_squeeze %dma_wait3A_277 : memref<1x128xi32, #tpu.memory_space<vmem>> -> memref<128xi32, #tpu.memory_space<vmem>>
      %dma_wait3A_279 = arith.constant 0 : i32
      %dma_wait3A_280 = arith.constant 0 : i32
      %dma_wait3A_281 = tpu.memref_slice %arg6[%dma_wait3A_279, %dma_wait3A_280] : memref<10240x16xf32, #tpu.memory_space<vmem_shared>> -> memref<10240x16xf32, #tpu.memory_space<vmem_shared>>
      %dma_wait3A_282 = tpu.memref_slice %arg11[%dma_wait3A_271] : memref<4x!tpu.dma_semaphore, #tpu.memory_space<semaphore_mem>> -> memref<1x!tpu.dma_semaphore, #tpu.memory_space<semaphore_mem>>
      %dma_wait3A_283 = tpu.memref_squeeze %dma_wait3A_282 : memref<1x!tpu.dma_semaphore, #tpu.memory_space<semaphore_mem>> -> memref<!tpu.dma_semaphore, #tpu.memory_space<semaphore_mem>>
      tpu.wait_indirect_dma semaphore(%dma_wait3A_283 : memref<!tpu.dma_semaphore, #tpu.memory_space<semaphore_mem>>) src(%dma_wait3A_275 : memref<128x16xf32, #tpu.memory_space<vmem>>) dst(%dma_wait3A_281 : memref<10240x16xf32, #tpu.memory_space<vmem_shared>>)
      %lt3A_284 = arith.cmpi slt, %add3A_268, %select_n3A_8 : i32
      %convert_element_type3A_285 = arith.extui %lt3A_284 : i1 to i32
      %cond3A_286 = arith.constant 0 : i32
      %cond3A_287 = arith.cmpi ne, %convert_element_type3A_285, %cond3A_286 : i32
      scf.if %cond3A_287 {
        %dma_start3A_338 = arith.constant 1 : i32
        %dma_start3A_339 = arith.constant 1 : i32
        %dma_start3A_340 = arith.constant 0 : i32
        %dma_start3A_341 = arith.constant 0 : i32
        %dma_start3A_342 = tpu.memref_slice %arg9[%dma_start3A_338, %dma_start3A_340, %dma_start3A_341] : memref<4x128x16xf32, #tpu.memory_space<vmem>> -> memref<1x128x16xf32, #tpu.memory_space<vmem>>
        %dma_start3A_343 = tpu.memref_squeeze %dma_start3A_342 : memref<1x128x16xf32, #tpu.memory_space<vmem>> -> memref<128x16xf32, #tpu.memory_space<vmem>>
        %dma_start3A_344 = arith.constant 0 : i32
        %dma_start3A_345 = tpu.memref_slice %arg7[%add3A_268, %dma_start3A_344] : memref<104x128xi32, #tpu.memory_space<vmem>> -> memref<1x128xi32, #tpu.memory_space<vmem>>
        %dma_start3A_346 = tpu.memref_squeeze %dma_start3A_345 : memref<1x128xi32, #tpu.memory_space<vmem>> -> memref<128xi32, #tpu.memory_space<vmem>>
        %dma_start3A_347 = arith.constant 0 : i32
        %dma_start3A_348 = arith.constant 0 : i32
        %dma_start3A_349 = tpu.memref_slice %arg2[%dma_start3A_347, %dma_start3A_348] : memref<10240x16xf32, #tpu.memory_space<hbm>> -> memref<10240x16xf32, #tpu.memory_space<hbm>>
        %dma_start3A_350 = tpu.memref_slice %arg10[%dma_start3A_339] : memref<4x!tpu.dma_semaphore, #tpu.memory_space<semaphore_mem>> -> memref<1x!tpu.dma_semaphore, #tpu.memory_space<semaphore_mem>>
        %dma_start3A_351 = tpu.memref_squeeze %dma_start3A_350 : memref<1x!tpu.dma_semaphore, #tpu.memory_space<semaphore_mem>> -> memref<!tpu.dma_semaphore, #tpu.memory_space<semaphore_mem>>
        tpu.enqueue_indirect_dma source(%dma_start3A_349 : memref<10240x16xf32, #tpu.memory_space<hbm>>) target(%dma_start3A_343 : memref<128x16xf32, #tpu.memory_space<vmem>>) offsets(%dma_start3A_346 : memref<128xi32, #tpu.memory_space<vmem>>) semaphore(%dma_start3A_351 : memref<!tpu.dma_semaphore, #tpu.memory_space<semaphore_mem>>)
      } else {
      }
      %mul3A_288 = arith.constant 4 : i32
      %mul3A_289 = arith.muli %while3A_108, %mul3A_288 : i32
      %add3A_290 = arith.constant 2 : i32
      %add3A_291 = arith.addi %mul3A_289, %add3A_290 : i32
      %add3A_292 = arith.constant 4 : i32
      %add3A_293 = arith.addi %add3A_291, %add3A_292 : i32
      %dma_wait3A_294 = arith.constant 2 : i32
      %dma_wait3A_295 = arith.constant 2 : i32
      %dma_wait3A_296 = arith.constant 2 : i32
      %dma_wait3A_297 = arith.constant 0 : i32
      %dma_wait3A_298 = arith.constant 0 : i32
      %dma_wait3A_299 = tpu.memref_slice %arg9[%dma_wait3A_294, %dma_wait3A_297, %dma_wait3A_298] : memref<4x128x16xf32, #tpu.memory_space<vmem>> -> memref<1x128x16xf32, #tpu.memory_space<vmem>>
      %dma_wait3A_300 = tpu.memref_squeeze %dma_wait3A_299 : memref<1x128x16xf32, #tpu.memory_space<vmem>> -> memref<128x16xf32, #tpu.memory_space<vmem>>
      %dma_wait3A_301 = arith.constant 0 : i32
      %dma_wait3A_302 = tpu.memref_slice %arg8[%dma_wait3A_295, %dma_wait3A_301] : memref<104x128xi32, #tpu.memory_space<vmem>> -> memref<1x128xi32, #tpu.memory_space<vmem>>
      %dma_wait3A_303 = tpu.memref_squeeze %dma_wait3A_302 : memref<1x128xi32, #tpu.memory_space<vmem>> -> memref<128xi32, #tpu.memory_space<vmem>>
      %dma_wait3A_304 = arith.constant 0 : i32
      %dma_wait3A_305 = arith.constant 0 : i32
      %dma_wait3A_306 = tpu.memref_slice %arg6[%dma_wait3A_304, %dma_wait3A_305] : memref<10240x16xf32, #tpu.memory_space<vmem_shared>> -> memref<10240x16xf32, #tpu.memory_space<vmem_shared>>
      %dma_wait3A_307 = tpu.memref_slice %arg11[%dma_wait3A_296] : memref<4x!tpu.dma_semaphore, #tpu.memory_space<semaphore_mem>> -> memref<1x!tpu.dma_semaphore, #tpu.memory_space<semaphore_mem>>
      %dma_wait3A_308 = tpu.memref_squeeze %dma_wait3A_307 : memref<1x!tpu.dma_semaphore, #tpu.memory_space<semaphore_mem>> -> memref<!tpu.dma_semaphore, #tpu.memory_space<semaphore_mem>>
      tpu.wait_indirect_dma semaphore(%dma_wait3A_308 : memref<!tpu.dma_semaphore, #tpu.memory_space<semaphore_mem>>) src(%dma_wait3A_300 : memref<128x16xf32, #tpu.memory_space<vmem>>) dst(%dma_wait3A_306 : memref<10240x16xf32, #tpu.memory_space<vmem_shared>>)
      %lt3A_309 = arith.cmpi slt, %add3A_293, %select_n3A_8 : i32
      %convert_element_type3A_310 = arith.extui %lt3A_309 : i1 to i32
      %cond3A_311 = arith.constant 0 : i32
      %cond3A_312 = arith.cmpi ne, %convert_element_type3A_310, %cond3A_311 : i32
      scf.if %cond3A_312 {
        %dma_start3A_338 = arith.constant 2 : i32
        %dma_start3A_339 = arith.constant 2 : i32
        %dma_start3A_340 = arith.constant 0 : i32
        %dma_start3A_341 = arith.constant 0 : i32
        %dma_start3A_342 = tpu.memref_slice %arg9[%dma_start3A_338, %dma_start3A_340, %dma_start3A_341] : memref<4x128x16xf32, #tpu.memory_space<vmem>> -> memref<1x128x16xf32, #tpu.memory_space<vmem>>
        %dma_start3A_343 = tpu.memref_squeeze %dma_start3A_342 : memref<1x128x16xf32, #tpu.memory_space<vmem>> -> memref<128x16xf32, #tpu.memory_space<vmem>>
        %dma_start3A_344 = arith.constant 0 : i32
        %dma_start3A_345 = tpu.memref_slice %arg7[%add3A_293, %dma_start3A_344] : memref<104x128xi32, #tpu.memory_space<vmem>> -> memref<1x128xi32, #tpu.memory_space<vmem>>
        %dma_start3A_346 = tpu.memref_squeeze %dma_start3A_345 : memref<1x128xi32, #tpu.memory_space<vmem>> -> memref<128xi32, #tpu.memory_space<vmem>>
        %dma_start3A_347 = arith.constant 0 : i32
        %dma_start3A_348 = arith.constant 0 : i32
        %dma_start3A_349 = tpu.memref_slice %arg2[%dma_start3A_347, %dma_start3A_348] : memref<10240x16xf32, #tpu.memory_space<hbm>> -> memref<10240x16xf32, #tpu.memory_space<hbm>>
        %dma_start3A_350 = tpu.memref_slice %arg10[%dma_start3A_339] : memref<4x!tpu.dma_semaphore, #tpu.memory_space<semaphore_mem>> -> memref<1x!tpu.dma_semaphore, #tpu.memory_space<semaphore_mem>>
        %dma_start3A_351 = tpu.memref_squeeze %dma_start3A_350 : memref<1x!tpu.dma_semaphore, #tpu.memory_space<semaphore_mem>> -> memref<!tpu.dma_semaphore, #tpu.memory_space<semaphore_mem>>
        tpu.enqueue_indirect_dma source(%dma_start3A_349 : memref<10240x16xf32, #tpu.memory_space<hbm>>) target(%dma_start3A_343 : memref<128x16xf32, #tpu.memory_space<vmem>>) offsets(%dma_start3A_346 : memref<128xi32, #tpu.memory_space<vmem>>) semaphore(%dma_start3A_351 : memref<!tpu.dma_semaphore, #tpu.memory_space<semaphore_mem>>)
      } else {
      }
      %mul3A_313 = arith.constant 4 : i32
      %mul3A_314 = arith.muli %while3A_108, %mul3A_313 : i32
      %add3A_315 = arith.constant 3 : i32
      %add3A_316 = arith.addi %mul3A_314, %add3A_315 : i32
      %add3A_317 = arith.constant 4 : i32
      %add3A_318 = arith.addi %add3A_316, %add3A_317 : i32
      %dma_wait3A_319 = arith.constant 3 : i32
      %dma_wait3A_320 = arith.constant 3 : i32
      %dma_wait3A_321 = arith.constant 3 : i32
      %dma_wait3A_322 = arith.constant 0 : i32
      %dma_wait3A_323 = arith.constant 0 : i32
      %dma_wait3A_324 = tpu.memref_slice %arg9[%dma_wait3A_319, %dma_wait3A_322, %dma_wait3A_323] : memref<4x128x16xf32, #tpu.memory_space<vmem>> -> memref<1x128x16xf32, #tpu.memory_space<vmem>>
      %dma_wait3A_325 = tpu.memref_squeeze %dma_wait3A_324 : memref<1x128x16xf32, #tpu.memory_space<vmem>> -> memref<128x16xf32, #tpu.memory_space<vmem>>
      %dma_wait3A_326 = arith.constant 0 : i32
      %dma_wait3A_327 = tpu.memref_slice %arg8[%dma_wait3A_320, %dma_wait3A_326] : memref<104x128xi32, #tpu.memory_space<vmem>> -> memref<1x128xi32, #tpu.memory_space<vmem>>
      %dma_wait3A_328 = tpu.memref_squeeze %dma_wait3A_327 : memref<1x128xi32, #tpu.memory_space<vmem>> -> memref<128xi32, #tpu.memory_space<vmem>>
      %dma_wait3A_329 = arith.constant 0 : i32
      %dma_wait3A_330 = arith.constant 0 : i32
      %dma_wait3A_331 = tpu.memref_slice %arg6[%dma_wait3A_329, %dma_wait3A_330] : memref<10240x16xf32, #tpu.memory_space<vmem_shared>> -> memref<10240x16xf32, #tpu.memory_space<vmem_shared>>
      %dma_wait3A_332 = tpu.memref_slice %arg11[%dma_wait3A_321] : memref<4x!tpu.dma_semaphore, #tpu.memory_space<semaphore_mem>> -> memref<1x!tpu.dma_semaphore, #tpu.memory_space<semaphore_mem>>
      %dma_wait3A_333 = tpu.memref_squeeze %dma_wait3A_332 : memref<1x!tpu.dma_semaphore, #tpu.memory_space<semaphore_mem>> -> memref<!tpu.dma_semaphore, #tpu.memory_space<semaphore_mem>>
      tpu.wait_indirect_dma semaphore(%dma_wait3A_333 : memref<!tpu.dma_semaphore, #tpu.memory_space<semaphore_mem>>) src(%dma_wait3A_325 : memref<128x16xf32, #tpu.memory_space<vmem>>) dst(%dma_wait3A_331 : memref<10240x16xf32, #tpu.memory_space<vmem_shared>>)
      %lt3A_334 = arith.cmpi slt, %add3A_318, %select_n3A_8 : i32
      %convert_element_type3A_335 = arith.extui %lt3A_334 : i1 to i32
      %cond3A_336 = arith.constant 0 : i32
      %cond3A_337 = arith.cmpi ne, %convert_element_type3A_335, %cond3A_336 : i32
      scf.if %cond3A_337 {
        %dma_start3A_338 = arith.constant 3 : i32
        %dma_start3A_339 = arith.constant 3 : i32
        %dma_start3A_340 = arith.constant 0 : i32
        %dma_start3A_341 = arith.constant 0 : i32
        %dma_start3A_342 = tpu.memref_slice %arg9[%dma_start3A_338, %dma_start3A_340, %dma_start3A_341] : memref<4x128x16xf32, #tpu.memory_space<vmem>> -> memref<1x128x16xf32, #tpu.memory_space<vmem>>
        %dma_start3A_343 = tpu.memref_squeeze %dma_start3A_342 : memref<1x128x16xf32, #tpu.memory_space<vmem>> -> memref<128x16xf32, #tpu.memory_space<vmem>>
        %dma_start3A_344 = arith.constant 0 : i32
        %dma_start3A_345 = tpu.memref_slice %arg7[%add3A_318, %dma_start3A_344] : memref<104x128xi32, #tpu.memory_space<vmem>> -> memref<1x128xi32, #tpu.memory_space<vmem>>
        %dma_start3A_346 = tpu.memref_squeeze %dma_start3A_345 : memref<1x128xi32, #tpu.memory_space<vmem>> -> memref<128xi32, #tpu.memory_space<vmem>>
        %dma_start3A_347 = arith.constant 0 : i32
        %dma_start3A_348 = arith.constant 0 : i32
        %dma_start3A_349 = tpu.memref_slice %arg2[%dma_start3A_347, %dma_start3A_348] : memref<10240x16xf32, #tpu.memory_space<hbm>> -> memref<10240x16xf32, #tpu.memory_space<hbm>>
        %dma_start3A_350 = tpu.memref_slice %arg10[%dma_start3A_339] : memref<4x!tpu.dma_semaphore, #tpu.memory_space<semaphore_mem>> -> memref<1x!tpu.dma_semaphore, #tpu.memory_space<semaphore_mem>>
        %dma_start3A_351 = tpu.memref_squeeze %dma_start3A_350 : memref<1x!tpu.dma_semaphore, #tpu.memory_space<semaphore_mem>> -> memref<!tpu.dma_semaphore, #tpu.memory_space<semaphore_mem>>
        tpu.enqueue_indirect_dma source(%dma_start3A_349 : memref<10240x16xf32, #tpu.memory_space<hbm>>) target(%dma_start3A_343 : memref<128x16xf32, #tpu.memory_space<vmem>>) offsets(%dma_start3A_346 : memref<128xi32, #tpu.memory_space<vmem>>) semaphore(%dma_start3A_351 : memref<!tpu.dma_semaphore, #tpu.memory_space<semaphore_mem>>)
      } else {
      }
    }
    %barrier3A_103 = arith.constant 0 : index
    tpu.barrier barrier_id(%barrier3A_103)
    %mul3A_104 = arith.constant 640 : i32
    %mul3A_105 = arith.muli %arg1, %mul3A_104 : i32
    %mul3A_106 = arith.constant 640 : i32
    %mul3A_107 = arith.muli %arg1, %mul3A_106 : i32
    "tpu.region"() ({
      %run_scoped3A = tpu.sem_alloc : memref<!tpu.dma_semaphore, #tpu.memory_space<semaphore_mem>>
      %dma_start3A_108 = arith.constant 0 : i32
      %dma_start3A_109 = tpu.memref_slice %arg5[%arg0, %mul3A_107, %dma_start3A_108] : memref<2x10240x16xf32, #tpu.memory_space<hbm>> -> memref<1x640x16xf32, #tpu.memory_space<hbm>>
      %dma_start3A_110 = tpu.memref_squeeze %dma_start3A_109 : memref<1x640x16xf32, #tpu.memory_space<hbm>> -> memref<640x16xf32, #tpu.memory_space<hbm>>
      %dma_start3A_111 = arith.constant 0 : i32
      %dma_start3A_112 = tpu.memref_slice %arg6[%mul3A_105, %dma_start3A_111] : memref<10240x16xf32, #tpu.memory_space<vmem_shared>> -> memref<640x16xf32, #tpu.memory_space<vmem_shared>>
      tpu.enqueue_dma source(%dma_start3A_112 : memref<640x16xf32, #tpu.memory_space<vmem_shared>>) target(%dma_start3A_110 : memref<640x16xf32, #tpu.memory_space<hbm>>) target_semaphore(%run_scoped3A : memref<!tpu.dma_semaphore, #tpu.memory_space<semaphore_mem>>)
      %dma_wait3A_113 = arith.constant 0 : i32
      %dma_wait3A_114 = tpu.memref_slice %arg5[%arg0, %mul3A_107, %dma_wait3A_113] : memref<2x10240x16xf32, #tpu.memory_space<hbm>> -> memref<1x640x16xf32, #tpu.memory_space<hbm>>
      %dma_wait3A_115 = tpu.memref_squeeze %dma_wait3A_114 : memref<1x640x16xf32, #tpu.memory_space<hbm>> -> memref<640x16xf32, #tpu.memory_space<hbm>>
      %dma_wait3A_116 = arith.constant 0 : i32
      %dma_wait3A_117 = tpu.memref_slice %arg6[%mul3A_105, %dma_wait3A_116] : memref<10240x16xf32, #tpu.memory_space<vmem_shared>> -> memref<640x16xf32, #tpu.memory_space<vmem_shared>>
      tpu.wait_dma2 semaphore(%run_scoped3A : memref<!tpu.dma_semaphore, #tpu.memory_space<semaphore_mem>>) src(%dma_wait3A_117 : memref<640x16xf32, #tpu.memory_space<vmem_shared>>) dst(%dma_wait3A_115 : memref<640x16xf32, #tpu.memory_space<hbm>>)
      tpu.yield
    }) : () -> ()
    return
  }
}

#map = affine_map<(d0, d1) -> (0, 0)>
#map1 = affine_map<(d0, d1) -> (0, 0, 0)>
module attributes {stable_mosaic.version = 14 : i64} {
  func.func @_agg_body(%arg0: i32, %arg1: i32, %arg2: memref<10240x8xf32, #tpu.memory_space<hbm>>, %arg3: memref<2668x128xi32, #tpu.memory_space<hbm>>, %arg4: memref<2668x128xi32, #tpu.memory_space<hbm>>, %arg5: memref<2x10240x8xf32, #tpu.memory_space<hbm>>, %arg6: memref<10240x8xf32, #tpu.memory_space<vmem_shared>>, %arg7: memref<104x128xi32, #tpu.memory_space<vmem>>, %arg8: memref<104x128xi32, #tpu.memory_space<vmem>>, %arg9: memref<4x128x8xf32, #tpu.memory_space<vmem>>, %arg10: memref<4x!tpu.dma_semaphore, #tpu.memory_space<semaphore_mem>>, %arg11: memref<4x!tpu.dma_semaphore, #tpu.memory_space<semaphore_mem>>, %arg12: memref<!tpu.dma_semaphore, #tpu.memory_space<semaphore_mem>>) attributes {dimension_semantics = [#tpu.dimension_semantics<core_parallel>, #tpu.dimension_semantics<subcore_parallel>], iteration_bounds = array<i64: 2, 16>, scalar_prefetch = 0 : i64, scratch_operands = 7 : i64, tpu.core_type = #tpu.core_type<sc_vector_subcore>, window_params = [{transform_indices = #map}, {transform_indices = #map}, {transform_indices = #map}, {transform_indices = #map1}]} {
    %eq3A = arith.constant 0 : i32
    %eq3A_0 = arith.cmpi eq, %arg0, %eq3A : i32
    %mul3A = arith.constant 100 : i32
    %mul3A_1 = arith.muli %arg1, %mul3A : i32
    %mul3A_2 = arith.constant 64 : i32
    %mul3A_3 = arith.muli %arg1, %mul3A_2 : i32
    %add3A = arith.constant 1600 : i32
    %add3A_4 = arith.addi %add3A, %mul3A_3 : i32
    %select_n3A = arith.select %eq3A_0, %mul3A_1, %add3A_4 : i32
    %eq3A_5 = arith.constant 0 : i32
    %eq3A_6 = arith.cmpi eq, %arg0, %eq3A_5 : i32
    %jit3A = arith.constant 100 : i32
    %jit3A_7 = arith.constant 64 : i32
    %select_n3A_8 = arith.select %eq3A_6, %jit3A, %jit3A_7 : i32
    %eq3A_9 = arith.constant 0 : i32
    %eq3A_10 = arith.cmpi eq, %arg0, %eq3A_9 : i32
    %jit3A_11 = arith.constant 25 : i32
    %jit3A_12 = arith.constant 16 : i32
    %select_n3A_13 = arith.select %eq3A_10, %jit3A_11, %jit3A_12 : i32
    %dma_start3A = arith.constant 0 : i32
    %dma_start3A_14 = tpu.memref_slice %arg3[%select_n3A, %dma_start3A] : memref<2668x128xi32, #tpu.memory_space<hbm>> -> memref<104x128xi32, #tpu.memory_space<hbm>>
    %dma_start3A_15 = arith.constant 0 : i32
    %dma_start3A_16 = tpu.memref_slice %arg3[%select_n3A, %dma_start3A_15] : memref<2668x128xi32, #tpu.memory_space<hbm>> -> memref<104x128xi32, #tpu.memory_space<hbm>>
    tpu.enqueue_dma source(%dma_start3A_16 : memref<104x128xi32, #tpu.memory_space<hbm>>) target(%arg7 : memref<104x128xi32, #tpu.memory_space<vmem>>) target_semaphore(%arg12 : memref<!tpu.dma_semaphore, #tpu.memory_space<semaphore_mem>>)
    %dma_start3A_17 = arith.constant 0 : i32
    %dma_start3A_18 = tpu.memref_slice %arg4[%select_n3A, %dma_start3A_17] : memref<2668x128xi32, #tpu.memory_space<hbm>> -> memref<104x128xi32, #tpu.memory_space<hbm>>
    %dma_start3A_19 = arith.constant 0 : i32
    %dma_start3A_20 = tpu.memref_slice %arg4[%select_n3A, %dma_start3A_19] : memref<2668x128xi32, #tpu.memory_space<hbm>> -> memref<104x128xi32, #tpu.memory_space<hbm>>
    tpu.enqueue_dma source(%dma_start3A_20 : memref<104x128xi32, #tpu.memory_space<hbm>>) target(%arg8 : memref<104x128xi32, #tpu.memory_space<vmem>>) target_semaphore(%arg12 : memref<!tpu.dma_semaphore, #tpu.memory_space<semaphore_mem>>)
    %mul3A_21 = arith.constant 640 : i32
    %mul3A_22 = arith.muli %arg1, %mul3A_21 : i32
    "tpu.region"() ({
      %run_scoped3A = tpu.sem_alloc : memref<!tpu.dma_semaphore, #tpu.memory_space<semaphore_mem>>
      %dma_start3A_108 = arith.constant 0 : i32
      %dma_start3A_109 = tpu.memref_slice %arg6[%mul3A_22, %dma_start3A_108] : memref<10240x8xf32, #tpu.memory_space<vmem_shared>> -> memref<240x8xf32, #tpu.memory_space<vmem_shared>>
      %dma_start3A_110 = arith.constant 10000 : i32
      %dma_start3A_111 = arith.constant 0 : i32
      %dma_start3A_112 = tpu.memref_slice %arg2[%dma_start3A_110, %dma_start3A_111] : memref<10240x8xf32, #tpu.memory_space<hbm>> -> memref<240x8xf32, #tpu.memory_space<hbm>>
      tpu.enqueue_dma source(%dma_start3A_112 : memref<240x8xf32, #tpu.memory_space<hbm>>) target(%dma_start3A_109 : memref<240x8xf32, #tpu.memory_space<vmem_shared>>) target_semaphore(%run_scoped3A : memref<!tpu.dma_semaphore, #tpu.memory_space<semaphore_mem>>)
      %dma_wait3A_113 = arith.constant 0 : i32
      %dma_wait3A_114 = tpu.memref_slice %arg6[%mul3A_22, %dma_wait3A_113] : memref<10240x8xf32, #tpu.memory_space<vmem_shared>> -> memref<240x8xf32, #tpu.memory_space<vmem_shared>>
      %dma_wait3A_115 = arith.constant 10000 : i32
      %dma_wait3A_116 = arith.constant 0 : i32
      %dma_wait3A_117 = tpu.memref_slice %arg2[%dma_wait3A_115, %dma_wait3A_116] : memref<10240x8xf32, #tpu.memory_space<hbm>> -> memref<240x8xf32, #tpu.memory_space<hbm>>
      tpu.wait_dma2 semaphore(%run_scoped3A : memref<!tpu.dma_semaphore, #tpu.memory_space<semaphore_mem>>) src(%dma_wait3A_117 : memref<240x8xf32, #tpu.memory_space<hbm>>) dst(%dma_wait3A_114 : memref<240x8xf32, #tpu.memory_space<vmem_shared>>)
      tpu.yield
    }) : () -> ()
    %add3A_23 = arith.constant 240 : i32
    %add3A_24 = arith.addi %mul3A_22, %add3A_23 : i32
    "tpu.region"() ({
      %run_scoped3A = tpu.sem_alloc : memref<!tpu.dma_semaphore, #tpu.memory_space<semaphore_mem>>
      %dma_start3A_108 = arith.constant 0 : i32
      %dma_start3A_109 = tpu.memref_slice %arg6[%add3A_24, %dma_start3A_108] : memref<10240x8xf32, #tpu.memory_space<vmem_shared>> -> memref<240x8xf32, #tpu.memory_space<vmem_shared>>
      %dma_start3A_110 = arith.constant 10000 : i32
      %dma_start3A_111 = arith.constant 0 : i32
      %dma_start3A_112 = tpu.memref_slice %arg2[%dma_start3A_110, %dma_start3A_111] : memref<10240x8xf32, #tpu.memory_space<hbm>> -> memref<240x8xf32, #tpu.memory_space<hbm>>
      tpu.enqueue_dma source(%dma_start3A_112 : memref<240x8xf32, #tpu.memory_space<hbm>>) target(%dma_start3A_109 : memref<240x8xf32, #tpu.memory_space<vmem_shared>>) target_semaphore(%run_scoped3A : memref<!tpu.dma_semaphore, #tpu.memory_space<semaphore_mem>>)
      %dma_wait3A_113 = arith.constant 0 : i32
      %dma_wait3A_114 = tpu.memref_slice %arg6[%add3A_24, %dma_wait3A_113] : memref<10240x8xf32, #tpu.memory_space<vmem_shared>> -> memref<240x8xf32, #tpu.memory_space<vmem_shared>>
      %dma_wait3A_115 = arith.constant 10000 : i32
      %dma_wait3A_116 = arith.constant 0 : i32
      %dma_wait3A_117 = tpu.memref_slice %arg2[%dma_wait3A_115, %dma_wait3A_116] : memref<10240x8xf32, #tpu.memory_space<hbm>> -> memref<240x8xf32, #tpu.memory_space<hbm>>
      tpu.wait_dma2 semaphore(%run_scoped3A : memref<!tpu.dma_semaphore, #tpu.memory_space<semaphore_mem>>) src(%dma_wait3A_117 : memref<240x8xf32, #tpu.memory_space<hbm>>) dst(%dma_wait3A_114 : memref<240x8xf32, #tpu.memory_space<vmem_shared>>)
      tpu.yield
    }) : () -> ()
    %add3A_25 = arith.constant 480 : i32
    %add3A_26 = arith.addi %mul3A_22, %add3A_25 : i32
    "tpu.region"() ({
      %run_scoped3A = tpu.sem_alloc : memref<!tpu.dma_semaphore, #tpu.memory_space<semaphore_mem>>
      %dma_start3A_108 = arith.constant 0 : i32
      %dma_start3A_109 = tpu.memref_slice %arg6[%add3A_26, %dma_start3A_108] : memref<10240x8xf32, #tpu.memory_space<vmem_shared>> -> memref<160x8xf32, #tpu.memory_space<vmem_shared>>
      %dma_start3A_110 = arith.constant 10000 : i32
      %dma_start3A_111 = arith.constant 0 : i32
      %dma_start3A_112 = tpu.memref_slice %arg2[%dma_start3A_110, %dma_start3A_111] : memref<10240x8xf32, #tpu.memory_space<hbm>> -> memref<160x8xf32, #tpu.memory_space<hbm>>
      tpu.enqueue_dma source(%dma_start3A_112 : memref<160x8xf32, #tpu.memory_space<hbm>>) target(%dma_start3A_109 : memref<160x8xf32, #tpu.memory_space<vmem_shared>>) target_semaphore(%run_scoped3A : memref<!tpu.dma_semaphore, #tpu.memory_space<semaphore_mem>>)
      %dma_wait3A_113 = arith.constant 0 : i32
      %dma_wait3A_114 = tpu.memref_slice %arg6[%add3A_26, %dma_wait3A_113] : memref<10240x8xf32, #tpu.memory_space<vmem_shared>> -> memref<160x8xf32, #tpu.memory_space<vmem_shared>>
      %dma_wait3A_115 = arith.constant 10000 : i32
      %dma_wait3A_116 = arith.constant 0 : i32
      %dma_wait3A_117 = tpu.memref_slice %arg2[%dma_wait3A_115, %dma_wait3A_116] : memref<10240x8xf32, #tpu.memory_space<hbm>> -> memref<160x8xf32, #tpu.memory_space<hbm>>
      tpu.wait_dma2 semaphore(%run_scoped3A : memref<!tpu.dma_semaphore, #tpu.memory_space<semaphore_mem>>) src(%dma_wait3A_117 : memref<160x8xf32, #tpu.memory_space<hbm>>) dst(%dma_wait3A_114 : memref<160x8xf32, #tpu.memory_space<vmem_shared>>)
      tpu.yield
    }) : () -> ()
    %dma_wait3A = arith.constant 0 : i32
    %dma_wait3A_27 = tpu.memref_slice %arg3[%select_n3A, %dma_wait3A] : memref<2668x128xi32, #tpu.memory_space<hbm>> -> memref<104x128xi32, #tpu.memory_space<hbm>>
    %dma_wait3A_28 = arith.constant 0 : i32
    %dma_wait3A_29 = tpu.memref_slice %arg3[%select_n3A, %dma_wait3A_28] : memref<2668x128xi32, #tpu.memory_space<hbm>> -> memref<104x128xi32, #tpu.memory_space<hbm>>
    tpu.wait_dma2 semaphore(%arg12 : memref<!tpu.dma_semaphore, #tpu.memory_space<semaphore_mem>>) src(%dma_wait3A_29 : memref<104x128xi32, #tpu.memory_space<hbm>>) dst(%arg7 : memref<104x128xi32, #tpu.memory_space<vmem>>)
    %dma_wait3A_30 = arith.constant 0 : i32
    %dma_wait3A_31 = tpu.memref_slice %arg4[%select_n3A, %dma_wait3A_30] : memref<2668x128xi32, #tpu.memory_space<hbm>> -> memref<104x128xi32, #tpu.memory_space<hbm>>
    %dma_wait3A_32 = arith.constant 0 : i32
    %dma_wait3A_33 = tpu.memref_slice %arg4[%select_n3A, %dma_wait3A_32] : memref<2668x128xi32, #tpu.memory_space<hbm>> -> memref<104x128xi32, #tpu.memory_space<hbm>>
    tpu.wait_dma2 semaphore(%arg12 : memref<!tpu.dma_semaphore, #tpu.memory_space<semaphore_mem>>) src(%dma_wait3A_33 : memref<104x128xi32, #tpu.memory_space<hbm>>) dst(%arg8 : memref<104x128xi32, #tpu.memory_space<vmem>>)
    %barrier3A = arith.constant 0 : index
    tpu.barrier barrier_id(%barrier3A)
    %dma_start3A_34 = arith.constant 0 : i32
    %dma_start3A_35 = arith.constant 0 : i32
    %dma_start3A_36 = arith.constant 0 : i32
    %dma_start3A_37 = arith.constant 0 : i32
    %dma_start3A_38 = arith.constant 0 : i32
    %dma_start3A_39 = tpu.memref_slice %arg9[%dma_start3A_35, %dma_start3A_37, %dma_start3A_38] : memref<4x128x8xf32, #tpu.memory_space<vmem>> -> memref<1x128x8xf32, #tpu.memory_space<vmem>>
    %dma_start3A_40 = tpu.memref_squeeze %dma_start3A_39 : memref<1x128x8xf32, #tpu.memory_space<vmem>> -> memref<128x8xf32, #tpu.memory_space<vmem>>
    %dma_start3A_41 = arith.constant 0 : i32
    %dma_start3A_42 = tpu.memref_slice %arg7[%dma_start3A_34, %dma_start3A_41] : memref<104x128xi32, #tpu.memory_space<vmem>> -> memref<1x128xi32, #tpu.memory_space<vmem>>
    %dma_start3A_43 = tpu.memref_squeeze %dma_start3A_42 : memref<1x128xi32, #tpu.memory_space<vmem>> -> memref<128xi32, #tpu.memory_space<vmem>>
    %dma_start3A_44 = arith.constant 0 : i32
    %dma_start3A_45 = arith.constant 0 : i32
    %dma_start3A_46 = tpu.memref_slice %arg2[%dma_start3A_44, %dma_start3A_45] : memref<10240x8xf32, #tpu.memory_space<hbm>> -> memref<10240x8xf32, #tpu.memory_space<hbm>>
    %dma_start3A_47 = tpu.memref_slice %arg10[%dma_start3A_36] : memref<4x!tpu.dma_semaphore, #tpu.memory_space<semaphore_mem>> -> memref<1x!tpu.dma_semaphore, #tpu.memory_space<semaphore_mem>>
    %dma_start3A_48 = tpu.memref_squeeze %dma_start3A_47 : memref<1x!tpu.dma_semaphore, #tpu.memory_space<semaphore_mem>> -> memref<!tpu.dma_semaphore, #tpu.memory_space<semaphore_mem>>
    tpu.enqueue_indirect_dma source(%dma_start3A_46 : memref<10240x8xf32, #tpu.memory_space<hbm>>) target(%dma_start3A_40 : memref<128x8xf32, #tpu.memory_space<vmem>>) offsets(%dma_start3A_43 : memref<128xi32, #tpu.memory_space<vmem>>) semaphore(%dma_start3A_48 : memref<!tpu.dma_semaphore, #tpu.memory_space<semaphore_mem>>)
    %dma_start3A_49 = arith.constant 1 : i32
    %dma_start3A_50 = arith.constant 1 : i32
    %dma_start3A_51 = arith.constant 1 : i32
    %dma_start3A_52 = arith.constant 0 : i32
    %dma_start3A_53 = arith.constant 0 : i32
    %dma_start3A_54 = tpu.memref_slice %arg9[%dma_start3A_50, %dma_start3A_52, %dma_start3A_53] : memref<4x128x8xf32, #tpu.memory_space<vmem>> -> memref<1x128x8xf32, #tpu.memory_space<vmem>>
    %dma_start3A_55 = tpu.memref_squeeze %dma_start3A_54 : memref<1x128x8xf32, #tpu.memory_space<vmem>> -> memref<128x8xf32, #tpu.memory_space<vmem>>
    %dma_start3A_56 = arith.constant 0 : i32
    %dma_start3A_57 = tpu.memref_slice %arg7[%dma_start3A_49, %dma_start3A_56] : memref<104x128xi32, #tpu.memory_space<vmem>> -> memref<1x128xi32, #tpu.memory_space<vmem>>
    %dma_start3A_58 = tpu.memref_squeeze %dma_start3A_57 : memref<1x128xi32, #tpu.memory_space<vmem>> -> memref<128xi32, #tpu.memory_space<vmem>>
    %dma_start3A_59 = arith.constant 0 : i32
    %dma_start3A_60 = arith.constant 0 : i32
    %dma_start3A_61 = tpu.memref_slice %arg2[%dma_start3A_59, %dma_start3A_60] : memref<10240x8xf32, #tpu.memory_space<hbm>> -> memref<10240x8xf32, #tpu.memory_space<hbm>>
    %dma_start3A_62 = tpu.memref_slice %arg10[%dma_start3A_51] : memref<4x!tpu.dma_semaphore, #tpu.memory_space<semaphore_mem>> -> memref<1x!tpu.dma_semaphore, #tpu.memory_space<semaphore_mem>>
    %dma_start3A_63 = tpu.memref_squeeze %dma_start3A_62 : memref<1x!tpu.dma_semaphore, #tpu.memory_space<semaphore_mem>> -> memref<!tpu.dma_semaphore, #tpu.memory_space<semaphore_mem>>
    tpu.enqueue_indirect_dma source(%dma_start3A_61 : memref<10240x8xf32, #tpu.memory_space<hbm>>) target(%dma_start3A_55 : memref<128x8xf32, #tpu.memory_space<vmem>>) offsets(%dma_start3A_58 : memref<128xi32, #tpu.memory_space<vmem>>) semaphore(%dma_start3A_63 : memref<!tpu.dma_semaphore, #tpu.memory_space<semaphore_mem>>)
    %dma_start3A_64 = arith.constant 2 : i32
    %dma_start3A_65 = arith.constant 2 : i32
    %dma_start3A_66 = arith.constant 2 : i32
    %dma_start3A_67 = arith.constant 0 : i32
    %dma_start3A_68 = arith.constant 0 : i32
    %dma_start3A_69 = tpu.memref_slice %arg9[%dma_start3A_65, %dma_start3A_67, %dma_start3A_68] : memref<4x128x8xf32, #tpu.memory_space<vmem>> -> memref<1x128x8xf32, #tpu.memory_space<vmem>>
    %dma_start3A_70 = tpu.memref_squeeze %dma_start3A_69 : memref<1x128x8xf32, #tpu.memory_space<vmem>> -> memref<128x8xf32, #tpu.memory_space<vmem>>
    %dma_start3A_71 = arith.constant 0 : i32
    %dma_start3A_72 = tpu.memref_slice %arg7[%dma_start3A_64, %dma_start3A_71] : memref<104x128xi32, #tpu.memory_space<vmem>> -> memref<1x128xi32, #tpu.memory_space<vmem>>
    %dma_start3A_73 = tpu.memref_squeeze %dma_start3A_72 : memref<1x128xi32, #tpu.memory_space<vmem>> -> memref<128xi32, #tpu.memory_space<vmem>>
    %dma_start3A_74 = arith.constant 0 : i32
    %dma_start3A_75 = arith.constant 0 : i32
    %dma_start3A_76 = tpu.memref_slice %arg2[%dma_start3A_74, %dma_start3A_75] : memref<10240x8xf32, #tpu.memory_space<hbm>> -> memref<10240x8xf32, #tpu.memory_space<hbm>>
    %dma_start3A_77 = tpu.memref_slice %arg10[%dma_start3A_66] : memref<4x!tpu.dma_semaphore, #tpu.memory_space<semaphore_mem>> -> memref<1x!tpu.dma_semaphore, #tpu.memory_space<semaphore_mem>>
    %dma_start3A_78 = tpu.memref_squeeze %dma_start3A_77 : memref<1x!tpu.dma_semaphore, #tpu.memory_space<semaphore_mem>> -> memref<!tpu.dma_semaphore, #tpu.memory_space<semaphore_mem>>
    tpu.enqueue_indirect_dma source(%dma_start3A_76 : memref<10240x8xf32, #tpu.memory_space<hbm>>) target(%dma_start3A_70 : memref<128x8xf32, #tpu.memory_space<vmem>>) offsets(%dma_start3A_73 : memref<128xi32, #tpu.memory_space<vmem>>) semaphore(%dma_start3A_78 : memref<!tpu.dma_semaphore, #tpu.memory_space<semaphore_mem>>)
    %dma_start3A_79 = arith.constant 3 : i32
    %dma_start3A_80 = arith.constant 3 : i32
    %dma_start3A_81 = arith.constant 3 : i32
    %dma_start3A_82 = arith.constant 0 : i32
    %dma_start3A_83 = arith.constant 0 : i32
    %dma_start3A_84 = tpu.memref_slice %arg9[%dma_start3A_80, %dma_start3A_82, %dma_start3A_83] : memref<4x128x8xf32, #tpu.memory_space<vmem>> -> memref<1x128x8xf32, #tpu.memory_space<vmem>>
    %dma_start3A_85 = tpu.memref_squeeze %dma_start3A_84 : memref<1x128x8xf32, #tpu.memory_space<vmem>> -> memref<128x8xf32, #tpu.memory_space<vmem>>
    %dma_start3A_86 = arith.constant 0 : i32
    %dma_start3A_87 = tpu.memref_slice %arg7[%dma_start3A_79, %dma_start3A_86] : memref<104x128xi32, #tpu.memory_space<vmem>> -> memref<1x128xi32, #tpu.memory_space<vmem>>
    %dma_start3A_88 = tpu.memref_squeeze %dma_start3A_87 : memref<1x128xi32, #tpu.memory_space<vmem>> -> memref<128xi32, #tpu.memory_space<vmem>>
    %dma_start3A_89 = arith.constant 0 : i32
    %dma_start3A_90 = arith.constant 0 : i32
    %dma_start3A_91 = tpu.memref_slice %arg2[%dma_start3A_89, %dma_start3A_90] : memref<10240x8xf32, #tpu.memory_space<hbm>> -> memref<10240x8xf32, #tpu.memory_space<hbm>>
    %dma_start3A_92 = tpu.memref_slice %arg10[%dma_start3A_81] : memref<4x!tpu.dma_semaphore, #tpu.memory_space<semaphore_mem>> -> memref<1x!tpu.dma_semaphore, #tpu.memory_space<semaphore_mem>>
    %dma_start3A_93 = tpu.memref_squeeze %dma_start3A_92 : memref<1x!tpu.dma_semaphore, #tpu.memory_space<semaphore_mem>> -> memref<!tpu.dma_semaphore, #tpu.memory_space<semaphore_mem>>
    tpu.enqueue_indirect_dma source(%dma_start3A_91 : memref<10240x8xf32, #tpu.memory_space<hbm>>) target(%dma_start3A_85 : memref<128x8xf32, #tpu.memory_space<vmem>>) offsets(%dma_start3A_88 : memref<128xi32, #tpu.memory_space<vmem>>) semaphore(%dma_start3A_93 : memref<!tpu.dma_semaphore, #tpu.memory_space<semaphore_mem>>)
    %while3A = arith.constant 0 : i32
    %while3A_94 = arith.constant 0 : i32
    %while3A_95 = arith.subi %select_n3A_13, %while3A_94 : i32
    %while3A_96 = arith.addi %while3A_94, %while3A_95 : i32
    %while3A_97 = arith.constant 1 : i32
    %while3A_98 = arith.divsi %while3A_95, %while3A_97 : i32
    %while3A_99 = arith.muli %while3A_98, %while3A_97 : i32
    %while3A_100 = arith.addi %while3A_94, %while3A_99 : i32
    %while3A_101 = arith.constant 1 : i32
    scf.for %while3A_108 = %while3A_94 to %while3A_100 step %while3A_101  : i32 {
      %mul3A_109 = arith.constant 4 : i32
      %mul3A_110 = arith.muli %while3A_108, %mul3A_109 : i32
      %add3A_111 = arith.constant 0 : i32
      %add3A_112 = arith.addi %mul3A_110, %add3A_111 : i32
      %dma_wait3A_113 = arith.constant 0 : i32
      %dma_wait3A_114 = arith.constant 0 : i32
      %dma_wait3A_115 = arith.constant 0 : i32
      %dma_wait3A_116 = arith.constant 0 : i32
      %dma_wait3A_117 = arith.constant 0 : i32
      %dma_wait3A_118 = tpu.memref_slice %arg9[%dma_wait3A_114, %dma_wait3A_116, %dma_wait3A_117] : memref<4x128x8xf32, #tpu.memory_space<vmem>> -> memref<1x128x8xf32, #tpu.memory_space<vmem>>
      %dma_wait3A_119 = tpu.memref_squeeze %dma_wait3A_118 : memref<1x128x8xf32, #tpu.memory_space<vmem>> -> memref<128x8xf32, #tpu.memory_space<vmem>>
      %dma_wait3A_120 = arith.constant 0 : i32
      %dma_wait3A_121 = tpu.memref_slice %arg7[%dma_wait3A_113, %dma_wait3A_120] : memref<104x128xi32, #tpu.memory_space<vmem>> -> memref<1x128xi32, #tpu.memory_space<vmem>>
      %dma_wait3A_122 = tpu.memref_squeeze %dma_wait3A_121 : memref<1x128xi32, #tpu.memory_space<vmem>> -> memref<128xi32, #tpu.memory_space<vmem>>
      %dma_wait3A_123 = arith.constant 0 : i32
      %dma_wait3A_124 = arith.constant 0 : i32
      %dma_wait3A_125 = tpu.memref_slice %arg2[%dma_wait3A_123, %dma_wait3A_124] : memref<10240x8xf32, #tpu.memory_space<hbm>> -> memref<10240x8xf32, #tpu.memory_space<hbm>>
      %dma_wait3A_126 = tpu.memref_slice %arg10[%dma_wait3A_115] : memref<4x!tpu.dma_semaphore, #tpu.memory_space<semaphore_mem>> -> memref<1x!tpu.dma_semaphore, #tpu.memory_space<semaphore_mem>>
      %dma_wait3A_127 = tpu.memref_squeeze %dma_wait3A_126 : memref<1x!tpu.dma_semaphore, #tpu.memory_space<semaphore_mem>> -> memref<!tpu.dma_semaphore, #tpu.memory_space<semaphore_mem>>
      tpu.wait_indirect_dma semaphore(%dma_wait3A_127 : memref<!tpu.dma_semaphore, #tpu.memory_space<semaphore_mem>>) src(%dma_wait3A_125 : memref<10240x8xf32, #tpu.memory_space<hbm>>) dst(%dma_wait3A_119 : memref<128x8xf32, #tpu.memory_space<vmem>>)
      %dma_start3A_128 = arith.constant 0 : i32
      %dma_start3A_129 = arith.constant 0 : i32
      %dma_start3A_130 = arith.constant 0 : i32
      %dma_start3A_131 = arith.constant 0 : i32
      %dma_start3A_132 = tpu.memref_slice %arg9[%dma_start3A_128, %dma_start3A_130, %dma_start3A_131] : memref<4x128x8xf32, #tpu.memory_space<vmem>> -> memref<1x128x8xf32, #tpu.memory_space<vmem>>
      %dma_start3A_133 = tpu.memref_squeeze %dma_start3A_132 : memref<1x128x8xf32, #tpu.memory_space<vmem>> -> memref<128x8xf32, #tpu.memory_space<vmem>>
      %dma_start3A_134 = arith.constant 0 : i32
      %dma_start3A_135 = tpu.memref_slice %arg8[%add3A_112, %dma_start3A_134] : memref<104x128xi32, #tpu.memory_space<vmem>> -> memref<1x128xi32, #tpu.memory_space<vmem>>
      %dma_start3A_136 = tpu.memref_squeeze %dma_start3A_135 : memref<1x128xi32, #tpu.memory_space<vmem>> -> memref<128xi32, #tpu.memory_space<vmem>>
      %dma_start3A_137 = arith.constant 0 : i32
      %dma_start3A_138 = arith.constant 0 : i32
      %dma_start3A_139 = tpu.memref_slice %arg6[%dma_start3A_137, %dma_start3A_138] : memref<10240x8xf32, #tpu.memory_space<vmem_shared>> -> memref<10240x8xf32, #tpu.memory_space<vmem_shared>>
      %dma_start3A_140 = tpu.memref_slice %arg11[%dma_start3A_129] : memref<4x!tpu.dma_semaphore, #tpu.memory_space<semaphore_mem>> -> memref<1x!tpu.dma_semaphore, #tpu.memory_space<semaphore_mem>>
      %dma_start3A_141 = tpu.memref_squeeze %dma_start3A_140 : memref<1x!tpu.dma_semaphore, #tpu.memory_space<semaphore_mem>> -> memref<!tpu.dma_semaphore, #tpu.memory_space<semaphore_mem>>
      tpu.enqueue_indirect_dma source(%dma_start3A_133 : memref<128x8xf32, #tpu.memory_space<vmem>>) target(%dma_start3A_139 : memref<10240x8xf32, #tpu.memory_space<vmem_shared>>) offsets(%dma_start3A_136 : memref<128xi32, #tpu.memory_space<vmem>>) semaphore(%dma_start3A_141 : memref<!tpu.dma_semaphore, #tpu.memory_space<semaphore_mem>>) {add = true}
      %mul3A_142 = arith.constant 4 : i32
      %mul3A_143 = arith.muli %while3A_108, %mul3A_142 : i32
      %add3A_144 = arith.constant 1 : i32
      %add3A_145 = arith.addi %mul3A_143, %add3A_144 : i32
      %dma_wait3A_146 = arith.constant 1 : i32
      %dma_wait3A_147 = arith.constant 1 : i32
      %dma_wait3A_148 = arith.constant 1 : i32
      %dma_wait3A_149 = arith.constant 0 : i32
      %dma_wait3A_150 = arith.constant 0 : i32
      %dma_wait3A_151 = tpu.memref_slice %arg9[%dma_wait3A_147, %dma_wait3A_149, %dma_wait3A_150] : memref<4x128x8xf32, #tpu.memory_space<vmem>> -> memref<1x128x8xf32, #tpu.memory_space<vmem>>
      %dma_wait3A_152 = tpu.memref_squeeze %dma_wait3A_151 : memref<1x128x8xf32, #tpu.memory_space<vmem>> -> memref<128x8xf32, #tpu.memory_space<vmem>>
      %dma_wait3A_153 = arith.constant 0 : i32
      %dma_wait3A_154 = tpu.memref_slice %arg7[%dma_wait3A_146, %dma_wait3A_153] : memref<104x128xi32, #tpu.memory_space<vmem>> -> memref<1x128xi32, #tpu.memory_space<vmem>>
      %dma_wait3A_155 = tpu.memref_squeeze %dma_wait3A_154 : memref<1x128xi32, #tpu.memory_space<vmem>> -> memref<128xi32, #tpu.memory_space<vmem>>
      %dma_wait3A_156 = arith.constant 0 : i32
      %dma_wait3A_157 = arith.constant 0 : i32
      %dma_wait3A_158 = tpu.memref_slice %arg2[%dma_wait3A_156, %dma_wait3A_157] : memref<10240x8xf32, #tpu.memory_space<hbm>> -> memref<10240x8xf32, #tpu.memory_space<hbm>>
      %dma_wait3A_159 = tpu.memref_slice %arg10[%dma_wait3A_148] : memref<4x!tpu.dma_semaphore, #tpu.memory_space<semaphore_mem>> -> memref<1x!tpu.dma_semaphore, #tpu.memory_space<semaphore_mem>>
      %dma_wait3A_160 = tpu.memref_squeeze %dma_wait3A_159 : memref<1x!tpu.dma_semaphore, #tpu.memory_space<semaphore_mem>> -> memref<!tpu.dma_semaphore, #tpu.memory_space<semaphore_mem>>
      tpu.wait_indirect_dma semaphore(%dma_wait3A_160 : memref<!tpu.dma_semaphore, #tpu.memory_space<semaphore_mem>>) src(%dma_wait3A_158 : memref<10240x8xf32, #tpu.memory_space<hbm>>) dst(%dma_wait3A_152 : memref<128x8xf32, #tpu.memory_space<vmem>>)
      %dma_start3A_161 = arith.constant 1 : i32
      %dma_start3A_162 = arith.constant 1 : i32
      %dma_start3A_163 = arith.constant 0 : i32
      %dma_start3A_164 = arith.constant 0 : i32
      %dma_start3A_165 = tpu.memref_slice %arg9[%dma_start3A_161, %dma_start3A_163, %dma_start3A_164] : memref<4x128x8xf32, #tpu.memory_space<vmem>> -> memref<1x128x8xf32, #tpu.memory_space<vmem>>
      %dma_start3A_166 = tpu.memref_squeeze %dma_start3A_165 : memref<1x128x8xf32, #tpu.memory_space<vmem>> -> memref<128x8xf32, #tpu.memory_space<vmem>>
      %dma_start3A_167 = arith.constant 0 : i32
      %dma_start3A_168 = tpu.memref_slice %arg8[%add3A_145, %dma_start3A_167] : memref<104x128xi32, #tpu.memory_space<vmem>> -> memref<1x128xi32, #tpu.memory_space<vmem>>
      %dma_start3A_169 = tpu.memref_squeeze %dma_start3A_168 : memref<1x128xi32, #tpu.memory_space<vmem>> -> memref<128xi32, #tpu.memory_space<vmem>>
      %dma_start3A_170 = arith.constant 0 : i32
      %dma_start3A_171 = arith.constant 0 : i32
      %dma_start3A_172 = tpu.memref_slice %arg6[%dma_start3A_170, %dma_start3A_171] : memref<10240x8xf32, #tpu.memory_space<vmem_shared>> -> memref<10240x8xf32, #tpu.memory_space<vmem_shared>>
      %dma_start3A_173 = tpu.memref_slice %arg11[%dma_start3A_162] : memref<4x!tpu.dma_semaphore, #tpu.memory_space<semaphore_mem>> -> memref<1x!tpu.dma_semaphore, #tpu.memory_space<semaphore_mem>>
      %dma_start3A_174 = tpu.memref_squeeze %dma_start3A_173 : memref<1x!tpu.dma_semaphore, #tpu.memory_space<semaphore_mem>> -> memref<!tpu.dma_semaphore, #tpu.memory_space<semaphore_mem>>
      tpu.enqueue_indirect_dma source(%dma_start3A_166 : memref<128x8xf32, #tpu.memory_space<vmem>>) target(%dma_start3A_172 : memref<10240x8xf32, #tpu.memory_space<vmem_shared>>) offsets(%dma_start3A_169 : memref<128xi32, #tpu.memory_space<vmem>>) semaphore(%dma_start3A_174 : memref<!tpu.dma_semaphore, #tpu.memory_space<semaphore_mem>>) {add = true}
      %mul3A_175 = arith.constant 4 : i32
      %mul3A_176 = arith.muli %while3A_108, %mul3A_175 : i32
      %add3A_177 = arith.constant 2 : i32
      %add3A_178 = arith.addi %mul3A_176, %add3A_177 : i32
      %dma_wait3A_179 = arith.constant 2 : i32
      %dma_wait3A_180 = arith.constant 2 : i32
      %dma_wait3A_181 = arith.constant 2 : i32
      %dma_wait3A_182 = arith.constant 0 : i32
      %dma_wait3A_183 = arith.constant 0 : i32
      %dma_wait3A_184 = tpu.memref_slice %arg9[%dma_wait3A_180, %dma_wait3A_182, %dma_wait3A_183] : memref<4x128x8xf32, #tpu.memory_space<vmem>> -> memref<1x128x8xf32, #tpu.memory_space<vmem>>
      %dma_wait3A_185 = tpu.memref_squeeze %dma_wait3A_184 : memref<1x128x8xf32, #tpu.memory_space<vmem>> -> memref<128x8xf32, #tpu.memory_space<vmem>>
      %dma_wait3A_186 = arith.constant 0 : i32
      %dma_wait3A_187 = tpu.memref_slice %arg7[%dma_wait3A_179, %dma_wait3A_186] : memref<104x128xi32, #tpu.memory_space<vmem>> -> memref<1x128xi32, #tpu.memory_space<vmem>>
      %dma_wait3A_188 = tpu.memref_squeeze %dma_wait3A_187 : memref<1x128xi32, #tpu.memory_space<vmem>> -> memref<128xi32, #tpu.memory_space<vmem>>
      %dma_wait3A_189 = arith.constant 0 : i32
      %dma_wait3A_190 = arith.constant 0 : i32
      %dma_wait3A_191 = tpu.memref_slice %arg2[%dma_wait3A_189, %dma_wait3A_190] : memref<10240x8xf32, #tpu.memory_space<hbm>> -> memref<10240x8xf32, #tpu.memory_space<hbm>>
      %dma_wait3A_192 = tpu.memref_slice %arg10[%dma_wait3A_181] : memref<4x!tpu.dma_semaphore, #tpu.memory_space<semaphore_mem>> -> memref<1x!tpu.dma_semaphore, #tpu.memory_space<semaphore_mem>>
      %dma_wait3A_193 = tpu.memref_squeeze %dma_wait3A_192 : memref<1x!tpu.dma_semaphore, #tpu.memory_space<semaphore_mem>> -> memref<!tpu.dma_semaphore, #tpu.memory_space<semaphore_mem>>
      tpu.wait_indirect_dma semaphore(%dma_wait3A_193 : memref<!tpu.dma_semaphore, #tpu.memory_space<semaphore_mem>>) src(%dma_wait3A_191 : memref<10240x8xf32, #tpu.memory_space<hbm>>) dst(%dma_wait3A_185 : memref<128x8xf32, #tpu.memory_space<vmem>>)
      %dma_start3A_194 = arith.constant 2 : i32
      %dma_start3A_195 = arith.constant 2 : i32
      %dma_start3A_196 = arith.constant 0 : i32
      %dma_start3A_197 = arith.constant 0 : i32
      %dma_start3A_198 = tpu.memref_slice %arg9[%dma_start3A_194, %dma_start3A_196, %dma_start3A_197] : memref<4x128x8xf32, #tpu.memory_space<vmem>> -> memref<1x128x8xf32, #tpu.memory_space<vmem>>
      %dma_start3A_199 = tpu.memref_squeeze %dma_start3A_198 : memref<1x128x8xf32, #tpu.memory_space<vmem>> -> memref<128x8xf32, #tpu.memory_space<vmem>>
      %dma_start3A_200 = arith.constant 0 : i32
      %dma_start3A_201 = tpu.memref_slice %arg8[%add3A_178, %dma_start3A_200] : memref<104x128xi32, #tpu.memory_space<vmem>> -> memref<1x128xi32, #tpu.memory_space<vmem>>
      %dma_start3A_202 = tpu.memref_squeeze %dma_start3A_201 : memref<1x128xi32, #tpu.memory_space<vmem>> -> memref<128xi32, #tpu.memory_space<vmem>>
      %dma_start3A_203 = arith.constant 0 : i32
      %dma_start3A_204 = arith.constant 0 : i32
      %dma_start3A_205 = tpu.memref_slice %arg6[%dma_start3A_203, %dma_start3A_204] : memref<10240x8xf32, #tpu.memory_space<vmem_shared>> -> memref<10240x8xf32, #tpu.memory_space<vmem_shared>>
      %dma_start3A_206 = tpu.memref_slice %arg11[%dma_start3A_195] : memref<4x!tpu.dma_semaphore, #tpu.memory_space<semaphore_mem>> -> memref<1x!tpu.dma_semaphore, #tpu.memory_space<semaphore_mem>>
      %dma_start3A_207 = tpu.memref_squeeze %dma_start3A_206 : memref<1x!tpu.dma_semaphore, #tpu.memory_space<semaphore_mem>> -> memref<!tpu.dma_semaphore, #tpu.memory_space<semaphore_mem>>
      tpu.enqueue_indirect_dma source(%dma_start3A_199 : memref<128x8xf32, #tpu.memory_space<vmem>>) target(%dma_start3A_205 : memref<10240x8xf32, #tpu.memory_space<vmem_shared>>) offsets(%dma_start3A_202 : memref<128xi32, #tpu.memory_space<vmem>>) semaphore(%dma_start3A_207 : memref<!tpu.dma_semaphore, #tpu.memory_space<semaphore_mem>>) {add = true}
      %mul3A_208 = arith.constant 4 : i32
      %mul3A_209 = arith.muli %while3A_108, %mul3A_208 : i32
      %add3A_210 = arith.constant 3 : i32
      %add3A_211 = arith.addi %mul3A_209, %add3A_210 : i32
      %dma_wait3A_212 = arith.constant 3 : i32
      %dma_wait3A_213 = arith.constant 3 : i32
      %dma_wait3A_214 = arith.constant 3 : i32
      %dma_wait3A_215 = arith.constant 0 : i32
      %dma_wait3A_216 = arith.constant 0 : i32
      %dma_wait3A_217 = tpu.memref_slice %arg9[%dma_wait3A_213, %dma_wait3A_215, %dma_wait3A_216] : memref<4x128x8xf32, #tpu.memory_space<vmem>> -> memref<1x128x8xf32, #tpu.memory_space<vmem>>
      %dma_wait3A_218 = tpu.memref_squeeze %dma_wait3A_217 : memref<1x128x8xf32, #tpu.memory_space<vmem>> -> memref<128x8xf32, #tpu.memory_space<vmem>>
      %dma_wait3A_219 = arith.constant 0 : i32
      %dma_wait3A_220 = tpu.memref_slice %arg7[%dma_wait3A_212, %dma_wait3A_219] : memref<104x128xi32, #tpu.memory_space<vmem>> -> memref<1x128xi32, #tpu.memory_space<vmem>>
      %dma_wait3A_221 = tpu.memref_squeeze %dma_wait3A_220 : memref<1x128xi32, #tpu.memory_space<vmem>> -> memref<128xi32, #tpu.memory_space<vmem>>
      %dma_wait3A_222 = arith.constant 0 : i32
      %dma_wait3A_223 = arith.constant 0 : i32
      %dma_wait3A_224 = tpu.memref_slice %arg2[%dma_wait3A_222, %dma_wait3A_223] : memref<10240x8xf32, #tpu.memory_space<hbm>> -> memref<10240x8xf32, #tpu.memory_space<hbm>>
      %dma_wait3A_225 = tpu.memref_slice %arg10[%dma_wait3A_214] : memref<4x!tpu.dma_semaphore, #tpu.memory_space<semaphore_mem>> -> memref<1x!tpu.dma_semaphore, #tpu.memory_space<semaphore_mem>>
      %dma_wait3A_226 = tpu.memref_squeeze %dma_wait3A_225 : memref<1x!tpu.dma_semaphore, #tpu.memory_space<semaphore_mem>> -> memref<!tpu.dma_semaphore, #tpu.memory_space<semaphore_mem>>
      tpu.wait_indirect_dma semaphore(%dma_wait3A_226 : memref<!tpu.dma_semaphore, #tpu.memory_space<semaphore_mem>>) src(%dma_wait3A_224 : memref<10240x8xf32, #tpu.memory_space<hbm>>) dst(%dma_wait3A_218 : memref<128x8xf32, #tpu.memory_space<vmem>>)
      %dma_start3A_227 = arith.constant 3 : i32
      %dma_start3A_228 = arith.constant 3 : i32
      %dma_start3A_229 = arith.constant 0 : i32
      %dma_start3A_230 = arith.constant 0 : i32
      %dma_start3A_231 = tpu.memref_slice %arg9[%dma_start3A_227, %dma_start3A_229, %dma_start3A_230] : memref<4x128x8xf32, #tpu.memory_space<vmem>> -> memref<1x128x8xf32, #tpu.memory_space<vmem>>
      %dma_start3A_232 = tpu.memref_squeeze %dma_start3A_231 : memref<1x128x8xf32, #tpu.memory_space<vmem>> -> memref<128x8xf32, #tpu.memory_space<vmem>>
      %dma_start3A_233 = arith.constant 0 : i32
      %dma_start3A_234 = tpu.memref_slice %arg8[%add3A_211, %dma_start3A_233] : memref<104x128xi32, #tpu.memory_space<vmem>> -> memref<1x128xi32, #tpu.memory_space<vmem>>
      %dma_start3A_235 = tpu.memref_squeeze %dma_start3A_234 : memref<1x128xi32, #tpu.memory_space<vmem>> -> memref<128xi32, #tpu.memory_space<vmem>>
      %dma_start3A_236 = arith.constant 0 : i32
      %dma_start3A_237 = arith.constant 0 : i32
      %dma_start3A_238 = tpu.memref_slice %arg6[%dma_start3A_236, %dma_start3A_237] : memref<10240x8xf32, #tpu.memory_space<vmem_shared>> -> memref<10240x8xf32, #tpu.memory_space<vmem_shared>>
      %dma_start3A_239 = tpu.memref_slice %arg11[%dma_start3A_228] : memref<4x!tpu.dma_semaphore, #tpu.memory_space<semaphore_mem>> -> memref<1x!tpu.dma_semaphore, #tpu.memory_space<semaphore_mem>>
      %dma_start3A_240 = tpu.memref_squeeze %dma_start3A_239 : memref<1x!tpu.dma_semaphore, #tpu.memory_space<semaphore_mem>> -> memref<!tpu.dma_semaphore, #tpu.memory_space<semaphore_mem>>
      tpu.enqueue_indirect_dma source(%dma_start3A_232 : memref<128x8xf32, #tpu.memory_space<vmem>>) target(%dma_start3A_238 : memref<10240x8xf32, #tpu.memory_space<vmem_shared>>) offsets(%dma_start3A_235 : memref<128xi32, #tpu.memory_space<vmem>>) semaphore(%dma_start3A_240 : memref<!tpu.dma_semaphore, #tpu.memory_space<semaphore_mem>>) {add = true}
      %mul3A_241 = arith.constant 4 : i32
      %mul3A_242 = arith.muli %while3A_108, %mul3A_241 : i32
      %add3A_243 = arith.constant 0 : i32
      %add3A_244 = arith.addi %mul3A_242, %add3A_243 : i32
      %add3A_245 = arith.constant 4 : i32
      %add3A_246 = arith.addi %add3A_244, %add3A_245 : i32
      %dma_wait3A_247 = arith.constant 0 : i32
      %dma_wait3A_248 = arith.constant 0 : i32
      %dma_wait3A_249 = arith.constant 0 : i32
      %dma_wait3A_250 = arith.constant 0 : i32
      %dma_wait3A_251 = arith.constant 0 : i32
      %dma_wait3A_252 = tpu.memref_slice %arg9[%dma_wait3A_247, %dma_wait3A_250, %dma_wait3A_251] : memref<4x128x8xf32, #tpu.memory_space<vmem>> -> memref<1x128x8xf32, #tpu.memory_space<vmem>>
      %dma_wait3A_253 = tpu.memref_squeeze %dma_wait3A_252 : memref<1x128x8xf32, #tpu.memory_space<vmem>> -> memref<128x8xf32, #tpu.memory_space<vmem>>
      %dma_wait3A_254 = arith.constant 0 : i32
      %dma_wait3A_255 = tpu.memref_slice %arg8[%dma_wait3A_248, %dma_wait3A_254] : memref<104x128xi32, #tpu.memory_space<vmem>> -> memref<1x128xi32, #tpu.memory_space<vmem>>
      %dma_wait3A_256 = tpu.memref_squeeze %dma_wait3A_255 : memref<1x128xi32, #tpu.memory_space<vmem>> -> memref<128xi32, #tpu.memory_space<vmem>>
      %dma_wait3A_257 = arith.constant 0 : i32
      %dma_wait3A_258 = arith.constant 0 : i32
      %dma_wait3A_259 = tpu.memref_slice %arg6[%dma_wait3A_257, %dma_wait3A_258] : memref<10240x8xf32, #tpu.memory_space<vmem_shared>> -> memref<10240x8xf32, #tpu.memory_space<vmem_shared>>
      %dma_wait3A_260 = tpu.memref_slice %arg11[%dma_wait3A_249] : memref<4x!tpu.dma_semaphore, #tpu.memory_space<semaphore_mem>> -> memref<1x!tpu.dma_semaphore, #tpu.memory_space<semaphore_mem>>
      %dma_wait3A_261 = tpu.memref_squeeze %dma_wait3A_260 : memref<1x!tpu.dma_semaphore, #tpu.memory_space<semaphore_mem>> -> memref<!tpu.dma_semaphore, #tpu.memory_space<semaphore_mem>>
      tpu.wait_indirect_dma semaphore(%dma_wait3A_261 : memref<!tpu.dma_semaphore, #tpu.memory_space<semaphore_mem>>) src(%dma_wait3A_253 : memref<128x8xf32, #tpu.memory_space<vmem>>) dst(%dma_wait3A_259 : memref<10240x8xf32, #tpu.memory_space<vmem_shared>>)
      %lt3A = arith.cmpi slt, %add3A_246, %select_n3A_8 : i32
      %convert_element_type3A = arith.extui %lt3A : i1 to i32
      %cond3A = arith.constant 0 : i32
      %cond3A_262 = arith.cmpi ne, %convert_element_type3A, %cond3A : i32
      scf.if %cond3A_262 {
        %dma_start3A_338 = arith.constant 0 : i32
        %dma_start3A_339 = arith.constant 0 : i32
        %dma_start3A_340 = arith.constant 0 : i32
        %dma_start3A_341 = arith.constant 0 : i32
        %dma_start3A_342 = tpu.memref_slice %arg9[%dma_start3A_338, %dma_start3A_340, %dma_start3A_341] : memref<4x128x8xf32, #tpu.memory_space<vmem>> -> memref<1x128x8xf32, #tpu.memory_space<vmem>>
        %dma_start3A_343 = tpu.memref_squeeze %dma_start3A_342 : memref<1x128x8xf32, #tpu.memory_space<vmem>> -> memref<128x8xf32, #tpu.memory_space<vmem>>
        %dma_start3A_344 = arith.constant 0 : i32
        %dma_start3A_345 = tpu.memref_slice %arg7[%add3A_246, %dma_start3A_344] : memref<104x128xi32, #tpu.memory_space<vmem>> -> memref<1x128xi32, #tpu.memory_space<vmem>>
        %dma_start3A_346 = tpu.memref_squeeze %dma_start3A_345 : memref<1x128xi32, #tpu.memory_space<vmem>> -> memref<128xi32, #tpu.memory_space<vmem>>
        %dma_start3A_347 = arith.constant 0 : i32
        %dma_start3A_348 = arith.constant 0 : i32
        %dma_start3A_349 = tpu.memref_slice %arg2[%dma_start3A_347, %dma_start3A_348] : memref<10240x8xf32, #tpu.memory_space<hbm>> -> memref<10240x8xf32, #tpu.memory_space<hbm>>
        %dma_start3A_350 = tpu.memref_slice %arg10[%dma_start3A_339] : memref<4x!tpu.dma_semaphore, #tpu.memory_space<semaphore_mem>> -> memref<1x!tpu.dma_semaphore, #tpu.memory_space<semaphore_mem>>
        %dma_start3A_351 = tpu.memref_squeeze %dma_start3A_350 : memref<1x!tpu.dma_semaphore, #tpu.memory_space<semaphore_mem>> -> memref<!tpu.dma_semaphore, #tpu.memory_space<semaphore_mem>>
        tpu.enqueue_indirect_dma source(%dma_start3A_349 : memref<10240x8xf32, #tpu.memory_space<hbm>>) target(%dma_start3A_343 : memref<128x8xf32, #tpu.memory_space<vmem>>) offsets(%dma_start3A_346 : memref<128xi32, #tpu.memory_space<vmem>>) semaphore(%dma_start3A_351 : memref<!tpu.dma_semaphore, #tpu.memory_space<semaphore_mem>>)
      } else {
      }
      %mul3A_263 = arith.constant 4 : i32
      %mul3A_264 = arith.muli %while3A_108, %mul3A_263 : i32
      %add3A_265 = arith.constant 1 : i32
      %add3A_266 = arith.addi %mul3A_264, %add3A_265 : i32
      %add3A_267 = arith.constant 4 : i32
      %add3A_268 = arith.addi %add3A_266, %add3A_267 : i32
      %dma_wait3A_269 = arith.constant 1 : i32
      %dma_wait3A_270 = arith.constant 1 : i32
      %dma_wait3A_271 = arith.constant 1 : i32
      %dma_wait3A_272 = arith.constant 0 : i32
      %dma_wait3A_273 = arith.constant 0 : i32
      %dma_wait3A_274 = tpu.memref_slice %arg9[%dma_wait3A_269, %dma_wait3A_272, %dma_wait3A_273] : memref<4x128x8xf32, #tpu.memory_space<vmem>> -> memref<1x128x8xf32, #tpu.memory_space<vmem>>
      %dma_wait3A_275 = tpu.memref_squeeze %dma_wait3A_274 : memref<1x128x8xf32, #tpu.memory_space<vmem>> -> memref<128x8xf32, #tpu.memory_space<vmem>>
      %dma_wait3A_276 = arith.constant 0 : i32
      %dma_wait3A_277 = tpu.memref_slice %arg8[%dma_wait3A_270, %dma_wait3A_276] : memref<104x128xi32, #tpu.memory_space<vmem>> -> memref<1x128xi32, #tpu.memory_space<vmem>>
      %dma_wait3A_278 = tpu.memref_squeeze %dma_wait3A_277 : memref<1x128xi32, #tpu.memory_space<vmem>> -> memref<128xi32, #tpu.memory_space<vmem>>
      %dma_wait3A_279 = arith.constant 0 : i32
      %dma_wait3A_280 = arith.constant 0 : i32
      %dma_wait3A_281 = tpu.memref_slice %arg6[%dma_wait3A_279, %dma_wait3A_280] : memref<10240x8xf32, #tpu.memory_space<vmem_shared>> -> memref<10240x8xf32, #tpu.memory_space<vmem_shared>>
      %dma_wait3A_282 = tpu.memref_slice %arg11[%dma_wait3A_271] : memref<4x!tpu.dma_semaphore, #tpu.memory_space<semaphore_mem>> -> memref<1x!tpu.dma_semaphore, #tpu.memory_space<semaphore_mem>>
      %dma_wait3A_283 = tpu.memref_squeeze %dma_wait3A_282 : memref<1x!tpu.dma_semaphore, #tpu.memory_space<semaphore_mem>> -> memref<!tpu.dma_semaphore, #tpu.memory_space<semaphore_mem>>
      tpu.wait_indirect_dma semaphore(%dma_wait3A_283 : memref<!tpu.dma_semaphore, #tpu.memory_space<semaphore_mem>>) src(%dma_wait3A_275 : memref<128x8xf32, #tpu.memory_space<vmem>>) dst(%dma_wait3A_281 : memref<10240x8xf32, #tpu.memory_space<vmem_shared>>)
      %lt3A_284 = arith.cmpi slt, %add3A_268, %select_n3A_8 : i32
      %convert_element_type3A_285 = arith.extui %lt3A_284 : i1 to i32
      %cond3A_286 = arith.constant 0 : i32
      %cond3A_287 = arith.cmpi ne, %convert_element_type3A_285, %cond3A_286 : i32
      scf.if %cond3A_287 {
        %dma_start3A_338 = arith.constant 1 : i32
        %dma_start3A_339 = arith.constant 1 : i32
        %dma_start3A_340 = arith.constant 0 : i32
        %dma_start3A_341 = arith.constant 0 : i32
        %dma_start3A_342 = tpu.memref_slice %arg9[%dma_start3A_338, %dma_start3A_340, %dma_start3A_341] : memref<4x128x8xf32, #tpu.memory_space<vmem>> -> memref<1x128x8xf32, #tpu.memory_space<vmem>>
        %dma_start3A_343 = tpu.memref_squeeze %dma_start3A_342 : memref<1x128x8xf32, #tpu.memory_space<vmem>> -> memref<128x8xf32, #tpu.memory_space<vmem>>
        %dma_start3A_344 = arith.constant 0 : i32
        %dma_start3A_345 = tpu.memref_slice %arg7[%add3A_268, %dma_start3A_344] : memref<104x128xi32, #tpu.memory_space<vmem>> -> memref<1x128xi32, #tpu.memory_space<vmem>>
        %dma_start3A_346 = tpu.memref_squeeze %dma_start3A_345 : memref<1x128xi32, #tpu.memory_space<vmem>> -> memref<128xi32, #tpu.memory_space<vmem>>
        %dma_start3A_347 = arith.constant 0 : i32
        %dma_start3A_348 = arith.constant 0 : i32
        %dma_start3A_349 = tpu.memref_slice %arg2[%dma_start3A_347, %dma_start3A_348] : memref<10240x8xf32, #tpu.memory_space<hbm>> -> memref<10240x8xf32, #tpu.memory_space<hbm>>
        %dma_start3A_350 = tpu.memref_slice %arg10[%dma_start3A_339] : memref<4x!tpu.dma_semaphore, #tpu.memory_space<semaphore_mem>> -> memref<1x!tpu.dma_semaphore, #tpu.memory_space<semaphore_mem>>
        %dma_start3A_351 = tpu.memref_squeeze %dma_start3A_350 : memref<1x!tpu.dma_semaphore, #tpu.memory_space<semaphore_mem>> -> memref<!tpu.dma_semaphore, #tpu.memory_space<semaphore_mem>>
        tpu.enqueue_indirect_dma source(%dma_start3A_349 : memref<10240x8xf32, #tpu.memory_space<hbm>>) target(%dma_start3A_343 : memref<128x8xf32, #tpu.memory_space<vmem>>) offsets(%dma_start3A_346 : memref<128xi32, #tpu.memory_space<vmem>>) semaphore(%dma_start3A_351 : memref<!tpu.dma_semaphore, #tpu.memory_space<semaphore_mem>>)
      } else {
      }
      %mul3A_288 = arith.constant 4 : i32
      %mul3A_289 = arith.muli %while3A_108, %mul3A_288 : i32
      %add3A_290 = arith.constant 2 : i32
      %add3A_291 = arith.addi %mul3A_289, %add3A_290 : i32
      %add3A_292 = arith.constant 4 : i32
      %add3A_293 = arith.addi %add3A_291, %add3A_292 : i32
      %dma_wait3A_294 = arith.constant 2 : i32
      %dma_wait3A_295 = arith.constant 2 : i32
      %dma_wait3A_296 = arith.constant 2 : i32
      %dma_wait3A_297 = arith.constant 0 : i32
      %dma_wait3A_298 = arith.constant 0 : i32
      %dma_wait3A_299 = tpu.memref_slice %arg9[%dma_wait3A_294, %dma_wait3A_297, %dma_wait3A_298] : memref<4x128x8xf32, #tpu.memory_space<vmem>> -> memref<1x128x8xf32, #tpu.memory_space<vmem>>
      %dma_wait3A_300 = tpu.memref_squeeze %dma_wait3A_299 : memref<1x128x8xf32, #tpu.memory_space<vmem>> -> memref<128x8xf32, #tpu.memory_space<vmem>>
      %dma_wait3A_301 = arith.constant 0 : i32
      %dma_wait3A_302 = tpu.memref_slice %arg8[%dma_wait3A_295, %dma_wait3A_301] : memref<104x128xi32, #tpu.memory_space<vmem>> -> memref<1x128xi32, #tpu.memory_space<vmem>>
      %dma_wait3A_303 = tpu.memref_squeeze %dma_wait3A_302 : memref<1x128xi32, #tpu.memory_space<vmem>> -> memref<128xi32, #tpu.memory_space<vmem>>
      %dma_wait3A_304 = arith.constant 0 : i32
      %dma_wait3A_305 = arith.constant 0 : i32
      %dma_wait3A_306 = tpu.memref_slice %arg6[%dma_wait3A_304, %dma_wait3A_305] : memref<10240x8xf32, #tpu.memory_space<vmem_shared>> -> memref<10240x8xf32, #tpu.memory_space<vmem_shared>>
      %dma_wait3A_307 = tpu.memref_slice %arg11[%dma_wait3A_296] : memref<4x!tpu.dma_semaphore, #tpu.memory_space<semaphore_mem>> -> memref<1x!tpu.dma_semaphore, #tpu.memory_space<semaphore_mem>>
      %dma_wait3A_308 = tpu.memref_squeeze %dma_wait3A_307 : memref<1x!tpu.dma_semaphore, #tpu.memory_space<semaphore_mem>> -> memref<!tpu.dma_semaphore, #tpu.memory_space<semaphore_mem>>
      tpu.wait_indirect_dma semaphore(%dma_wait3A_308 : memref<!tpu.dma_semaphore, #tpu.memory_space<semaphore_mem>>) src(%dma_wait3A_300 : memref<128x8xf32, #tpu.memory_space<vmem>>) dst(%dma_wait3A_306 : memref<10240x8xf32, #tpu.memory_space<vmem_shared>>)
      %lt3A_309 = arith.cmpi slt, %add3A_293, %select_n3A_8 : i32
      %convert_element_type3A_310 = arith.extui %lt3A_309 : i1 to i32
      %cond3A_311 = arith.constant 0 : i32
      %cond3A_312 = arith.cmpi ne, %convert_element_type3A_310, %cond3A_311 : i32
      scf.if %cond3A_312 {
        %dma_start3A_338 = arith.constant 2 : i32
        %dma_start3A_339 = arith.constant 2 : i32
        %dma_start3A_340 = arith.constant 0 : i32
        %dma_start3A_341 = arith.constant 0 : i32
        %dma_start3A_342 = tpu.memref_slice %arg9[%dma_start3A_338, %dma_start3A_340, %dma_start3A_341] : memref<4x128x8xf32, #tpu.memory_space<vmem>> -> memref<1x128x8xf32, #tpu.memory_space<vmem>>
        %dma_start3A_343 = tpu.memref_squeeze %dma_start3A_342 : memref<1x128x8xf32, #tpu.memory_space<vmem>> -> memref<128x8xf32, #tpu.memory_space<vmem>>
        %dma_start3A_344 = arith.constant 0 : i32
        %dma_start3A_345 = tpu.memref_slice %arg7[%add3A_293, %dma_start3A_344] : memref<104x128xi32, #tpu.memory_space<vmem>> -> memref<1x128xi32, #tpu.memory_space<vmem>>
        %dma_start3A_346 = tpu.memref_squeeze %dma_start3A_345 : memref<1x128xi32, #tpu.memory_space<vmem>> -> memref<128xi32, #tpu.memory_space<vmem>>
        %dma_start3A_347 = arith.constant 0 : i32
        %dma_start3A_348 = arith.constant 0 : i32
        %dma_start3A_349 = tpu.memref_slice %arg2[%dma_start3A_347, %dma_start3A_348] : memref<10240x8xf32, #tpu.memory_space<hbm>> -> memref<10240x8xf32, #tpu.memory_space<hbm>>
        %dma_start3A_350 = tpu.memref_slice %arg10[%dma_start3A_339] : memref<4x!tpu.dma_semaphore, #tpu.memory_space<semaphore_mem>> -> memref<1x!tpu.dma_semaphore, #tpu.memory_space<semaphore_mem>>
        %dma_start3A_351 = tpu.memref_squeeze %dma_start3A_350 : memref<1x!tpu.dma_semaphore, #tpu.memory_space<semaphore_mem>> -> memref<!tpu.dma_semaphore, #tpu.memory_space<semaphore_mem>>
        tpu.enqueue_indirect_dma source(%dma_start3A_349 : memref<10240x8xf32, #tpu.memory_space<hbm>>) target(%dma_start3A_343 : memref<128x8xf32, #tpu.memory_space<vmem>>) offsets(%dma_start3A_346 : memref<128xi32, #tpu.memory_space<vmem>>) semaphore(%dma_start3A_351 : memref<!tpu.dma_semaphore, #tpu.memory_space<semaphore_mem>>)
      } else {
      }
      %mul3A_313 = arith.constant 4 : i32
      %mul3A_314 = arith.muli %while3A_108, %mul3A_313 : i32
      %add3A_315 = arith.constant 3 : i32
      %add3A_316 = arith.addi %mul3A_314, %add3A_315 : i32
      %add3A_317 = arith.constant 4 : i32
      %add3A_318 = arith.addi %add3A_316, %add3A_317 : i32
      %dma_wait3A_319 = arith.constant 3 : i32
      %dma_wait3A_320 = arith.constant 3 : i32
      %dma_wait3A_321 = arith.constant 3 : i32
      %dma_wait3A_322 = arith.constant 0 : i32
      %dma_wait3A_323 = arith.constant 0 : i32
      %dma_wait3A_324 = tpu.memref_slice %arg9[%dma_wait3A_319, %dma_wait3A_322, %dma_wait3A_323] : memref<4x128x8xf32, #tpu.memory_space<vmem>> -> memref<1x128x8xf32, #tpu.memory_space<vmem>>
      %dma_wait3A_325 = tpu.memref_squeeze %dma_wait3A_324 : memref<1x128x8xf32, #tpu.memory_space<vmem>> -> memref<128x8xf32, #tpu.memory_space<vmem>>
      %dma_wait3A_326 = arith.constant 0 : i32
      %dma_wait3A_327 = tpu.memref_slice %arg8[%dma_wait3A_320, %dma_wait3A_326] : memref<104x128xi32, #tpu.memory_space<vmem>> -> memref<1x128xi32, #tpu.memory_space<vmem>>
      %dma_wait3A_328 = tpu.memref_squeeze %dma_wait3A_327 : memref<1x128xi32, #tpu.memory_space<vmem>> -> memref<128xi32, #tpu.memory_space<vmem>>
      %dma_wait3A_329 = arith.constant 0 : i32
      %dma_wait3A_330 = arith.constant 0 : i32
      %dma_wait3A_331 = tpu.memref_slice %arg6[%dma_wait3A_329, %dma_wait3A_330] : memref<10240x8xf32, #tpu.memory_space<vmem_shared>> -> memref<10240x8xf32, #tpu.memory_space<vmem_shared>>
      %dma_wait3A_332 = tpu.memref_slice %arg11[%dma_wait3A_321] : memref<4x!tpu.dma_semaphore, #tpu.memory_space<semaphore_mem>> -> memref<1x!tpu.dma_semaphore, #tpu.memory_space<semaphore_mem>>
      %dma_wait3A_333 = tpu.memref_squeeze %dma_wait3A_332 : memref<1x!tpu.dma_semaphore, #tpu.memory_space<semaphore_mem>> -> memref<!tpu.dma_semaphore, #tpu.memory_space<semaphore_mem>>
      tpu.wait_indirect_dma semaphore(%dma_wait3A_333 : memref<!tpu.dma_semaphore, #tpu.memory_space<semaphore_mem>>) src(%dma_wait3A_325 : memref<128x8xf32, #tpu.memory_space<vmem>>) dst(%dma_wait3A_331 : memref<10240x8xf32, #tpu.memory_space<vmem_shared>>)
      %lt3A_334 = arith.cmpi slt, %add3A_318, %select_n3A_8 : i32
      %convert_element_type3A_335 = arith.extui %lt3A_334 : i1 to i32
      %cond3A_336 = arith.constant 0 : i32
      %cond3A_337 = arith.cmpi ne, %convert_element_type3A_335, %cond3A_336 : i32
      scf.if %cond3A_337 {
        %dma_start3A_338 = arith.constant 3 : i32
        %dma_start3A_339 = arith.constant 3 : i32
        %dma_start3A_340 = arith.constant 0 : i32
        %dma_start3A_341 = arith.constant 0 : i32
        %dma_start3A_342 = tpu.memref_slice %arg9[%dma_start3A_338, %dma_start3A_340, %dma_start3A_341] : memref<4x128x8xf32, #tpu.memory_space<vmem>> -> memref<1x128x8xf32, #tpu.memory_space<vmem>>
        %dma_start3A_343 = tpu.memref_squeeze %dma_start3A_342 : memref<1x128x8xf32, #tpu.memory_space<vmem>> -> memref<128x8xf32, #tpu.memory_space<vmem>>
        %dma_start3A_344 = arith.constant 0 : i32
        %dma_start3A_345 = tpu.memref_slice %arg7[%add3A_318, %dma_start3A_344] : memref<104x128xi32, #tpu.memory_space<vmem>> -> memref<1x128xi32, #tpu.memory_space<vmem>>
        %dma_start3A_346 = tpu.memref_squeeze %dma_start3A_345 : memref<1x128xi32, #tpu.memory_space<vmem>> -> memref<128xi32, #tpu.memory_space<vmem>>
        %dma_start3A_347 = arith.constant 0 : i32
        %dma_start3A_348 = arith.constant 0 : i32
        %dma_start3A_349 = tpu.memref_slice %arg2[%dma_start3A_347, %dma_start3A_348] : memref<10240x8xf32, #tpu.memory_space<hbm>> -> memref<10240x8xf32, #tpu.memory_space<hbm>>
        %dma_start3A_350 = tpu.memref_slice %arg10[%dma_start3A_339] : memref<4x!tpu.dma_semaphore, #tpu.memory_space<semaphore_mem>> -> memref<1x!tpu.dma_semaphore, #tpu.memory_space<semaphore_mem>>
        %dma_start3A_351 = tpu.memref_squeeze %dma_start3A_350 : memref<1x!tpu.dma_semaphore, #tpu.memory_space<semaphore_mem>> -> memref<!tpu.dma_semaphore, #tpu.memory_space<semaphore_mem>>
        tpu.enqueue_indirect_dma source(%dma_start3A_349 : memref<10240x8xf32, #tpu.memory_space<hbm>>) target(%dma_start3A_343 : memref<128x8xf32, #tpu.memory_space<vmem>>) offsets(%dma_start3A_346 : memref<128xi32, #tpu.memory_space<vmem>>) semaphore(%dma_start3A_351 : memref<!tpu.dma_semaphore, #tpu.memory_space<semaphore_mem>>)
      } else {
      }
    }
    %while3A_102 = arith.constant 1 : i32
    scf.for %while3A_108 = %while3A_100 to %while3A_96 step %while3A_102  : i32 {
      %mul3A_109 = arith.constant 4 : i32
      %mul3A_110 = arith.muli %while3A_108, %mul3A_109 : i32
      %add3A_111 = arith.constant 0 : i32
      %add3A_112 = arith.addi %mul3A_110, %add3A_111 : i32
      %dma_wait3A_113 = arith.constant 0 : i32
      %dma_wait3A_114 = arith.constant 0 : i32
      %dma_wait3A_115 = arith.constant 0 : i32
      %dma_wait3A_116 = arith.constant 0 : i32
      %dma_wait3A_117 = arith.constant 0 : i32
      %dma_wait3A_118 = tpu.memref_slice %arg9[%dma_wait3A_114, %dma_wait3A_116, %dma_wait3A_117] : memref<4x128x8xf32, #tpu.memory_space<vmem>> -> memref<1x128x8xf32, #tpu.memory_space<vmem>>
      %dma_wait3A_119 = tpu.memref_squeeze %dma_wait3A_118 : memref<1x128x8xf32, #tpu.memory_space<vmem>> -> memref<128x8xf32, #tpu.memory_space<vmem>>
      %dma_wait3A_120 = arith.constant 0 : i32
      %dma_wait3A_121 = tpu.memref_slice %arg7[%dma_wait3A_113, %dma_wait3A_120] : memref<104x128xi32, #tpu.memory_space<vmem>> -> memref<1x128xi32, #tpu.memory_space<vmem>>
      %dma_wait3A_122 = tpu.memref_squeeze %dma_wait3A_121 : memref<1x128xi32, #tpu.memory_space<vmem>> -> memref<128xi32, #tpu.memory_space<vmem>>
      %dma_wait3A_123 = arith.constant 0 : i32
      %dma_wait3A_124 = arith.constant 0 : i32
      %dma_wait3A_125 = tpu.memref_slice %arg2[%dma_wait3A_123, %dma_wait3A_124] : memref<10240x8xf32, #tpu.memory_space<hbm>> -> memref<10240x8xf32, #tpu.memory_space<hbm>>
      %dma_wait3A_126 = tpu.memref_slice %arg10[%dma_wait3A_115] : memref<4x!tpu.dma_semaphore, #tpu.memory_space<semaphore_mem>> -> memref<1x!tpu.dma_semaphore, #tpu.memory_space<semaphore_mem>>
      %dma_wait3A_127 = tpu.memref_squeeze %dma_wait3A_126 : memref<1x!tpu.dma_semaphore, #tpu.memory_space<semaphore_mem>> -> memref<!tpu.dma_semaphore, #tpu.memory_space<semaphore_mem>>
      tpu.wait_indirect_dma semaphore(%dma_wait3A_127 : memref<!tpu.dma_semaphore, #tpu.memory_space<semaphore_mem>>) src(%dma_wait3A_125 : memref<10240x8xf32, #tpu.memory_space<hbm>>) dst(%dma_wait3A_119 : memref<128x8xf32, #tpu.memory_space<vmem>>)
      %dma_start3A_128 = arith.constant 0 : i32
      %dma_start3A_129 = arith.constant 0 : i32
      %dma_start3A_130 = arith.constant 0 : i32
      %dma_start3A_131 = arith.constant 0 : i32
      %dma_start3A_132 = tpu.memref_slice %arg9[%dma_start3A_128, %dma_start3A_130, %dma_start3A_131] : memref<4x128x8xf32, #tpu.memory_space<vmem>> -> memref<1x128x8xf32, #tpu.memory_space<vmem>>
      %dma_start3A_133 = tpu.memref_squeeze %dma_start3A_132 : memref<1x128x8xf32, #tpu.memory_space<vmem>> -> memref<128x8xf32, #tpu.memory_space<vmem>>
      %dma_start3A_134 = arith.constant 0 : i32
      %dma_start3A_135 = tpu.memref_slice %arg8[%add3A_112, %dma_start3A_134] : memref<104x128xi32, #tpu.memory_space<vmem>> -> memref<1x128xi32, #tpu.memory_space<vmem>>
      %dma_start3A_136 = tpu.memref_squeeze %dma_start3A_135 : memref<1x128xi32, #tpu.memory_space<vmem>> -> memref<128xi32, #tpu.memory_space<vmem>>
      %dma_start3A_137 = arith.constant 0 : i32
      %dma_start3A_138 = arith.constant 0 : i32
      %dma_start3A_139 = tpu.memref_slice %arg6[%dma_start3A_137, %dma_start3A_138] : memref<10240x8xf32, #tpu.memory_space<vmem_shared>> -> memref<10240x8xf32, #tpu.memory_space<vmem_shared>>
      %dma_start3A_140 = tpu.memref_slice %arg11[%dma_start3A_129] : memref<4x!tpu.dma_semaphore, #tpu.memory_space<semaphore_mem>> -> memref<1x!tpu.dma_semaphore, #tpu.memory_space<semaphore_mem>>
      %dma_start3A_141 = tpu.memref_squeeze %dma_start3A_140 : memref<1x!tpu.dma_semaphore, #tpu.memory_space<semaphore_mem>> -> memref<!tpu.dma_semaphore, #tpu.memory_space<semaphore_mem>>
      tpu.enqueue_indirect_dma source(%dma_start3A_133 : memref<128x8xf32, #tpu.memory_space<vmem>>) target(%dma_start3A_139 : memref<10240x8xf32, #tpu.memory_space<vmem_shared>>) offsets(%dma_start3A_136 : memref<128xi32, #tpu.memory_space<vmem>>) semaphore(%dma_start3A_141 : memref<!tpu.dma_semaphore, #tpu.memory_space<semaphore_mem>>) {add = true}
      %mul3A_142 = arith.constant 4 : i32
      %mul3A_143 = arith.muli %while3A_108, %mul3A_142 : i32
      %add3A_144 = arith.constant 1 : i32
      %add3A_145 = arith.addi %mul3A_143, %add3A_144 : i32
      %dma_wait3A_146 = arith.constant 1 : i32
      %dma_wait3A_147 = arith.constant 1 : i32
      %dma_wait3A_148 = arith.constant 1 : i32
      %dma_wait3A_149 = arith.constant 0 : i32
      %dma_wait3A_150 = arith.constant 0 : i32
      %dma_wait3A_151 = tpu.memref_slice %arg9[%dma_wait3A_147, %dma_wait3A_149, %dma_wait3A_150] : memref<4x128x8xf32, #tpu.memory_space<vmem>> -> memref<1x128x8xf32, #tpu.memory_space<vmem>>
      %dma_wait3A_152 = tpu.memref_squeeze %dma_wait3A_151 : memref<1x128x8xf32, #tpu.memory_space<vmem>> -> memref<128x8xf32, #tpu.memory_space<vmem>>
      %dma_wait3A_153 = arith.constant 0 : i32
      %dma_wait3A_154 = tpu.memref_slice %arg7[%dma_wait3A_146, %dma_wait3A_153] : memref<104x128xi32, #tpu.memory_space<vmem>> -> memref<1x128xi32, #tpu.memory_space<vmem>>
      %dma_wait3A_155 = tpu.memref_squeeze %dma_wait3A_154 : memref<1x128xi32, #tpu.memory_space<vmem>> -> memref<128xi32, #tpu.memory_space<vmem>>
      %dma_wait3A_156 = arith.constant 0 : i32
      %dma_wait3A_157 = arith.constant 0 : i32
      %dma_wait3A_158 = tpu.memref_slice %arg2[%dma_wait3A_156, %dma_wait3A_157] : memref<10240x8xf32, #tpu.memory_space<hbm>> -> memref<10240x8xf32, #tpu.memory_space<hbm>>
      %dma_wait3A_159 = tpu.memref_slice %arg10[%dma_wait3A_148] : memref<4x!tpu.dma_semaphore, #tpu.memory_space<semaphore_mem>> -> memref<1x!tpu.dma_semaphore, #tpu.memory_space<semaphore_mem>>
      %dma_wait3A_160 = tpu.memref_squeeze %dma_wait3A_159 : memref<1x!tpu.dma_semaphore, #tpu.memory_space<semaphore_mem>> -> memref<!tpu.dma_semaphore, #tpu.memory_space<semaphore_mem>>
      tpu.wait_indirect_dma semaphore(%dma_wait3A_160 : memref<!tpu.dma_semaphore, #tpu.memory_space<semaphore_mem>>) src(%dma_wait3A_158 : memref<10240x8xf32, #tpu.memory_space<hbm>>) dst(%dma_wait3A_152 : memref<128x8xf32, #tpu.memory_space<vmem>>)
      %dma_start3A_161 = arith.constant 1 : i32
      %dma_start3A_162 = arith.constant 1 : i32
      %dma_start3A_163 = arith.constant 0 : i32
      %dma_start3A_164 = arith.constant 0 : i32
      %dma_start3A_165 = tpu.memref_slice %arg9[%dma_start3A_161, %dma_start3A_163, %dma_start3A_164] : memref<4x128x8xf32, #tpu.memory_space<vmem>> -> memref<1x128x8xf32, #tpu.memory_space<vmem>>
      %dma_start3A_166 = tpu.memref_squeeze %dma_start3A_165 : memref<1x128x8xf32, #tpu.memory_space<vmem>> -> memref<128x8xf32, #tpu.memory_space<vmem>>
      %dma_start3A_167 = arith.constant 0 : i32
      %dma_start3A_168 = tpu.memref_slice %arg8[%add3A_145, %dma_start3A_167] : memref<104x128xi32, #tpu.memory_space<vmem>> -> memref<1x128xi32, #tpu.memory_space<vmem>>
      %dma_start3A_169 = tpu.memref_squeeze %dma_start3A_168 : memref<1x128xi32, #tpu.memory_space<vmem>> -> memref<128xi32, #tpu.memory_space<vmem>>
      %dma_start3A_170 = arith.constant 0 : i32
      %dma_start3A_171 = arith.constant 0 : i32
      %dma_start3A_172 = tpu.memref_slice %arg6[%dma_start3A_170, %dma_start3A_171] : memref<10240x8xf32, #tpu.memory_space<vmem_shared>> -> memref<10240x8xf32, #tpu.memory_space<vmem_shared>>
      %dma_start3A_173 = tpu.memref_slice %arg11[%dma_start3A_162] : memref<4x!tpu.dma_semaphore, #tpu.memory_space<semaphore_mem>> -> memref<1x!tpu.dma_semaphore, #tpu.memory_space<semaphore_mem>>
      %dma_start3A_174 = tpu.memref_squeeze %dma_start3A_173 : memref<1x!tpu.dma_semaphore, #tpu.memory_space<semaphore_mem>> -> memref<!tpu.dma_semaphore, #tpu.memory_space<semaphore_mem>>
      tpu.enqueue_indirect_dma source(%dma_start3A_166 : memref<128x8xf32, #tpu.memory_space<vmem>>) target(%dma_start3A_172 : memref<10240x8xf32, #tpu.memory_space<vmem_shared>>) offsets(%dma_start3A_169 : memref<128xi32, #tpu.memory_space<vmem>>) semaphore(%dma_start3A_174 : memref<!tpu.dma_semaphore, #tpu.memory_space<semaphore_mem>>) {add = true}
      %mul3A_175 = arith.constant 4 : i32
      %mul3A_176 = arith.muli %while3A_108, %mul3A_175 : i32
      %add3A_177 = arith.constant 2 : i32
      %add3A_178 = arith.addi %mul3A_176, %add3A_177 : i32
      %dma_wait3A_179 = arith.constant 2 : i32
      %dma_wait3A_180 = arith.constant 2 : i32
      %dma_wait3A_181 = arith.constant 2 : i32
      %dma_wait3A_182 = arith.constant 0 : i32
      %dma_wait3A_183 = arith.constant 0 : i32
      %dma_wait3A_184 = tpu.memref_slice %arg9[%dma_wait3A_180, %dma_wait3A_182, %dma_wait3A_183] : memref<4x128x8xf32, #tpu.memory_space<vmem>> -> memref<1x128x8xf32, #tpu.memory_space<vmem>>
      %dma_wait3A_185 = tpu.memref_squeeze %dma_wait3A_184 : memref<1x128x8xf32, #tpu.memory_space<vmem>> -> memref<128x8xf32, #tpu.memory_space<vmem>>
      %dma_wait3A_186 = arith.constant 0 : i32
      %dma_wait3A_187 = tpu.memref_slice %arg7[%dma_wait3A_179, %dma_wait3A_186] : memref<104x128xi32, #tpu.memory_space<vmem>> -> memref<1x128xi32, #tpu.memory_space<vmem>>
      %dma_wait3A_188 = tpu.memref_squeeze %dma_wait3A_187 : memref<1x128xi32, #tpu.memory_space<vmem>> -> memref<128xi32, #tpu.memory_space<vmem>>
      %dma_wait3A_189 = arith.constant 0 : i32
      %dma_wait3A_190 = arith.constant 0 : i32
      %dma_wait3A_191 = tpu.memref_slice %arg2[%dma_wait3A_189, %dma_wait3A_190] : memref<10240x8xf32, #tpu.memory_space<hbm>> -> memref<10240x8xf32, #tpu.memory_space<hbm>>
      %dma_wait3A_192 = tpu.memref_slice %arg10[%dma_wait3A_181] : memref<4x!tpu.dma_semaphore, #tpu.memory_space<semaphore_mem>> -> memref<1x!tpu.dma_semaphore, #tpu.memory_space<semaphore_mem>>
      %dma_wait3A_193 = tpu.memref_squeeze %dma_wait3A_192 : memref<1x!tpu.dma_semaphore, #tpu.memory_space<semaphore_mem>> -> memref<!tpu.dma_semaphore, #tpu.memory_space<semaphore_mem>>
      tpu.wait_indirect_dma semaphore(%dma_wait3A_193 : memref<!tpu.dma_semaphore, #tpu.memory_space<semaphore_mem>>) src(%dma_wait3A_191 : memref<10240x8xf32, #tpu.memory_space<hbm>>) dst(%dma_wait3A_185 : memref<128x8xf32, #tpu.memory_space<vmem>>)
      %dma_start3A_194 = arith.constant 2 : i32
      %dma_start3A_195 = arith.constant 2 : i32
      %dma_start3A_196 = arith.constant 0 : i32
      %dma_start3A_197 = arith.constant 0 : i32
      %dma_start3A_198 = tpu.memref_slice %arg9[%dma_start3A_194, %dma_start3A_196, %dma_start3A_197] : memref<4x128x8xf32, #tpu.memory_space<vmem>> -> memref<1x128x8xf32, #tpu.memory_space<vmem>>
      %dma_start3A_199 = tpu.memref_squeeze %dma_start3A_198 : memref<1x128x8xf32, #tpu.memory_space<vmem>> -> memref<128x8xf32, #tpu.memory_space<vmem>>
      %dma_start3A_200 = arith.constant 0 : i32
      %dma_start3A_201 = tpu.memref_slice %arg8[%add3A_178, %dma_start3A_200] : memref<104x128xi32, #tpu.memory_space<vmem>> -> memref<1x128xi32, #tpu.memory_space<vmem>>
      %dma_start3A_202 = tpu.memref_squeeze %dma_start3A_201 : memref<1x128xi32, #tpu.memory_space<vmem>> -> memref<128xi32, #tpu.memory_space<vmem>>
      %dma_start3A_203 = arith.constant 0 : i32
      %dma_start3A_204 = arith.constant 0 : i32
      %dma_start3A_205 = tpu.memref_slice %arg6[%dma_start3A_203, %dma_start3A_204] : memref<10240x8xf32, #tpu.memory_space<vmem_shared>> -> memref<10240x8xf32, #tpu.memory_space<vmem_shared>>
      %dma_start3A_206 = tpu.memref_slice %arg11[%dma_start3A_195] : memref<4x!tpu.dma_semaphore, #tpu.memory_space<semaphore_mem>> -> memref<1x!tpu.dma_semaphore, #tpu.memory_space<semaphore_mem>>
      %dma_start3A_207 = tpu.memref_squeeze %dma_start3A_206 : memref<1x!tpu.dma_semaphore, #tpu.memory_space<semaphore_mem>> -> memref<!tpu.dma_semaphore, #tpu.memory_space<semaphore_mem>>
      tpu.enqueue_indirect_dma source(%dma_start3A_199 : memref<128x8xf32, #tpu.memory_space<vmem>>) target(%dma_start3A_205 : memref<10240x8xf32, #tpu.memory_space<vmem_shared>>) offsets(%dma_start3A_202 : memref<128xi32, #tpu.memory_space<vmem>>) semaphore(%dma_start3A_207 : memref<!tpu.dma_semaphore, #tpu.memory_space<semaphore_mem>>) {add = true}
      %mul3A_208 = arith.constant 4 : i32
      %mul3A_209 = arith.muli %while3A_108, %mul3A_208 : i32
      %add3A_210 = arith.constant 3 : i32
      %add3A_211 = arith.addi %mul3A_209, %add3A_210 : i32
      %dma_wait3A_212 = arith.constant 3 : i32
      %dma_wait3A_213 = arith.constant 3 : i32
      %dma_wait3A_214 = arith.constant 3 : i32
      %dma_wait3A_215 = arith.constant 0 : i32
      %dma_wait3A_216 = arith.constant 0 : i32
      %dma_wait3A_217 = tpu.memref_slice %arg9[%dma_wait3A_213, %dma_wait3A_215, %dma_wait3A_216] : memref<4x128x8xf32, #tpu.memory_space<vmem>> -> memref<1x128x8xf32, #tpu.memory_space<vmem>>
      %dma_wait3A_218 = tpu.memref_squeeze %dma_wait3A_217 : memref<1x128x8xf32, #tpu.memory_space<vmem>> -> memref<128x8xf32, #tpu.memory_space<vmem>>
      %dma_wait3A_219 = arith.constant 0 : i32
      %dma_wait3A_220 = tpu.memref_slice %arg7[%dma_wait3A_212, %dma_wait3A_219] : memref<104x128xi32, #tpu.memory_space<vmem>> -> memref<1x128xi32, #tpu.memory_space<vmem>>
      %dma_wait3A_221 = tpu.memref_squeeze %dma_wait3A_220 : memref<1x128xi32, #tpu.memory_space<vmem>> -> memref<128xi32, #tpu.memory_space<vmem>>
      %dma_wait3A_222 = arith.constant 0 : i32
      %dma_wait3A_223 = arith.constant 0 : i32
      %dma_wait3A_224 = tpu.memref_slice %arg2[%dma_wait3A_222, %dma_wait3A_223] : memref<10240x8xf32, #tpu.memory_space<hbm>> -> memref<10240x8xf32, #tpu.memory_space<hbm>>
      %dma_wait3A_225 = tpu.memref_slice %arg10[%dma_wait3A_214] : memref<4x!tpu.dma_semaphore, #tpu.memory_space<semaphore_mem>> -> memref<1x!tpu.dma_semaphore, #tpu.memory_space<semaphore_mem>>
      %dma_wait3A_226 = tpu.memref_squeeze %dma_wait3A_225 : memref<1x!tpu.dma_semaphore, #tpu.memory_space<semaphore_mem>> -> memref<!tpu.dma_semaphore, #tpu.memory_space<semaphore_mem>>
      tpu.wait_indirect_dma semaphore(%dma_wait3A_226 : memref<!tpu.dma_semaphore, #tpu.memory_space<semaphore_mem>>) src(%dma_wait3A_224 : memref<10240x8xf32, #tpu.memory_space<hbm>>) dst(%dma_wait3A_218 : memref<128x8xf32, #tpu.memory_space<vmem>>)
      %dma_start3A_227 = arith.constant 3 : i32
      %dma_start3A_228 = arith.constant 3 : i32
      %dma_start3A_229 = arith.constant 0 : i32
      %dma_start3A_230 = arith.constant 0 : i32
      %dma_start3A_231 = tpu.memref_slice %arg9[%dma_start3A_227, %dma_start3A_229, %dma_start3A_230] : memref<4x128x8xf32, #tpu.memory_space<vmem>> -> memref<1x128x8xf32, #tpu.memory_space<vmem>>
      %dma_start3A_232 = tpu.memref_squeeze %dma_start3A_231 : memref<1x128x8xf32, #tpu.memory_space<vmem>> -> memref<128x8xf32, #tpu.memory_space<vmem>>
      %dma_start3A_233 = arith.constant 0 : i32
      %dma_start3A_234 = tpu.memref_slice %arg8[%add3A_211, %dma_start3A_233] : memref<104x128xi32, #tpu.memory_space<vmem>> -> memref<1x128xi32, #tpu.memory_space<vmem>>
      %dma_start3A_235 = tpu.memref_squeeze %dma_start3A_234 : memref<1x128xi32, #tpu.memory_space<vmem>> -> memref<128xi32, #tpu.memory_space<vmem>>
      %dma_start3A_236 = arith.constant 0 : i32
      %dma_start3A_237 = arith.constant 0 : i32
      %dma_start3A_238 = tpu.memref_slice %arg6[%dma_start3A_236, %dma_start3A_237] : memref<10240x8xf32, #tpu.memory_space<vmem_shared>> -> memref<10240x8xf32, #tpu.memory_space<vmem_shared>>
      %dma_start3A_239 = tpu.memref_slice %arg11[%dma_start3A_228] : memref<4x!tpu.dma_semaphore, #tpu.memory_space<semaphore_mem>> -> memref<1x!tpu.dma_semaphore, #tpu.memory_space<semaphore_mem>>
      %dma_start3A_240 = tpu.memref_squeeze %dma_start3A_239 : memref<1x!tpu.dma_semaphore, #tpu.memory_space<semaphore_mem>> -> memref<!tpu.dma_semaphore, #tpu.memory_space<semaphore_mem>>
      tpu.enqueue_indirect_dma source(%dma_start3A_232 : memref<128x8xf32, #tpu.memory_space<vmem>>) target(%dma_start3A_238 : memref<10240x8xf32, #tpu.memory_space<vmem_shared>>) offsets(%dma_start3A_235 : memref<128xi32, #tpu.memory_space<vmem>>) semaphore(%dma_start3A_240 : memref<!tpu.dma_semaphore, #tpu.memory_space<semaphore_mem>>) {add = true}
      %mul3A_241 = arith.constant 4 : i32
      %mul3A_242 = arith.muli %while3A_108, %mul3A_241 : i32
      %add3A_243 = arith.constant 0 : i32
      %add3A_244 = arith.addi %mul3A_242, %add3A_243 : i32
      %add3A_245 = arith.constant 4 : i32
      %add3A_246 = arith.addi %add3A_244, %add3A_245 : i32
      %dma_wait3A_247 = arith.constant 0 : i32
      %dma_wait3A_248 = arith.constant 0 : i32
      %dma_wait3A_249 = arith.constant 0 : i32
      %dma_wait3A_250 = arith.constant 0 : i32
      %dma_wait3A_251 = arith.constant 0 : i32
      %dma_wait3A_252 = tpu.memref_slice %arg9[%dma_wait3A_247, %dma_wait3A_250, %dma_wait3A_251] : memref<4x128x8xf32, #tpu.memory_space<vmem>> -> memref<1x128x8xf32, #tpu.memory_space<vmem>>
      %dma_wait3A_253 = tpu.memref_squeeze %dma_wait3A_252 : memref<1x128x8xf32, #tpu.memory_space<vmem>> -> memref<128x8xf32, #tpu.memory_space<vmem>>
      %dma_wait3A_254 = arith.constant 0 : i32
      %dma_wait3A_255 = tpu.memref_slice %arg8[%dma_wait3A_248, %dma_wait3A_254] : memref<104x128xi32, #tpu.memory_space<vmem>> -> memref<1x128xi32, #tpu.memory_space<vmem>>
      %dma_wait3A_256 = tpu.memref_squeeze %dma_wait3A_255 : memref<1x128xi32, #tpu.memory_space<vmem>> -> memref<128xi32, #tpu.memory_space<vmem>>
      %dma_wait3A_257 = arith.constant 0 : i32
      %dma_wait3A_258 = arith.constant 0 : i32
      %dma_wait3A_259 = tpu.memref_slice %arg6[%dma_wait3A_257, %dma_wait3A_258] : memref<10240x8xf32, #tpu.memory_space<vmem_shared>> -> memref<10240x8xf32, #tpu.memory_space<vmem_shared>>
      %dma_wait3A_260 = tpu.memref_slice %arg11[%dma_wait3A_249] : memref<4x!tpu.dma_semaphore, #tpu.memory_space<semaphore_mem>> -> memref<1x!tpu.dma_semaphore, #tpu.memory_space<semaphore_mem>>
      %dma_wait3A_261 = tpu.memref_squeeze %dma_wait3A_260 : memref<1x!tpu.dma_semaphore, #tpu.memory_space<semaphore_mem>> -> memref<!tpu.dma_semaphore, #tpu.memory_space<semaphore_mem>>
      tpu.wait_indirect_dma semaphore(%dma_wait3A_261 : memref<!tpu.dma_semaphore, #tpu.memory_space<semaphore_mem>>) src(%dma_wait3A_253 : memref<128x8xf32, #tpu.memory_space<vmem>>) dst(%dma_wait3A_259 : memref<10240x8xf32, #tpu.memory_space<vmem_shared>>)
      %lt3A = arith.cmpi slt, %add3A_246, %select_n3A_8 : i32
      %convert_element_type3A = arith.extui %lt3A : i1 to i32
      %cond3A = arith.constant 0 : i32
      %cond3A_262 = arith.cmpi ne, %convert_element_type3A, %cond3A : i32
      scf.if %cond3A_262 {
        %dma_start3A_338 = arith.constant 0 : i32
        %dma_start3A_339 = arith.constant 0 : i32
        %dma_start3A_340 = arith.constant 0 : i32
        %dma_start3A_341 = arith.constant 0 : i32
        %dma_start3A_342 = tpu.memref_slice %arg9[%dma_start3A_338, %dma_start3A_340, %dma_start3A_341] : memref<4x128x8xf32, #tpu.memory_space<vmem>> -> memref<1x128x8xf32, #tpu.memory_space<vmem>>
        %dma_start3A_343 = tpu.memref_squeeze %dma_start3A_342 : memref<1x128x8xf32, #tpu.memory_space<vmem>> -> memref<128x8xf32, #tpu.memory_space<vmem>>
        %dma_start3A_344 = arith.constant 0 : i32
        %dma_start3A_345 = tpu.memref_slice %arg7[%add3A_246, %dma_start3A_344] : memref<104x128xi32, #tpu.memory_space<vmem>> -> memref<1x128xi32, #tpu.memory_space<vmem>>
        %dma_start3A_346 = tpu.memref_squeeze %dma_start3A_345 : memref<1x128xi32, #tpu.memory_space<vmem>> -> memref<128xi32, #tpu.memory_space<vmem>>
        %dma_start3A_347 = arith.constant 0 : i32
        %dma_start3A_348 = arith.constant 0 : i32
        %dma_start3A_349 = tpu.memref_slice %arg2[%dma_start3A_347, %dma_start3A_348] : memref<10240x8xf32, #tpu.memory_space<hbm>> -> memref<10240x8xf32, #tpu.memory_space<hbm>>
        %dma_start3A_350 = tpu.memref_slice %arg10[%dma_start3A_339] : memref<4x!tpu.dma_semaphore, #tpu.memory_space<semaphore_mem>> -> memref<1x!tpu.dma_semaphore, #tpu.memory_space<semaphore_mem>>
        %dma_start3A_351 = tpu.memref_squeeze %dma_start3A_350 : memref<1x!tpu.dma_semaphore, #tpu.memory_space<semaphore_mem>> -> memref<!tpu.dma_semaphore, #tpu.memory_space<semaphore_mem>>
        tpu.enqueue_indirect_dma source(%dma_start3A_349 : memref<10240x8xf32, #tpu.memory_space<hbm>>) target(%dma_start3A_343 : memref<128x8xf32, #tpu.memory_space<vmem>>) offsets(%dma_start3A_346 : memref<128xi32, #tpu.memory_space<vmem>>) semaphore(%dma_start3A_351 : memref<!tpu.dma_semaphore, #tpu.memory_space<semaphore_mem>>)
      } else {
      }
      %mul3A_263 = arith.constant 4 : i32
      %mul3A_264 = arith.muli %while3A_108, %mul3A_263 : i32
      %add3A_265 = arith.constant 1 : i32
      %add3A_266 = arith.addi %mul3A_264, %add3A_265 : i32
      %add3A_267 = arith.constant 4 : i32
      %add3A_268 = arith.addi %add3A_266, %add3A_267 : i32
      %dma_wait3A_269 = arith.constant 1 : i32
      %dma_wait3A_270 = arith.constant 1 : i32
      %dma_wait3A_271 = arith.constant 1 : i32
      %dma_wait3A_272 = arith.constant 0 : i32
      %dma_wait3A_273 = arith.constant 0 : i32
      %dma_wait3A_274 = tpu.memref_slice %arg9[%dma_wait3A_269, %dma_wait3A_272, %dma_wait3A_273] : memref<4x128x8xf32, #tpu.memory_space<vmem>> -> memref<1x128x8xf32, #tpu.memory_space<vmem>>
      %dma_wait3A_275 = tpu.memref_squeeze %dma_wait3A_274 : memref<1x128x8xf32, #tpu.memory_space<vmem>> -> memref<128x8xf32, #tpu.memory_space<vmem>>
      %dma_wait3A_276 = arith.constant 0 : i32
      %dma_wait3A_277 = tpu.memref_slice %arg8[%dma_wait3A_270, %dma_wait3A_276] : memref<104x128xi32, #tpu.memory_space<vmem>> -> memref<1x128xi32, #tpu.memory_space<vmem>>
      %dma_wait3A_278 = tpu.memref_squeeze %dma_wait3A_277 : memref<1x128xi32, #tpu.memory_space<vmem>> -> memref<128xi32, #tpu.memory_space<vmem>>
      %dma_wait3A_279 = arith.constant 0 : i32
      %dma_wait3A_280 = arith.constant 0 : i32
      %dma_wait3A_281 = tpu.memref_slice %arg6[%dma_wait3A_279, %dma_wait3A_280] : memref<10240x8xf32, #tpu.memory_space<vmem_shared>> -> memref<10240x8xf32, #tpu.memory_space<vmem_shared>>
      %dma_wait3A_282 = tpu.memref_slice %arg11[%dma_wait3A_271] : memref<4x!tpu.dma_semaphore, #tpu.memory_space<semaphore_mem>> -> memref<1x!tpu.dma_semaphore, #tpu.memory_space<semaphore_mem>>
      %dma_wait3A_283 = tpu.memref_squeeze %dma_wait3A_282 : memref<1x!tpu.dma_semaphore, #tpu.memory_space<semaphore_mem>> -> memref<!tpu.dma_semaphore, #tpu.memory_space<semaphore_mem>>
      tpu.wait_indirect_dma semaphore(%dma_wait3A_283 : memref<!tpu.dma_semaphore, #tpu.memory_space<semaphore_mem>>) src(%dma_wait3A_275 : memref<128x8xf32, #tpu.memory_space<vmem>>) dst(%dma_wait3A_281 : memref<10240x8xf32, #tpu.memory_space<vmem_shared>>)
      %lt3A_284 = arith.cmpi slt, %add3A_268, %select_n3A_8 : i32
      %convert_element_type3A_285 = arith.extui %lt3A_284 : i1 to i32
      %cond3A_286 = arith.constant 0 : i32
      %cond3A_287 = arith.cmpi ne, %convert_element_type3A_285, %cond3A_286 : i32
      scf.if %cond3A_287 {
        %dma_start3A_338 = arith.constant 1 : i32
        %dma_start3A_339 = arith.constant 1 : i32
        %dma_start3A_340 = arith.constant 0 : i32
        %dma_start3A_341 = arith.constant 0 : i32
        %dma_start3A_342 = tpu.memref_slice %arg9[%dma_start3A_338, %dma_start3A_340, %dma_start3A_341] : memref<4x128x8xf32, #tpu.memory_space<vmem>> -> memref<1x128x8xf32, #tpu.memory_space<vmem>>
        %dma_start3A_343 = tpu.memref_squeeze %dma_start3A_342 : memref<1x128x8xf32, #tpu.memory_space<vmem>> -> memref<128x8xf32, #tpu.memory_space<vmem>>
        %dma_start3A_344 = arith.constant 0 : i32
        %dma_start3A_345 = tpu.memref_slice %arg7[%add3A_268, %dma_start3A_344] : memref<104x128xi32, #tpu.memory_space<vmem>> -> memref<1x128xi32, #tpu.memory_space<vmem>>
        %dma_start3A_346 = tpu.memref_squeeze %dma_start3A_345 : memref<1x128xi32, #tpu.memory_space<vmem>> -> memref<128xi32, #tpu.memory_space<vmem>>
        %dma_start3A_347 = arith.constant 0 : i32
        %dma_start3A_348 = arith.constant 0 : i32
        %dma_start3A_349 = tpu.memref_slice %arg2[%dma_start3A_347, %dma_start3A_348] : memref<10240x8xf32, #tpu.memory_space<hbm>> -> memref<10240x8xf32, #tpu.memory_space<hbm>>
        %dma_start3A_350 = tpu.memref_slice %arg10[%dma_start3A_339] : memref<4x!tpu.dma_semaphore, #tpu.memory_space<semaphore_mem>> -> memref<1x!tpu.dma_semaphore, #tpu.memory_space<semaphore_mem>>
        %dma_start3A_351 = tpu.memref_squeeze %dma_start3A_350 : memref<1x!tpu.dma_semaphore, #tpu.memory_space<semaphore_mem>> -> memref<!tpu.dma_semaphore, #tpu.memory_space<semaphore_mem>>
        tpu.enqueue_indirect_dma source(%dma_start3A_349 : memref<10240x8xf32, #tpu.memory_space<hbm>>) target(%dma_start3A_343 : memref<128x8xf32, #tpu.memory_space<vmem>>) offsets(%dma_start3A_346 : memref<128xi32, #tpu.memory_space<vmem>>) semaphore(%dma_start3A_351 : memref<!tpu.dma_semaphore, #tpu.memory_space<semaphore_mem>>)
      } else {
      }
      %mul3A_288 = arith.constant 4 : i32
      %mul3A_289 = arith.muli %while3A_108, %mul3A_288 : i32
      %add3A_290 = arith.constant 2 : i32
      %add3A_291 = arith.addi %mul3A_289, %add3A_290 : i32
      %add3A_292 = arith.constant 4 : i32
      %add3A_293 = arith.addi %add3A_291, %add3A_292 : i32
      %dma_wait3A_294 = arith.constant 2 : i32
      %dma_wait3A_295 = arith.constant 2 : i32
      %dma_wait3A_296 = arith.constant 2 : i32
      %dma_wait3A_297 = arith.constant 0 : i32
      %dma_wait3A_298 = arith.constant 0 : i32
      %dma_wait3A_299 = tpu.memref_slice %arg9[%dma_wait3A_294, %dma_wait3A_297, %dma_wait3A_298] : memref<4x128x8xf32, #tpu.memory_space<vmem>> -> memref<1x128x8xf32, #tpu.memory_space<vmem>>
      %dma_wait3A_300 = tpu.memref_squeeze %dma_wait3A_299 : memref<1x128x8xf32, #tpu.memory_space<vmem>> -> memref<128x8xf32, #tpu.memory_space<vmem>>
      %dma_wait3A_301 = arith.constant 0 : i32
      %dma_wait3A_302 = tpu.memref_slice %arg8[%dma_wait3A_295, %dma_wait3A_301] : memref<104x128xi32, #tpu.memory_space<vmem>> -> memref<1x128xi32, #tpu.memory_space<vmem>>
      %dma_wait3A_303 = tpu.memref_squeeze %dma_wait3A_302 : memref<1x128xi32, #tpu.memory_space<vmem>> -> memref<128xi32, #tpu.memory_space<vmem>>
      %dma_wait3A_304 = arith.constant 0 : i32
      %dma_wait3A_305 = arith.constant 0 : i32
      %dma_wait3A_306 = tpu.memref_slice %arg6[%dma_wait3A_304, %dma_wait3A_305] : memref<10240x8xf32, #tpu.memory_space<vmem_shared>> -> memref<10240x8xf32, #tpu.memory_space<vmem_shared>>
      %dma_wait3A_307 = tpu.memref_slice %arg11[%dma_wait3A_296] : memref<4x!tpu.dma_semaphore, #tpu.memory_space<semaphore_mem>> -> memref<1x!tpu.dma_semaphore, #tpu.memory_space<semaphore_mem>>
      %dma_wait3A_308 = tpu.memref_squeeze %dma_wait3A_307 : memref<1x!tpu.dma_semaphore, #tpu.memory_space<semaphore_mem>> -> memref<!tpu.dma_semaphore, #tpu.memory_space<semaphore_mem>>
      tpu.wait_indirect_dma semaphore(%dma_wait3A_308 : memref<!tpu.dma_semaphore, #tpu.memory_space<semaphore_mem>>) src(%dma_wait3A_300 : memref<128x8xf32, #tpu.memory_space<vmem>>) dst(%dma_wait3A_306 : memref<10240x8xf32, #tpu.memory_space<vmem_shared>>)
      %lt3A_309 = arith.cmpi slt, %add3A_293, %select_n3A_8 : i32
      %convert_element_type3A_310 = arith.extui %lt3A_309 : i1 to i32
      %cond3A_311 = arith.constant 0 : i32
      %cond3A_312 = arith.cmpi ne, %convert_element_type3A_310, %cond3A_311 : i32
      scf.if %cond3A_312 {
        %dma_start3A_338 = arith.constant 2 : i32
        %dma_start3A_339 = arith.constant 2 : i32
        %dma_start3A_340 = arith.constant 0 : i32
        %dma_start3A_341 = arith.constant 0 : i32
        %dma_start3A_342 = tpu.memref_slice %arg9[%dma_start3A_338, %dma_start3A_340, %dma_start3A_341] : memref<4x128x8xf32, #tpu.memory_space<vmem>> -> memref<1x128x8xf32, #tpu.memory_space<vmem>>
        %dma_start3A_343 = tpu.memref_squeeze %dma_start3A_342 : memref<1x128x8xf32, #tpu.memory_space<vmem>> -> memref<128x8xf32, #tpu.memory_space<vmem>>
        %dma_start3A_344 = arith.constant 0 : i32
        %dma_start3A_345 = tpu.memref_slice %arg7[%add3A_293, %dma_start3A_344] : memref<104x128xi32, #tpu.memory_space<vmem>> -> memref<1x128xi32, #tpu.memory_space<vmem>>
        %dma_start3A_346 = tpu.memref_squeeze %dma_start3A_345 : memref<1x128xi32, #tpu.memory_space<vmem>> -> memref<128xi32, #tpu.memory_space<vmem>>
        %dma_start3A_347 = arith.constant 0 : i32
        %dma_start3A_348 = arith.constant 0 : i32
        %dma_start3A_349 = tpu.memref_slice %arg2[%dma_start3A_347, %dma_start3A_348] : memref<10240x8xf32, #tpu.memory_space<hbm>> -> memref<10240x8xf32, #tpu.memory_space<hbm>>
        %dma_start3A_350 = tpu.memref_slice %arg10[%dma_start3A_339] : memref<4x!tpu.dma_semaphore, #tpu.memory_space<semaphore_mem>> -> memref<1x!tpu.dma_semaphore, #tpu.memory_space<semaphore_mem>>
        %dma_start3A_351 = tpu.memref_squeeze %dma_start3A_350 : memref<1x!tpu.dma_semaphore, #tpu.memory_space<semaphore_mem>> -> memref<!tpu.dma_semaphore, #tpu.memory_space<semaphore_mem>>
        tpu.enqueue_indirect_dma source(%dma_start3A_349 : memref<10240x8xf32, #tpu.memory_space<hbm>>) target(%dma_start3A_343 : memref<128x8xf32, #tpu.memory_space<vmem>>) offsets(%dma_start3A_346 : memref<128xi32, #tpu.memory_space<vmem>>) semaphore(%dma_start3A_351 : memref<!tpu.dma_semaphore, #tpu.memory_space<semaphore_mem>>)
      } else {
      }
      %mul3A_313 = arith.constant 4 : i32
      %mul3A_314 = arith.muli %while3A_108, %mul3A_313 : i32
      %add3A_315 = arith.constant 3 : i32
      %add3A_316 = arith.addi %mul3A_314, %add3A_315 : i32
      %add3A_317 = arith.constant 4 : i32
      %add3A_318 = arith.addi %add3A_316, %add3A_317 : i32
      %dma_wait3A_319 = arith.constant 3 : i32
      %dma_wait3A_320 = arith.constant 3 : i32
      %dma_wait3A_321 = arith.constant 3 : i32
      %dma_wait3A_322 = arith.constant 0 : i32
      %dma_wait3A_323 = arith.constant 0 : i32
      %dma_wait3A_324 = tpu.memref_slice %arg9[%dma_wait3A_319, %dma_wait3A_322, %dma_wait3A_323] : memref<4x128x8xf32, #tpu.memory_space<vmem>> -> memref<1x128x8xf32, #tpu.memory_space<vmem>>
      %dma_wait3A_325 = tpu.memref_squeeze %dma_wait3A_324 : memref<1x128x8xf32, #tpu.memory_space<vmem>> -> memref<128x8xf32, #tpu.memory_space<vmem>>
      %dma_wait3A_326 = arith.constant 0 : i32
      %dma_wait3A_327 = tpu.memref_slice %arg8[%dma_wait3A_320, %dma_wait3A_326] : memref<104x128xi32, #tpu.memory_space<vmem>> -> memref<1x128xi32, #tpu.memory_space<vmem>>
      %dma_wait3A_328 = tpu.memref_squeeze %dma_wait3A_327 : memref<1x128xi32, #tpu.memory_space<vmem>> -> memref<128xi32, #tpu.memory_space<vmem>>
      %dma_wait3A_329 = arith.constant 0 : i32
      %dma_wait3A_330 = arith.constant 0 : i32
      %dma_wait3A_331 = tpu.memref_slice %arg6[%dma_wait3A_329, %dma_wait3A_330] : memref<10240x8xf32, #tpu.memory_space<vmem_shared>> -> memref<10240x8xf32, #tpu.memory_space<vmem_shared>>
      %dma_wait3A_332 = tpu.memref_slice %arg11[%dma_wait3A_321] : memref<4x!tpu.dma_semaphore, #tpu.memory_space<semaphore_mem>> -> memref<1x!tpu.dma_semaphore, #tpu.memory_space<semaphore_mem>>
      %dma_wait3A_333 = tpu.memref_squeeze %dma_wait3A_332 : memref<1x!tpu.dma_semaphore, #tpu.memory_space<semaphore_mem>> -> memref<!tpu.dma_semaphore, #tpu.memory_space<semaphore_mem>>
      tpu.wait_indirect_dma semaphore(%dma_wait3A_333 : memref<!tpu.dma_semaphore, #tpu.memory_space<semaphore_mem>>) src(%dma_wait3A_325 : memref<128x8xf32, #tpu.memory_space<vmem>>) dst(%dma_wait3A_331 : memref<10240x8xf32, #tpu.memory_space<vmem_shared>>)
      %lt3A_334 = arith.cmpi slt, %add3A_318, %select_n3A_8 : i32
      %convert_element_type3A_335 = arith.extui %lt3A_334 : i1 to i32
      %cond3A_336 = arith.constant 0 : i32
      %cond3A_337 = arith.cmpi ne, %convert_element_type3A_335, %cond3A_336 : i32
      scf.if %cond3A_337 {
        %dma_start3A_338 = arith.constant 3 : i32
        %dma_start3A_339 = arith.constant 3 : i32
        %dma_start3A_340 = arith.constant 0 : i32
        %dma_start3A_341 = arith.constant 0 : i32
        %dma_start3A_342 = tpu.memref_slice %arg9[%dma_start3A_338, %dma_start3A_340, %dma_start3A_341] : memref<4x128x8xf32, #tpu.memory_space<vmem>> -> memref<1x128x8xf32, #tpu.memory_space<vmem>>
        %dma_start3A_343 = tpu.memref_squeeze %dma_start3A_342 : memref<1x128x8xf32, #tpu.memory_space<vmem>> -> memref<128x8xf32, #tpu.memory_space<vmem>>
        %dma_start3A_344 = arith.constant 0 : i32
        %dma_start3A_345 = tpu.memref_slice %arg7[%add3A_318, %dma_start3A_344] : memref<104x128xi32, #tpu.memory_space<vmem>> -> memref<1x128xi32, #tpu.memory_space<vmem>>
        %dma_start3A_346 = tpu.memref_squeeze %dma_start3A_345 : memref<1x128xi32, #tpu.memory_space<vmem>> -> memref<128xi32, #tpu.memory_space<vmem>>
        %dma_start3A_347 = arith.constant 0 : i32
        %dma_start3A_348 = arith.constant 0 : i32
        %dma_start3A_349 = tpu.memref_slice %arg2[%dma_start3A_347, %dma_start3A_348] : memref<10240x8xf32, #tpu.memory_space<hbm>> -> memref<10240x8xf32, #tpu.memory_space<hbm>>
        %dma_start3A_350 = tpu.memref_slice %arg10[%dma_start3A_339] : memref<4x!tpu.dma_semaphore, #tpu.memory_space<semaphore_mem>> -> memref<1x!tpu.dma_semaphore, #tpu.memory_space<semaphore_mem>>
        %dma_start3A_351 = tpu.memref_squeeze %dma_start3A_350 : memref<1x!tpu.dma_semaphore, #tpu.memory_space<semaphore_mem>> -> memref<!tpu.dma_semaphore, #tpu.memory_space<semaphore_mem>>
        tpu.enqueue_indirect_dma source(%dma_start3A_349 : memref<10240x8xf32, #tpu.memory_space<hbm>>) target(%dma_start3A_343 : memref<128x8xf32, #tpu.memory_space<vmem>>) offsets(%dma_start3A_346 : memref<128xi32, #tpu.memory_space<vmem>>) semaphore(%dma_start3A_351 : memref<!tpu.dma_semaphore, #tpu.memory_space<semaphore_mem>>)
      } else {
      }
    }
    %barrier3A_103 = arith.constant 0 : index
    tpu.barrier barrier_id(%barrier3A_103)
    %mul3A_104 = arith.constant 640 : i32
    %mul3A_105 = arith.muli %arg1, %mul3A_104 : i32
    %mul3A_106 = arith.constant 640 : i32
    %mul3A_107 = arith.muli %arg1, %mul3A_106 : i32
    "tpu.region"() ({
      %run_scoped3A = tpu.sem_alloc : memref<!tpu.dma_semaphore, #tpu.memory_space<semaphore_mem>>
      %dma_start3A_108 = arith.constant 0 : i32
      %dma_start3A_109 = tpu.memref_slice %arg5[%arg0, %mul3A_107, %dma_start3A_108] : memref<2x10240x8xf32, #tpu.memory_space<hbm>> -> memref<1x640x8xf32, #tpu.memory_space<hbm>>
      %dma_start3A_110 = tpu.memref_squeeze %dma_start3A_109 : memref<1x640x8xf32, #tpu.memory_space<hbm>> -> memref<640x8xf32, #tpu.memory_space<hbm>>
      %dma_start3A_111 = arith.constant 0 : i32
      %dma_start3A_112 = tpu.memref_slice %arg6[%mul3A_105, %dma_start3A_111] : memref<10240x8xf32, #tpu.memory_space<vmem_shared>> -> memref<640x8xf32, #tpu.memory_space<vmem_shared>>
      tpu.enqueue_dma source(%dma_start3A_112 : memref<640x8xf32, #tpu.memory_space<vmem_shared>>) target(%dma_start3A_110 : memref<640x8xf32, #tpu.memory_space<hbm>>) target_semaphore(%run_scoped3A : memref<!tpu.dma_semaphore, #tpu.memory_space<semaphore_mem>>)
      %dma_wait3A_113 = arith.constant 0 : i32
      %dma_wait3A_114 = tpu.memref_slice %arg5[%arg0, %mul3A_107, %dma_wait3A_113] : memref<2x10240x8xf32, #tpu.memory_space<hbm>> -> memref<1x640x8xf32, #tpu.memory_space<hbm>>
      %dma_wait3A_115 = tpu.memref_squeeze %dma_wait3A_114 : memref<1x640x8xf32, #tpu.memory_space<hbm>> -> memref<640x8xf32, #tpu.memory_space<hbm>>
      %dma_wait3A_116 = arith.constant 0 : i32
      %dma_wait3A_117 = tpu.memref_slice %arg6[%mul3A_105, %dma_wait3A_116] : memref<10240x8xf32, #tpu.memory_space<vmem_shared>> -> memref<640x8xf32, #tpu.memory_space<vmem_shared>>
      tpu.wait_dma2 semaphore(%run_scoped3A : memref<!tpu.dma_semaphore, #tpu.memory_space<semaphore_mem>>) src(%dma_wait3A_117 : memref<640x8xf32, #tpu.memory_space<vmem_shared>>) dst(%dma_wait3A_115 : memref<640x8xf32, #tpu.memory_space<hbm>>)
      tpu.yield
    }) : () -> ()
    return
  }
}

#map = affine_map<(d0, d1) -> (0, 0)>
module attributes {stable_mosaic.version = 14 : i64} {
  func.func @_deg_kernel(%arg0: i32, %arg1: i32, %arg2: memref<2668x128xi32, #tpu.memory_space<hbm>>, %arg3: memref<2x10240xf32, #tpu.memory_space<hbm>>, %arg4: memref<10240xf32, #tpu.memory_space<vmem_shared>>, %arg5: memref<104x128xi32, #tpu.memory_space<vmem>>, %arg6: memref<128xf32, #tpu.memory_space<vmem>>, %arg7: memref<640xf32, #tpu.memory_space<vmem>>, %arg8: memref<4x!tpu.dma_semaphore, #tpu.memory_space<semaphore_mem>>, %arg9: memref<!tpu.dma_semaphore, #tpu.memory_space<semaphore_mem>>) attributes {dimension_semantics = [#tpu.dimension_semantics<core_parallel>, #tpu.dimension_semantics<subcore_parallel>], iteration_bounds = array<i64: 2, 16>, scalar_prefetch = 0 : i64, scratch_operands = 6 : i64, tpu.core_type = #tpu.core_type<sc_vector_subcore>, window_params = [{transform_indices = #map}, {transform_indices = #map}]} {
    %eq3A = arith.constant 0 : i32
    %eq3A_0 = arith.cmpi eq, %arg0, %eq3A : i32
    %mul3A = arith.constant 100 : i32
    %mul3A_1 = arith.muli %arg1, %mul3A : i32
    %mul3A_2 = arith.constant 64 : i32
    %mul3A_3 = arith.muli %arg1, %mul3A_2 : i32
    %add3A = arith.constant 1600 : i32
    %add3A_4 = arith.addi %add3A, %mul3A_3 : i32
    %select_n3A = arith.select %eq3A_0, %mul3A_1, %add3A_4 : i32
    %eq3A_5 = arith.constant 0 : i32
    %eq3A_6 = arith.cmpi eq, %arg0, %eq3A_5 : i32
    %jit3A = arith.constant 100 : i32
    %jit3A_7 = arith.constant 64 : i32
    %select_n3A_8 = arith.select %eq3A_6, %jit3A, %jit3A_7 : i32
    %eq3A_9 = arith.constant 0 : i32
    %eq3A_10 = arith.cmpi eq, %arg0, %eq3A_9 : i32
    %jit3A_11 = arith.constant 25 : i32
    %jit3A_12 = arith.constant 16 : i32
    %select_n3A_13 = arith.select %eq3A_10, %jit3A_11, %jit3A_12 : i32
    %dma_start3A = arith.constant 0 : i32
    %dma_start3A_14 = tpu.memref_slice %arg2[%select_n3A, %dma_start3A] : memref<2668x128xi32, #tpu.memory_space<hbm>> -> memref<104x128xi32, #tpu.memory_space<hbm>>
    %dma_start3A_15 = arith.constant 0 : i32
    %dma_start3A_16 = tpu.memref_slice %arg2[%select_n3A, %dma_start3A_15] : memref<2668x128xi32, #tpu.memory_space<hbm>> -> memref<104x128xi32, #tpu.memory_space<hbm>>
    tpu.enqueue_dma source(%dma_start3A_16 : memref<104x128xi32, #tpu.memory_space<hbm>>) target(%arg5 : memref<104x128xi32, #tpu.memory_space<vmem>>) target_semaphore(%arg9 : memref<!tpu.dma_semaphore, #tpu.memory_space<semaphore_mem>>)
    %scan3A = arith.constant 0 : i32
    %scan3A_17 = arith.constant 0 : i32
    %scan3A_18 = arith.constant 8 : i32
    %scan3A_19 = arith.addi %scan3A_17, %scan3A_18 : i32
    %scan3A_20 = arith.constant 1 : i32
    scf.for %scan3A_47 = %scan3A_17 to %scan3A_19 step %scan3A_20  : i32 {
      %broadcast_in_dim3A = arith.constant 1.000000e+00 : f32
      %broadcast_in_dim3A_48 = vector.broadcast %broadcast_in_dim3A : f32 to vector<16xf32>
      %mul3A_49 = arith.constant 16 : i32
      %mul3A_50 = arith.muli %scan3A_47, %mul3A_49 : i32
      %swap3A = arith.index_cast %mul3A_50 : i32 to index
      %swap3A_51 = tpu.vector_load %arg6[%swap3A] {strides = array<i32>} : memref<128xf32, #tpu.memory_space<vmem>>, vector<16xf32>,
      %swap3A_52 = vector.shape_cast %swap3A_51 : vector<16xf32> to vector<16xf32>
      %swap3A_53 = vector.shape_cast %broadcast_in_dim3A_48 : vector<16xf32> to vector<16xf32>
      tpu.vector_store %arg6[%swap3A], %swap3A_53 {strides = array<i32>} : memref<128xf32, #tpu.memory_space<vmem>>, vector<16xf32>,
    }
    %scan3A_21 = arith.constant 8 : i32
    %scan3A_22 = arith.constant 0 : i32
    %scan3A_23 = arith.constant 0 : i32
    %scan3A_24 = arith.constant 40 : i32
    %scan3A_25 = arith.addi %scan3A_23, %scan3A_24 : i32
    %scan3A_26 = arith.constant 1 : i32
    scf.for %scan3A_47 = %scan3A_23 to %scan3A_25 step %scan3A_26  : i32 {
      %broadcast_in_dim3A = arith.constant 0.000000e+00 : f32
      %broadcast_in_dim3A_48 = vector.broadcast %broadcast_in_dim3A : f32 to vector<16xf32>
      %mul3A_49 = arith.constant 16 : i32
      %mul3A_50 = arith.muli %scan3A_47, %mul3A_49 : i32
      %swap3A = arith.index_cast %mul3A_50 : i32 to index
      %swap3A_51 = tpu.vector_load %arg7[%swap3A] {strides = array<i32>} : memref<640xf32, #tpu.memory_space<vmem>>, vector<16xf32>,
      %swap3A_52 = vector.shape_cast %swap3A_51 : vector<16xf32> to vector<16xf32>
      %swap3A_53 = vector.shape_cast %broadcast_in_dim3A_48 : vector<16xf32> to vector<16xf32>
      tpu.vector_store %arg7[%swap3A], %swap3A_53 {strides = array<i32>} : memref<640xf32, #tpu.memory_space<vmem>>, vector<16xf32>,
    }
    %scan3A_27 = arith.constant 40 : i32
    %mul3A_28 = arith.constant 640 : i32
    %mul3A_29 = arith.muli %arg1, %mul3A_28 : i32
    "tpu.region"() ({
      %run_scoped3A = tpu.sem_alloc : memref<!tpu.dma_semaphore, #tpu.memory_space<semaphore_mem>>
      %dma_start3A_47 = tpu.memref_slice %arg4[%mul3A_29] : memref<10240xf32, #tpu.memory_space<vmem_shared>> -> memref<640xf32, #tpu.memory_space<vmem_shared>>
      %dma_start3A_48 = tpu.memref_slice %arg4[%mul3A_29] : memref<10240xf32, #tpu.memory_space<vmem_shared>> -> memref<640xf32, #tpu.memory_space<vmem_shared>>
      tpu.enqueue_dma source(%arg7 : memref<640xf32, #tpu.memory_space<vmem>>) target(%dma_start3A_48 : memref<640xf32, #tpu.memory_space<vmem_shared>>) target_semaphore(%run_scoped3A : memref<!tpu.dma_semaphore, #tpu.memory_space<semaphore_mem>>)
      %dma_wait3A_49 = tpu.memref_slice %arg4[%mul3A_29] : memref<10240xf32, #tpu.memory_space<vmem_shared>> -> memref<640xf32, #tpu.memory_space<vmem_shared>>
      %dma_wait3A_50 = tpu.memref_slice %arg4[%mul3A_29] : memref<10240xf32, #tpu.memory_space<vmem_shared>> -> memref<640xf32, #tpu.memory_space<vmem_shared>>
      tpu.wait_dma2 semaphore(%run_scoped3A : memref<!tpu.dma_semaphore, #tpu.memory_space<semaphore_mem>>) src(%arg7 : memref<640xf32, #tpu.memory_space<vmem>>) dst(%dma_wait3A_50 : memref<640xf32, #tpu.memory_space<vmem_shared>>)
      tpu.yield
    }) : () -> ()
    %dma_wait3A = arith.constant 0 : i32
    %dma_wait3A_30 = tpu.memref_slice %arg2[%select_n3A, %dma_wait3A] : memref<2668x128xi32, #tpu.memory_space<hbm>> -> memref<104x128xi32, #tpu.memory_space<hbm>>
    %dma_wait3A_31 = arith.constant 0 : i32
    %dma_wait3A_32 = tpu.memref_slice %arg2[%select_n3A, %dma_wait3A_31] : memref<2668x128xi32, #tpu.memory_space<hbm>> -> memref<104x128xi32, #tpu.memory_space<hbm>>
    tpu.wait_dma2 semaphore(%arg9 : memref<!tpu.dma_semaphore, #tpu.memory_space<semaphore_mem>>) src(%dma_wait3A_32 : memref<104x128xi32, #tpu.memory_space<hbm>>) dst(%arg5 : memref<104x128xi32, #tpu.memory_space<vmem>>)
    %barrier3A = arith.constant 0 : index
    tpu.barrier barrier_id(%barrier3A)
    %while3A = arith.constant 0 : i32
    %while3A_33 = arith.constant 0 : i32
    %while3A_34 = arith.subi %select_n3A_13, %while3A_33 : i32
    %while3A_35 = arith.addi %while3A_33, %while3A_34 : i32
    %while3A_36 = arith.constant 1 : i32
    %while3A_37 = arith.divsi %while3A_34, %while3A_36 : i32
    %while3A_38 = arith.muli %while3A_37, %while3A_36 : i32
    %while3A_39 = arith.addi %while3A_33, %while3A_38 : i32
    %while3A_40 = arith.constant 1 : i32
    scf.for %while3A_47 = %while3A_33 to %while3A_39 step %while3A_40  : i32 {
      %mul3A_48 = arith.constant 4 : i32
      %mul3A_49 = arith.muli %while3A_47, %mul3A_48 : i32
      %add3A_50 = arith.constant 0 : i32
      %add3A_51 = arith.addi %mul3A_49, %add3A_50 : i32
      %dma_start3A_52 = arith.constant 0 : i32
      %dma_start3A_53 = arith.constant 0 : i32
      %dma_start3A_54 = tpu.memref_slice %arg5[%add3A_51, %dma_start3A_53] : memref<104x128xi32, #tpu.memory_space<vmem>> -> memref<1x128xi32, #tpu.memory_space<vmem>>
      %dma_start3A_55 = tpu.memref_squeeze %dma_start3A_54 : memref<1x128xi32, #tpu.memory_space<vmem>> -> memref<128xi32, #tpu.memory_space<vmem>>
      %dma_start3A_56 = arith.constant 0 : i32
      %dma_start3A_57 = tpu.memref_slice %arg4[%dma_start3A_56] : memref<10240xf32, #tpu.memory_space<vmem_shared>> -> memref<10240xf32, #tpu.memory_space<vmem_shared>>
      %dma_start3A_58 = tpu.memref_slice %arg8[%dma_start3A_52] : memref<4x!tpu.dma_semaphore, #tpu.memory_space<semaphore_mem>> -> memref<1x!tpu.dma_semaphore, #tpu.memory_space<semaphore_mem>>
      %dma_start3A_59 = tpu.memref_squeeze %dma_start3A_58 : memref<1x!tpu.dma_semaphore, #tpu.memory_space<semaphore_mem>> -> memref<!tpu.dma_semaphore, #tpu.memory_space<semaphore_mem>>
      tpu.enqueue_indirect_dma source(%arg6 : memref<128xf32, #tpu.memory_space<vmem>>) target(%dma_start3A_57 : memref<10240xf32, #tpu.memory_space<vmem_shared>>) offsets(%dma_start3A_55 : memref<128xi32, #tpu.memory_space<vmem>>) semaphore(%dma_start3A_59 : memref<!tpu.dma_semaphore, #tpu.memory_space<semaphore_mem>>) {add = true}
      %mul3A_60 = arith.constant 4 : i32
      %mul3A_61 = arith.muli %while3A_47, %mul3A_60 : i32
      %add3A_62 = arith.constant 1 : i32
      %add3A_63 = arith.addi %mul3A_61, %add3A_62 : i32
      %dma_start3A_64 = arith.constant 1 : i32
      %dma_start3A_65 = arith.constant 0 : i32
      %dma_start3A_66 = tpu.memref_slice %arg5[%add3A_63, %dma_start3A_65] : memref<104x128xi32, #tpu.memory_space<vmem>> -> memref<1x128xi32, #tpu.memory_space<vmem>>
      %dma_start3A_67 = tpu.memref_squeeze %dma_start3A_66 : memref<1x128xi32, #tpu.memory_space<vmem>> -> memref<128xi32, #tpu.memory_space<vmem>>
      %dma_start3A_68 = arith.constant 0 : i32
      %dma_start3A_69 = tpu.memref_slice %arg4[%dma_start3A_68] : memref<10240xf32, #tpu.memory_space<vmem_shared>> -> memref<10240xf32, #tpu.memory_space<vmem_shared>>
      %dma_start3A_70 = tpu.memref_slice %arg8[%dma_start3A_64] : memref<4x!tpu.dma_semaphore, #tpu.memory_space<semaphore_mem>> -> memref<1x!tpu.dma_semaphore, #tpu.memory_space<semaphore_mem>>
      %dma_start3A_71 = tpu.memref_squeeze %dma_start3A_70 : memref<1x!tpu.dma_semaphore, #tpu.memory_space<semaphore_mem>> -> memref<!tpu.dma_semaphore, #tpu.memory_space<semaphore_mem>>
      tpu.enqueue_indirect_dma source(%arg6 : memref<128xf32, #tpu.memory_space<vmem>>) target(%dma_start3A_69 : memref<10240xf32, #tpu.memory_space<vmem_shared>>) offsets(%dma_start3A_67 : memref<128xi32, #tpu.memory_space<vmem>>) semaphore(%dma_start3A_71 : memref<!tpu.dma_semaphore, #tpu.memory_space<semaphore_mem>>) {add = true}
      %mul3A_72 = arith.constant 4 : i32
      %mul3A_73 = arith.muli %while3A_47, %mul3A_72 : i32
      %add3A_74 = arith.constant 2 : i32
      %add3A_75 = arith.addi %mul3A_73, %add3A_74 : i32
      %dma_start3A_76 = arith.constant 2 : i32
      %dma_start3A_77 = arith.constant 0 : i32
      %dma_start3A_78 = tpu.memref_slice %arg5[%add3A_75, %dma_start3A_77] : memref<104x128xi32, #tpu.memory_space<vmem>> -> memref<1x128xi32, #tpu.memory_space<vmem>>
      %dma_start3A_79 = tpu.memref_squeeze %dma_start3A_78 : memref<1x128xi32, #tpu.memory_space<vmem>> -> memref<128xi32, #tpu.memory_space<vmem>>
      %dma_start3A_80 = arith.constant 0 : i32
      %dma_start3A_81 = tpu.memref_slice %arg4[%dma_start3A_80] : memref<10240xf32, #tpu.memory_space<vmem_shared>> -> memref<10240xf32, #tpu.memory_space<vmem_shared>>
      %dma_start3A_82 = tpu.memref_slice %arg8[%dma_start3A_76] : memref<4x!tpu.dma_semaphore, #tpu.memory_space<semaphore_mem>> -> memref<1x!tpu.dma_semaphore, #tpu.memory_space<semaphore_mem>>
      %dma_start3A_83 = tpu.memref_squeeze %dma_start3A_82 : memref<1x!tpu.dma_semaphore, #tpu.memory_space<semaphore_mem>> -> memref<!tpu.dma_semaphore, #tpu.memory_space<semaphore_mem>>
      tpu.enqueue_indirect_dma source(%arg6 : memref<128xf32, #tpu.memory_space<vmem>>) target(%dma_start3A_81 : memref<10240xf32, #tpu.memory_space<vmem_shared>>) offsets(%dma_start3A_79 : memref<128xi32, #tpu.memory_space<vmem>>) semaphore(%dma_start3A_83 : memref<!tpu.dma_semaphore, #tpu.memory_space<semaphore_mem>>) {add = true}
      %mul3A_84 = arith.constant 4 : i32
      %mul3A_85 = arith.muli %while3A_47, %mul3A_84 : i32
      %add3A_86 = arith.constant 3 : i32
      %add3A_87 = arith.addi %mul3A_85, %add3A_86 : i32
      %dma_start3A_88 = arith.constant 3 : i32
      %dma_start3A_89 = arith.constant 0 : i32
      %dma_start3A_90 = tpu.memref_slice %arg5[%add3A_87, %dma_start3A_89] : memref<104x128xi32, #tpu.memory_space<vmem>> -> memref<1x128xi32, #tpu.memory_space<vmem>>
      %dma_start3A_91 = tpu.memref_squeeze %dma_start3A_90 : memref<1x128xi32, #tpu.memory_space<vmem>> -> memref<128xi32, #tpu.memory_space<vmem>>
      %dma_start3A_92 = arith.constant 0 : i32
      %dma_start3A_93 = tpu.memref_slice %arg4[%dma_start3A_92] : memref<10240xf32, #tpu.memory_space<vmem_shared>> -> memref<10240xf32, #tpu.memory_space<vmem_shared>>
      %dma_start3A_94 = tpu.memref_slice %arg8[%dma_start3A_88] : memref<4x!tpu.dma_semaphore, #tpu.memory_space<semaphore_mem>> -> memref<1x!tpu.dma_semaphore, #tpu.memory_space<semaphore_mem>>
      %dma_start3A_95 = tpu.memref_squeeze %dma_start3A_94 : memref<1x!tpu.dma_semaphore, #tpu.memory_space<semaphore_mem>> -> memref<!tpu.dma_semaphore, #tpu.memory_space<semaphore_mem>>
      tpu.enqueue_indirect_dma source(%arg6 : memref<128xf32, #tpu.memory_space<vmem>>) target(%dma_start3A_93 : memref<10240xf32, #tpu.memory_space<vmem_shared>>) offsets(%dma_start3A_91 : memref<128xi32, #tpu.memory_space<vmem>>) semaphore(%dma_start3A_95 : memref<!tpu.dma_semaphore, #tpu.memory_space<semaphore_mem>>) {add = true}
      %dma_wait3A_96 = arith.constant 0 : i32
      %dma_wait3A_97 = arith.constant 0 : i32
      %dma_wait3A_98 = arith.constant 0 : i32
      %dma_wait3A_99 = tpu.memref_slice %arg5[%dma_wait3A_96, %dma_wait3A_98] : memref<104x128xi32, #tpu.memory_space<vmem>> -> memref<1x128xi32, #tpu.memory_space<vmem>>
      %dma_wait3A_100 = tpu.memref_squeeze %dma_wait3A_99 : memref<1x128xi32, #tpu.memory_space<vmem>> -> memref<128xi32, #tpu.memory_space<vmem>>
      %dma_wait3A_101 = arith.constant 0 : i32
      %dma_wait3A_102 = tpu.memref_slice %arg4[%dma_wait3A_101] : memref<10240xf32, #tpu.memory_space<vmem_shared>> -> memref<10240xf32, #tpu.memory_space<vmem_shared>>
      %dma_wait3A_103 = tpu.memref_slice %arg8[%dma_wait3A_97] : memref<4x!tpu.dma_semaphore, #tpu.memory_space<semaphore_mem>> -> memref<1x!tpu.dma_semaphore, #tpu.memory_space<semaphore_mem>>
      %dma_wait3A_104 = tpu.memref_squeeze %dma_wait3A_103 : memref<1x!tpu.dma_semaphore, #tpu.memory_space<semaphore_mem>> -> memref<!tpu.dma_semaphore, #tpu.memory_space<semaphore_mem>>
      tpu.wait_indirect_dma semaphore(%dma_wait3A_104 : memref<!tpu.dma_semaphore, #tpu.memory_space<semaphore_mem>>) src(%arg6 : memref<128xf32, #tpu.memory_space<vmem>>) dst(%dma_wait3A_102 : memref<10240xf32, #tpu.memory_space<vmem_shared>>)
      %dma_wait3A_105 = arith.constant 1 : i32
      %dma_wait3A_106 = arith.constant 1 : i32
      %dma_wait3A_107 = arith.constant 0 : i32
      %dma_wait3A_108 = tpu.memref_slice %arg5[%dma_wait3A_105, %dma_wait3A_107] : memref<104x128xi32, #tpu.memory_space<vmem>> -> memref<1x128xi32, #tpu.memory_space<vmem>>
      %dma_wait3A_109 = tpu.memref_squeeze %dma_wait3A_108 : memref<1x128xi32, #tpu.memory_space<vmem>> -> memref<128xi32, #tpu.memory_space<vmem>>
      %dma_wait3A_110 = arith.constant 0 : i32
      %dma_wait3A_111 = tpu.memref_slice %arg4[%dma_wait3A_110] : memref<10240xf32, #tpu.memory_space<vmem_shared>> -> memref<10240xf32, #tpu.memory_space<vmem_shared>>
      %dma_wait3A_112 = tpu.memref_slice %arg8[%dma_wait3A_106] : memref<4x!tpu.dma_semaphore, #tpu.memory_space<semaphore_mem>> -> memref<1x!tpu.dma_semaphore, #tpu.memory_space<semaphore_mem>>
      %dma_wait3A_113 = tpu.memref_squeeze %dma_wait3A_112 : memref<1x!tpu.dma_semaphore, #tpu.memory_space<semaphore_mem>> -> memref<!tpu.dma_semaphore, #tpu.memory_space<semaphore_mem>>
      tpu.wait_indirect_dma semaphore(%dma_wait3A_113 : memref<!tpu.dma_semaphore, #tpu.memory_space<semaphore_mem>>) src(%arg6 : memref<128xf32, #tpu.memory_space<vmem>>) dst(%dma_wait3A_111 : memref<10240xf32, #tpu.memory_space<vmem_shared>>)
      %dma_wait3A_114 = arith.constant 2 : i32
      %dma_wait3A_115 = arith.constant 2 : i32
      %dma_wait3A_116 = arith.constant 0 : i32
      %dma_wait3A_117 = tpu.memref_slice %arg5[%dma_wait3A_114, %dma_wait3A_116] : memref<104x128xi32, #tpu.memory_space<vmem>> -> memref<1x128xi32, #tpu.memory_space<vmem>>
      %dma_wait3A_118 = tpu.memref_squeeze %dma_wait3A_117 : memref<1x128xi32, #tpu.memory_space<vmem>> -> memref<128xi32, #tpu.memory_space<vmem>>
      %dma_wait3A_119 = arith.constant 0 : i32
      %dma_wait3A_120 = tpu.memref_slice %arg4[%dma_wait3A_119] : memref<10240xf32, #tpu.memory_space<vmem_shared>> -> memref<10240xf32, #tpu.memory_space<vmem_shared>>
      %dma_wait3A_121 = tpu.memref_slice %arg8[%dma_wait3A_115] : memref<4x!tpu.dma_semaphore, #tpu.memory_space<semaphore_mem>> -> memref<1x!tpu.dma_semaphore, #tpu.memory_space<semaphore_mem>>
      %dma_wait3A_122 = tpu.memref_squeeze %dma_wait3A_121 : memref<1x!tpu.dma_semaphore, #tpu.memory_space<semaphore_mem>> -> memref<!tpu.dma_semaphore, #tpu.memory_space<semaphore_mem>>
      tpu.wait_indirect_dma semaphore(%dma_wait3A_122 : memref<!tpu.dma_semaphore, #tpu.memory_space<semaphore_mem>>) src(%arg6 : memref<128xf32, #tpu.memory_space<vmem>>) dst(%dma_wait3A_120 : memref<10240xf32, #tpu.memory_space<vmem_shared>>)
      %dma_wait3A_123 = arith.constant 3 : i32
      %dma_wait3A_124 = arith.constant 3 : i32
      %dma_wait3A_125 = arith.constant 0 : i32
      %dma_wait3A_126 = tpu.memref_slice %arg5[%dma_wait3A_123, %dma_wait3A_125] : memref<104x128xi32, #tpu.memory_space<vmem>> -> memref<1x128xi32, #tpu.memory_space<vmem>>
      %dma_wait3A_127 = tpu.memref_squeeze %dma_wait3A_126 : memref<1x128xi32, #tpu.memory_space<vmem>> -> memref<128xi32, #tpu.memory_space<vmem>>
      %dma_wait3A_128 = arith.constant 0 : i32
      %dma_wait3A_129 = tpu.memref_slice %arg4[%dma_wait3A_128] : memref<10240xf32, #tpu.memory_space<vmem_shared>> -> memref<10240xf32, #tpu.memory_space<vmem_shared>>
      %dma_wait3A_130 = tpu.memref_slice %arg8[%dma_wait3A_124] : memref<4x!tpu.dma_semaphore, #tpu.memory_space<semaphore_mem>> -> memref<1x!tpu.dma_semaphore, #tpu.memory_space<semaphore_mem>>
      %dma_wait3A_131 = tpu.memref_squeeze %dma_wait3A_130 : memref<1x!tpu.dma_semaphore, #tpu.memory_space<semaphore_mem>> -> memref<!tpu.dma_semaphore, #tpu.memory_space<semaphore_mem>>
      tpu.wait_indirect_dma semaphore(%dma_wait3A_131 : memref<!tpu.dma_semaphore, #tpu.memory_space<semaphore_mem>>) src(%arg6 : memref<128xf32, #tpu.memory_space<vmem>>) dst(%dma_wait3A_129 : memref<10240xf32, #tpu.memory_space<vmem_shared>>)
    }
    %while3A_41 = arith.constant 1 : i32
    scf.for %while3A_47 = %while3A_39 to %while3A_35 step %while3A_41  : i32 {
      %mul3A_48 = arith.constant 4 : i32
      %mul3A_49 = arith.muli %while3A_47, %mul3A_48 : i32
      %add3A_50 = arith.constant 0 : i32
      %add3A_51 = arith.addi %mul3A_49, %add3A_50 : i32
      %dma_start3A_52 = arith.constant 0 : i32
      %dma_start3A_53 = arith.constant 0 : i32
      %dma_start3A_54 = tpu.memref_slice %arg5[%add3A_51, %dma_start3A_53] : memref<104x128xi32, #tpu.memory_space<vmem>> -> memref<1x128xi32, #tpu.memory_space<vmem>>
      %dma_start3A_55 = tpu.memref_squeeze %dma_start3A_54 : memref<1x128xi32, #tpu.memory_space<vmem>> -> memref<128xi32, #tpu.memory_space<vmem>>
      %dma_start3A_56 = arith.constant 0 : i32
      %dma_start3A_57 = tpu.memref_slice %arg4[%dma_start3A_56] : memref<10240xf32, #tpu.memory_space<vmem_shared>> -> memref<10240xf32, #tpu.memory_space<vmem_shared>>
      %dma_start3A_58 = tpu.memref_slice %arg8[%dma_start3A_52] : memref<4x!tpu.dma_semaphore, #tpu.memory_space<semaphore_mem>> -> memref<1x!tpu.dma_semaphore, #tpu.memory_space<semaphore_mem>>
      %dma_start3A_59 = tpu.memref_squeeze %dma_start3A_58 : memref<1x!tpu.dma_semaphore, #tpu.memory_space<semaphore_mem>> -> memref<!tpu.dma_semaphore, #tpu.memory_space<semaphore_mem>>
      tpu.enqueue_indirect_dma source(%arg6 : memref<128xf32, #tpu.memory_space<vmem>>) target(%dma_start3A_57 : memref<10240xf32, #tpu.memory_space<vmem_shared>>) offsets(%dma_start3A_55 : memref<128xi32, #tpu.memory_space<vmem>>) semaphore(%dma_start3A_59 : memref<!tpu.dma_semaphore, #tpu.memory_space<semaphore_mem>>) {add = true}
      %mul3A_60 = arith.constant 4 : i32
      %mul3A_61 = arith.muli %while3A_47, %mul3A_60 : i32
      %add3A_62 = arith.constant 1 : i32
      %add3A_63 = arith.addi %mul3A_61, %add3A_62 : i32
      %dma_start3A_64 = arith.constant 1 : i32
      %dma_start3A_65 = arith.constant 0 : i32
      %dma_start3A_66 = tpu.memref_slice %arg5[%add3A_63, %dma_start3A_65] : memref<104x128xi32, #tpu.memory_space<vmem>> -> memref<1x128xi32, #tpu.memory_space<vmem>>
      %dma_start3A_67 = tpu.memref_squeeze %dma_start3A_66 : memref<1x128xi32, #tpu.memory_space<vmem>> -> memref<128xi32, #tpu.memory_space<vmem>>
      %dma_start3A_68 = arith.constant 0 : i32
      %dma_start3A_69 = tpu.memref_slice %arg4[%dma_start3A_68] : memref<10240xf32, #tpu.memory_space<vmem_shared>> -> memref<10240xf32, #tpu.memory_space<vmem_shared>>
      %dma_start3A_70 = tpu.memref_slice %arg8[%dma_start3A_64] : memref<4x!tpu.dma_semaphore, #tpu.memory_space<semaphore_mem>> -> memref<1x!tpu.dma_semaphore, #tpu.memory_space<semaphore_mem>>
      %dma_start3A_71 = tpu.memref_squeeze %dma_start3A_70 : memref<1x!tpu.dma_semaphore, #tpu.memory_space<semaphore_mem>> -> memref<!tpu.dma_semaphore, #tpu.memory_space<semaphore_mem>>
      tpu.enqueue_indirect_dma source(%arg6 : memref<128xf32, #tpu.memory_space<vmem>>) target(%dma_start3A_69 : memref<10240xf32, #tpu.memory_space<vmem_shared>>) offsets(%dma_start3A_67 : memref<128xi32, #tpu.memory_space<vmem>>) semaphore(%dma_start3A_71 : memref<!tpu.dma_semaphore, #tpu.memory_space<semaphore_mem>>) {add = true}
      %mul3A_72 = arith.constant 4 : i32
      %mul3A_73 = arith.muli %while3A_47, %mul3A_72 : i32
      %add3A_74 = arith.constant 2 : i32
      %add3A_75 = arith.addi %mul3A_73, %add3A_74 : i32
      %dma_start3A_76 = arith.constant 2 : i32
      %dma_start3A_77 = arith.constant 0 : i32
      %dma_start3A_78 = tpu.memref_slice %arg5[%add3A_75, %dma_start3A_77] : memref<104x128xi32, #tpu.memory_space<vmem>> -> memref<1x128xi32, #tpu.memory_space<vmem>>
      %dma_start3A_79 = tpu.memref_squeeze %dma_start3A_78 : memref<1x128xi32, #tpu.memory_space<vmem>> -> memref<128xi32, #tpu.memory_space<vmem>>
      %dma_start3A_80 = arith.constant 0 : i32
      %dma_start3A_81 = tpu.memref_slice %arg4[%dma_start3A_80] : memref<10240xf32, #tpu.memory_space<vmem_shared>> -> memref<10240xf32, #tpu.memory_space<vmem_shared>>
      %dma_start3A_82 = tpu.memref_slice %arg8[%dma_start3A_76] : memref<4x!tpu.dma_semaphore, #tpu.memory_space<semaphore_mem>> -> memref<1x!tpu.dma_semaphore, #tpu.memory_space<semaphore_mem>>
      %dma_start3A_83 = tpu.memref_squeeze %dma_start3A_82 : memref<1x!tpu.dma_semaphore, #tpu.memory_space<semaphore_mem>> -> memref<!tpu.dma_semaphore, #tpu.memory_space<semaphore_mem>>
      tpu.enqueue_indirect_dma source(%arg6 : memref<128xf32, #tpu.memory_space<vmem>>) target(%dma_start3A_81 : memref<10240xf32, #tpu.memory_space<vmem_shared>>) offsets(%dma_start3A_79 : memref<128xi32, #tpu.memory_space<vmem>>) semaphore(%dma_start3A_83 : memref<!tpu.dma_semaphore, #tpu.memory_space<semaphore_mem>>) {add = true}
      %mul3A_84 = arith.constant 4 : i32
      %mul3A_85 = arith.muli %while3A_47, %mul3A_84 : i32
      %add3A_86 = arith.constant 3 : i32
      %add3A_87 = arith.addi %mul3A_85, %add3A_86 : i32
      %dma_start3A_88 = arith.constant 3 : i32
      %dma_start3A_89 = arith.constant 0 : i32
      %dma_start3A_90 = tpu.memref_slice %arg5[%add3A_87, %dma_start3A_89] : memref<104x128xi32, #tpu.memory_space<vmem>> -> memref<1x128xi32, #tpu.memory_space<vmem>>
      %dma_start3A_91 = tpu.memref_squeeze %dma_start3A_90 : memref<1x128xi32, #tpu.memory_space<vmem>> -> memref<128xi32, #tpu.memory_space<vmem>>
      %dma_start3A_92 = arith.constant 0 : i32
      %dma_start3A_93 = tpu.memref_slice %arg4[%dma_start3A_92] : memref<10240xf32, #tpu.memory_space<vmem_shared>> -> memref<10240xf32, #tpu.memory_space<vmem_shared>>
      %dma_start3A_94 = tpu.memref_slice %arg8[%dma_start3A_88] : memref<4x!tpu.dma_semaphore, #tpu.memory_space<semaphore_mem>> -> memref<1x!tpu.dma_semaphore, #tpu.memory_space<semaphore_mem>>
      %dma_start3A_95 = tpu.memref_squeeze %dma_start3A_94 : memref<1x!tpu.dma_semaphore, #tpu.memory_space<semaphore_mem>> -> memref<!tpu.dma_semaphore, #tpu.memory_space<semaphore_mem>>
      tpu.enqueue_indirect_dma source(%arg6 : memref<128xf32, #tpu.memory_space<vmem>>) target(%dma_start3A_93 : memref<10240xf32, #tpu.memory_space<vmem_shared>>) offsets(%dma_start3A_91 : memref<128xi32, #tpu.memory_space<vmem>>) semaphore(%dma_start3A_95 : memref<!tpu.dma_semaphore, #tpu.memory_space<semaphore_mem>>) {add = true}
      %dma_wait3A_96 = arith.constant 0 : i32
      %dma_wait3A_97 = arith.constant 0 : i32
      %dma_wait3A_98 = arith.constant 0 : i32
      %dma_wait3A_99 = tpu.memref_slice %arg5[%dma_wait3A_96, %dma_wait3A_98] : memref<104x128xi32, #tpu.memory_space<vmem>> -> memref<1x128xi32, #tpu.memory_space<vmem>>
      %dma_wait3A_100 = tpu.memref_squeeze %dma_wait3A_99 : memref<1x128xi32, #tpu.memory_space<vmem>> -> memref<128xi32, #tpu.memory_space<vmem>>
      %dma_wait3A_101 = arith.constant 0 : i32
      %dma_wait3A_102 = tpu.memref_slice %arg4[%dma_wait3A_101] : memref<10240xf32, #tpu.memory_space<vmem_shared>> -> memref<10240xf32, #tpu.memory_space<vmem_shared>>
      %dma_wait3A_103 = tpu.memref_slice %arg8[%dma_wait3A_97] : memref<4x!tpu.dma_semaphore, #tpu.memory_space<semaphore_mem>> -> memref<1x!tpu.dma_semaphore, #tpu.memory_space<semaphore_mem>>
      %dma_wait3A_104 = tpu.memref_squeeze %dma_wait3A_103 : memref<1x!tpu.dma_semaphore, #tpu.memory_space<semaphore_mem>> -> memref<!tpu.dma_semaphore, #tpu.memory_space<semaphore_mem>>
      tpu.wait_indirect_dma semaphore(%dma_wait3A_104 : memref<!tpu.dma_semaphore, #tpu.memory_space<semaphore_mem>>) src(%arg6 : memref<128xf32, #tpu.memory_space<vmem>>) dst(%dma_wait3A_102 : memref<10240xf32, #tpu.memory_space<vmem_shared>>)
      %dma_wait3A_105 = arith.constant 1 : i32
      %dma_wait3A_106 = arith.constant 1 : i32
      %dma_wait3A_107 = arith.constant 0 : i32
      %dma_wait3A_108 = tpu.memref_slice %arg5[%dma_wait3A_105, %dma_wait3A_107] : memref<104x128xi32, #tpu.memory_space<vmem>> -> memref<1x128xi32, #tpu.memory_space<vmem>>
      %dma_wait3A_109 = tpu.memref_squeeze %dma_wait3A_108 : memref<1x128xi32, #tpu.memory_space<vmem>> -> memref<128xi32, #tpu.memory_space<vmem>>
      %dma_wait3A_110 = arith.constant 0 : i32
      %dma_wait3A_111 = tpu.memref_slice %arg4[%dma_wait3A_110] : memref<10240xf32, #tpu.memory_space<vmem_shared>> -> memref<10240xf32, #tpu.memory_space<vmem_shared>>
      %dma_wait3A_112 = tpu.memref_slice %arg8[%dma_wait3A_106] : memref<4x!tpu.dma_semaphore, #tpu.memory_space<semaphore_mem>> -> memref<1x!tpu.dma_semaphore, #tpu.memory_space<semaphore_mem>>
      %dma_wait3A_113 = tpu.memref_squeeze %dma_wait3A_112 : memref<1x!tpu.dma_semaphore, #tpu.memory_space<semaphore_mem>> -> memref<!tpu.dma_semaphore, #tpu.memory_space<semaphore_mem>>
      tpu.wait_indirect_dma semaphore(%dma_wait3A_113 : memref<!tpu.dma_semaphore, #tpu.memory_space<semaphore_mem>>) src(%arg6 : memref<128xf32, #tpu.memory_space<vmem>>) dst(%dma_wait3A_111 : memref<10240xf32, #tpu.memory_space<vmem_shared>>)
      %dma_wait3A_114 = arith.constant 2 : i32
      %dma_wait3A_115 = arith.constant 2 : i32
      %dma_wait3A_116 = arith.constant 0 : i32
      %dma_wait3A_117 = tpu.memref_slice %arg5[%dma_wait3A_114, %dma_wait3A_116] : memref<104x128xi32, #tpu.memory_space<vmem>> -> memref<1x128xi32, #tpu.memory_space<vmem>>
      %dma_wait3A_118 = tpu.memref_squeeze %dma_wait3A_117 : memref<1x128xi32, #tpu.memory_space<vmem>> -> memref<128xi32, #tpu.memory_space<vmem>>
      %dma_wait3A_119 = arith.constant 0 : i32
      %dma_wait3A_120 = tpu.memref_slice %arg4[%dma_wait3A_119] : memref<10240xf32, #tpu.memory_space<vmem_shared>> -> memref<10240xf32, #tpu.memory_space<vmem_shared>>
      %dma_wait3A_121 = tpu.memref_slice %arg8[%dma_wait3A_115] : memref<4x!tpu.dma_semaphore, #tpu.memory_space<semaphore_mem>> -> memref<1x!tpu.dma_semaphore, #tpu.memory_space<semaphore_mem>>
      %dma_wait3A_122 = tpu.memref_squeeze %dma_wait3A_121 : memref<1x!tpu.dma_semaphore, #tpu.memory_space<semaphore_mem>> -> memref<!tpu.dma_semaphore, #tpu.memory_space<semaphore_mem>>
      tpu.wait_indirect_dma semaphore(%dma_wait3A_122 : memref<!tpu.dma_semaphore, #tpu.memory_space<semaphore_mem>>) src(%arg6 : memref<128xf32, #tpu.memory_space<vmem>>) dst(%dma_wait3A_120 : memref<10240xf32, #tpu.memory_space<vmem_shared>>)
      %dma_wait3A_123 = arith.constant 3 : i32
      %dma_wait3A_124 = arith.constant 3 : i32
      %dma_wait3A_125 = arith.constant 0 : i32
      %dma_wait3A_126 = tpu.memref_slice %arg5[%dma_wait3A_123, %dma_wait3A_125] : memref<104x128xi32, #tpu.memory_space<vmem>> -> memref<1x128xi32, #tpu.memory_space<vmem>>
      %dma_wait3A_127 = tpu.memref_squeeze %dma_wait3A_126 : memref<1x128xi32, #tpu.memory_space<vmem>> -> memref<128xi32, #tpu.memory_space<vmem>>
      %dma_wait3A_128 = arith.constant 0 : i32
      %dma_wait3A_129 = tpu.memref_slice %arg4[%dma_wait3A_128] : memref<10240xf32, #tpu.memory_space<vmem_shared>> -> memref<10240xf32, #tpu.memory_space<vmem_shared>>
      %dma_wait3A_130 = tpu.memref_slice %arg8[%dma_wait3A_124] : memref<4x!tpu.dma_semaphore, #tpu.memory_space<semaphore_mem>> -> memref<1x!tpu.dma_semaphore, #tpu.memory_space<semaphore_mem>>
      %dma_wait3A_131 = tpu.memref_squeeze %dma_wait3A_130 : memref<1x!tpu.dma_semaphore, #tpu.memory_space<semaphore_mem>> -> memref<!tpu.dma_semaphore, #tpu.memory_space<semaphore_mem>>
      tpu.wait_indirect_dma semaphore(%dma_wait3A_131 : memref<!tpu.dma_semaphore, #tpu.memory_space<semaphore_mem>>) src(%arg6 : memref<128xf32, #tpu.memory_space<vmem>>) dst(%dma_wait3A_129 : memref<10240xf32, #tpu.memory_space<vmem_shared>>)
    }
    %barrier3A_42 = arith.constant 0 : index
    tpu.barrier barrier_id(%barrier3A_42)
    %mul3A_43 = arith.constant 640 : i32
    %mul3A_44 = arith.muli %arg1, %mul3A_43 : i32
    %mul3A_45 = arith.constant 640 : i32
    %mul3A_46 = arith.muli %arg1, %mul3A_45 : i32
    "tpu.region"() ({
      %run_scoped3A = tpu.sem_alloc : memref<!tpu.dma_semaphore, #tpu.memory_space<semaphore_mem>>
      %dma_start3A_47 = tpu.memref_slice %arg3[%arg0, %mul3A_46] : memref<2x10240xf32, #tpu.memory_space<hbm>> -> memref<1x640xf32, #tpu.memory_space<hbm>>
      %dma_start3A_48 = tpu.memref_squeeze %dma_start3A_47 : memref<1x640xf32, #tpu.memory_space<hbm>> -> memref<640xf32, #tpu.memory_space<hbm>>
      %dma_start3A_49 = tpu.memref_slice %arg4[%mul3A_44] : memref<10240xf32, #tpu.memory_space<vmem_shared>> -> memref<640xf32, #tpu.memory_space<vmem_shared>>
      tpu.enqueue_dma source(%dma_start3A_49 : memref<640xf32, #tpu.memory_space<vmem_shared>>) target(%dma_start3A_48 : memref<640xf32, #tpu.memory_space<hbm>>) target_semaphore(%run_scoped3A : memref<!tpu.dma_semaphore, #tpu.memory_space<semaphore_mem>>)
      %dma_wait3A_50 = tpu.memref_slice %arg3[%arg0, %mul3A_46] : memref<2x10240xf32, #tpu.memory_space<hbm>> -> memref<1x640xf32, #tpu.memory_space<hbm>>
      %dma_wait3A_51 = tpu.memref_squeeze %dma_wait3A_50 : memref<1x640xf32, #tpu.memory_space<hbm>> -> memref<640xf32, #tpu.memory_space<hbm>>
      %dma_wait3A_52 = tpu.memref_slice %arg4[%mul3A_44] : memref<10240xf32, #tpu.memory_space<vmem_shared>> -> memref<640xf32, #tpu.memory_space<vmem_shared>>
      tpu.wait_dma2 semaphore(%run_scoped3A : memref<!tpu.dma_semaphore, #tpu.memory_space<semaphore_mem>>) src(%dma_wait3A_52 : memref<640xf32, #tpu.memory_space<vmem_shared>>) dst(%dma_wait3A_51 : memref<640xf32, #tpu.memory_space<hbm>>)
      tpu.yield
    }) : () -> ()
    return
  }
}

module attributes {stable_mosaic.version = 14 : i64} {
  func.func @_tca0_body(%arg0: memref<10000x128xf32, #tpu.memory_space<vmem>>, %arg1: memref<128x16xf32, #tpu.memory_space<vmem>>, %arg2: memref<10000x16xf32, #tpu.memory_space<vmem>>) attributes {dimension_semantics = [], scalar_prefetch = 0 : i64, scratch_operands = 0 : i64, tpu.core_type = #tpu.core_type<tc>} {
    %get3A = arith.constant 0 : index
    %get3A_0 = arith.constant 0 : index
    %get3A_1 = vector.load %arg0[%get3A, %get3A_0] : memref<10000x128xf32, #tpu.memory_space<vmem>>, vector<10000x128xf32>
    %get3A_2 = arith.constant 0 : index
    %get3A_3 = arith.constant 0 : index
    %get3A_4 = vector.load %arg1[%get3A_2, %get3A_3] : memref<128x16xf32, #tpu.memory_space<vmem>>, vector<128x16xf32>
    %dot_general3A = arith.constant dense<0.000000e+00> : vector<10000x16xf32>
    %dot_general3A_5 = tpu.matmul %get3A_1, %get3A_4, %dot_general3A {dimension_numbers = #tpu.dot_dimension_numbers<[1], [0], [0], [1], [0, 0, 1, 1], [], []>, transpose_lhs_hint = false} : vector<10000x128xf32>, vector<128x16xf32>, vector<10000x16xf32> -> vector<10000x16xf32>
    %swap3A = arith.constant 0 : index
    %swap3A_6 = arith.constant 0 : index
    %swap3A_7 = vector.load %arg2[%swap3A, %swap3A_6] : memref<10000x16xf32, #tpu.memory_space<vmem>>, vector<10000x16xf32>
    tpu.vector_store %arg2[%swap3A, %swap3A_6], %dot_general3A_5 {strides = array<i32>} : memref<10000x16xf32, #tpu.memory_space<vmem>>, vector<10000x16xf32>,
    return
  }
}

module attributes {stable_mosaic.version = 14 : i64} {
  func.func @_tca1_body(%arg0: memref<10000x16xf32, #tpu.memory_space<vmem>>, %arg1: memref<2x10240xf32, #tpu.memory_space<vmem>>, %arg2: memref<10240x16xf32, #tpu.memory_space<vmem>>, %arg3: memref<10240xf32, #tpu.memory_space<vmem>>) attributes {dimension_semantics = [], scalar_prefetch = 0 : i64, scratch_operands = 0 : i64, tpu.core_type = #tpu.core_type<tc>} {
    %get3A = arith.constant 0 : index
    %get3A_0 = arith.constant 0 : index
    %get3A_1 = vector.load %arg1[%get3A, %get3A_0] : memref<2x10240xf32, #tpu.memory_space<vmem>>, vector<1x10240xf32>
    %get3A_2 = vector.shape_cast %get3A_1 : vector<1x10240xf32> to vector<10240xf32>
    %get3A_3 = arith.constant 1 : index
    %get3A_4 = arith.constant 0 : index
    %get3A_5 = vector.load %arg1[%get3A_3, %get3A_4] : memref<2x10240xf32, #tpu.memory_space<vmem>>, vector<1x10240xf32>
    %get3A_6 = vector.shape_cast %get3A_5 : vector<1x10240xf32> to vector<10240xf32>
    %add3A = arith.addf %get3A_2, %get3A_6 : vector<10240xf32>
    %gt3A = arith.constant 0.000000e+00 : f32
    %gt3A_7 = vector.broadcast %gt3A : f32 to vector<10240xf32>
    %gt3A_8 = arith.cmpf ogt, %add3A, %gt3A_7 : vector<10240xf32>
    %max3A = arith.constant 9.99999996E-13 : f32
    %max3A_9 = vector.broadcast %max3A : f32 to vector<10240xf32>
    %max3A_10 = arith.maximumf %add3A, %max3A_9 : vector<10240xf32>
    %rsqrt3A = math.rsqrt %max3A_10 : vector<10240xf32>
    %jit3A = arith.constant 0.000000e+00 : f32
    %broadcast_in_dim3A = vector.broadcast %jit3A : f32 to vector<10240xf32>
    %select_n3A = arith.select %gt3A_8, %rsqrt3A, %broadcast_in_dim3A : vector<10240xi1>, vector<10240xf32>
    %swap3A = arith.constant 0 : index
    %swap3A_11 = vector.load %arg3[%swap3A] : memref<10240xf32, #tpu.memory_space<vmem>>, vector<10240xf32>
    tpu.vector_store %arg3[%swap3A], %select_n3A {strides = array<i32>} : memref<10240xf32, #tpu.memory_space<vmem>>, vector<10240xf32>,
    %get3A_12 = arith.constant 0 : index
    %get3A_13 = arith.constant 0 : index
    %get3A_14 = vector.load %arg0[%get3A_12, %get3A_13] : memref<10000x16xf32, #tpu.memory_space<vmem>>, vector<10000x16xf32>
    %broadcast_in_dim3A_15 = arith.constant 0.000000e+00 : f32
    %broadcast_in_dim3A_16 = vector.broadcast %broadcast_in_dim3A_15 : f32 to vector<240x16xf32>
    %concatenate3A = tpu.concatenate %get3A_14, %broadcast_in_dim3A_16 in 0 : vector<10000x16xf32>, vector<240x16xf32> -> vector<10240x16xf32>
    %broadcast_in_dim3A_17 = vector.shape_cast %select_n3A : vector<10240xf32> to vector<10240x1xf32>
    %mul3A = vector.broadcast %broadcast_in_dim3A_17 : vector<10240x1xf32> to vector<10240x16xf32>
    %mul3A_18 = arith.mulf %concatenate3A, %mul3A : vector<10240x16xf32>
    %swap3A_19 = arith.constant 0 : index
    %swap3A_20 = arith.constant 0 : index
    %swap3A_21 = vector.load %arg2[%swap3A_19, %swap3A_20] : memref<10240x16xf32, #tpu.memory_space<vmem>>, vector<10240x16xf32>
    tpu.vector_store %arg2[%swap3A_19, %swap3A_20], %mul3A_18 {strides = array<i32>} : memref<10240x16xf32, #tpu.memory_space<vmem>>, vector<10240x16xf32>,
    return
  }
}

module attributes {stable_mosaic.version = 14 : i64} {
  func.func @_tcb_body(%arg0: memref<2x10240x16xf32, #tpu.memory_space<vmem>>, %arg1: memref<10240xf32, #tpu.memory_space<vmem>>, %arg2: memref<16xf32, #tpu.memory_space<vmem>>, %arg3: memref<16x8xf32, #tpu.memory_space<vmem>>, %arg4: memref<10240x8xf32, #tpu.memory_space<vmem>>) attributes {dimension_semantics = [], scalar_prefetch = 0 : i64, scratch_operands = 0 : i64, tpu.core_type = #tpu.core_type<tc>} {
    %get3A = arith.constant 0 : index
    %get3A_0 = arith.constant 0 : index
    %get3A_1 = arith.constant 0 : index
    %get3A_2 = vector.load %arg0[%get3A, %get3A_0, %get3A_1] : memref<2x10240x16xf32, #tpu.memory_space<vmem>>, vector<1x10240x16xf32>
    %get3A_3 = vector.shape_cast %get3A_2 : vector<1x10240x16xf32> to vector<10240x16xf32>
    %get3A_4 = arith.constant 1 : index
    %get3A_5 = arith.constant 0 : index
    %get3A_6 = arith.constant 0 : index
    %get3A_7 = vector.load %arg0[%get3A_4, %get3A_5, %get3A_6] : memref<2x10240x16xf32, #tpu.memory_space<vmem>>, vector<1x10240x16xf32>
    %get3A_8 = vector.shape_cast %get3A_7 : vector<1x10240x16xf32> to vector<10240x16xf32>
    %add3A = arith.addf %get3A_3, %get3A_8 : vector<10240x16xf32>
    %get3A_9 = arith.constant 0 : index
    %get3A_10 = vector.load %arg1[%get3A_9] : memref<10240xf32, #tpu.memory_space<vmem>>, vector<10240xf32>
    %broadcast_in_dim3A = vector.shape_cast %get3A_10 : vector<10240xf32> to vector<10240x1xf32>
    %mul3A = vector.broadcast %broadcast_in_dim3A : vector<10240x1xf32> to vector<10240x16xf32>
    %mul3A_11 = arith.mulf %add3A, %mul3A : vector<10240x16xf32>
    %get3A_12 = arith.constant 0 : index
    %get3A_13 = vector.load %arg2[%get3A_12] : memref<16xf32, #tpu.memory_space<vmem>>, vector<16xf32>
    %broadcast_in_dim3A_14 = vector.shape_cast %get3A_13 : vector<16xf32> to vector<1x16xf32>
    %add3A_15 = vector.broadcast %broadcast_in_dim3A_14 : vector<1x16xf32> to vector<10240x16xf32>
    %add3A_16 = arith.addf %mul3A_11, %add3A_15 : vector<10240x16xf32>
    %max3A = arith.constant 0.000000e+00 : f32
    %max3A_17 = vector.broadcast %max3A : f32 to vector<10240x16xf32>
    %max3A_18 = arith.maximumf %add3A_16, %max3A_17 : vector<10240x16xf32>
    %get3A_19 = arith.constant 0 : index
    %get3A_20 = arith.constant 0 : index
    %get3A_21 = vector.load %arg3[%get3A_19, %get3A_20] : memref<16x8xf32, #tpu.memory_space<vmem>>, vector<16x8xf32>
    %dot_general3A = arith.constant dense<0.000000e+00> : vector<10240x8xf32>
    %dot_general3A_22 = tpu.matmul %max3A_18, %get3A_21, %dot_general3A {dimension_numbers = #tpu.dot_dimension_numbers<[1], [0], [0], [1], [0, 0, 1, 1], [], []>, transpose_lhs_hint = false} : vector<10240x16xf32>, vector<16x8xf32>, vector<10240x8xf32> -> vector<10240x8xf32>
    %broadcast_in_dim3A_23 = vector.shape_cast %get3A_10 : vector<10240xf32> to vector<10240x1xf32>
    %mul3A_24 = vector.broadcast %broadcast_in_dim3A_23 : vector<10240x1xf32> to vector<10240x8xf32>
    %mul3A_25 = arith.mulf %dot_general3A_22, %mul3A_24 : vector<10240x8xf32>
    %iota3A = tpu.iota {dimensions = array<i32: 0>} : vector<10240x8xi32>
    %lt3A = arith.constant 10000 : i32
    %lt3A_26 = vector.broadcast %lt3A : i32 to vector<10240x8xi32>
    %lt3A_27 = arith.cmpi slt, %iota3A, %lt3A_26 : vector<10240x8xi32>
    %jit3A = arith.constant 0.000000e+00 : f32
    %broadcast_in_dim3A_28 = vector.broadcast %jit3A : f32 to vector<10240x8xf32>
    %select_n3A = arith.select %lt3A_27, %mul3A_25, %broadcast_in_dim3A_28 : vector<10240x8xi1>, vector<10240x8xf32>
    %swap3A = arith.constant 0 : index
    %swap3A_29 = arith.constant 0 : index
    %swap3A_30 = vector.load %arg4[%swap3A, %swap3A_29] : memref<10240x8xf32, #tpu.memory_space<vmem>>, vector<10240x8xf32>
    tpu.vector_store %arg4[%swap3A, %swap3A_29], %select_n3A {strides = array<i32>} : memref<10240x8xf32, #tpu.memory_space<vmem>>, vector<10240x8xf32>,
    return
  }
}

module attributes {stable_mosaic.version = 14 : i64} {
  func.func @_tcc_body(%arg0: memref<2x10240x8xf32, #tpu.memory_space<vmem>>, %arg1: memref<10240xf32, #tpu.memory_space<vmem>>, %arg2: memref<2xf32, #tpu.memory_space<vmem>>, %arg3: memref<10000x2xf32, #tpu.memory_space<vmem>>) attributes {dimension_semantics = [], scalar_prefetch = 0 : i64, scratch_operands = 0 : i64, tpu.core_type = #tpu.core_type<tc>} {
    %get3A = arith.constant 0 : index
    %get3A_0 = arith.constant 0 : index
    %get3A_1 = arith.constant 0 : index
    %get3A_2 = vector.load %arg0[%get3A, %get3A_0, %get3A_1] : memref<2x10240x8xf32, #tpu.memory_space<vmem>>, vector<1x10240x8xf32>
    %get3A_3 = vector.shape_cast %get3A_2 : vector<1x10240x8xf32> to vector<10240x8xf32>
    %get3A_4 = arith.constant 1 : index
    %get3A_5 = arith.constant 0 : index
    %get3A_6 = arith.constant 0 : index
    %get3A_7 = vector.load %arg0[%get3A_4, %get3A_5, %get3A_6] : memref<2x10240x8xf32, #tpu.memory_space<vmem>>, vector<1x10240x8xf32>
    %get3A_8 = vector.shape_cast %get3A_7 : vector<1x10240x8xf32> to vector<10240x8xf32>
    %add3A = arith.addf %get3A_3, %get3A_8 : vector<10240x8xf32>
    %get3A_9 = arith.constant 0 : index
    %get3A_10 = vector.load %arg1[%get3A_9] : memref<10240xf32, #tpu.memory_space<vmem>>, vector<10240xf32>
    %slice3A = vector.extract_strided_slice %add3A {offsets = [0, 0], sizes = [10240, 2], strides = [1, 1]} : vector<10240x8xf32> to vector<10240x2xf32>
    %broadcast_in_dim3A = vector.shape_cast %get3A_10 : vector<10240xf32> to vector<10240x1xf32>
    %mul3A = vector.broadcast %broadcast_in_dim3A : vector<10240x1xf32> to vector<10240x2xf32>
    %mul3A_11 = arith.mulf %slice3A, %mul3A : vector<10240x2xf32>
    %get3A_12 = arith.constant 0 : index
    %get3A_13 = vector.load %arg2[%get3A_12] : memref<2xf32, #tpu.memory_space<vmem>>, vector<2xf32>
    %broadcast_in_dim3A_14 = vector.shape_cast %get3A_13 : vector<2xf32> to vector<1x2xf32>
    %add3A_15 = vector.broadcast %broadcast_in_dim3A_14 : vector<1x2xf32> to vector<10240x2xf32>
    %add3A_16 = arith.addf %mul3A_11, %add3A_15 : vector<10240x2xf32>
    %slice3A_17 = vector.extract_strided_slice %add3A_16 {offsets = [0, 0], sizes = [10000, 2], strides = [1, 1]} : vector<10240x2xf32> to vector<10000x2xf32>
    %reduce_max3A = arith.constant dense<0xFF800000> : vector<10000xf32>
    %reduce_max3A_18 = vector.multi_reduction <maximumf>, %slice3A_17, %reduce_max3A [1] : vector<10000x2xf32> to vector<10000xf32>
    %broadcast_in_dim3A_19 = vector.shape_cast %reduce_max3A_18 : vector<10000xf32> to vector<10000x1xf32>
    %sub3A = vector.broadcast %broadcast_in_dim3A_19 : vector<10000x1xf32> to vector<10000x2xf32>
    %sub3A_20 = arith.subf %slice3A_17, %sub3A : vector<10000x2xf32>
    %exp3A = math.exp %sub3A_20 : vector<10000x2xf32>
    %reduce_sum3A = arith.constant dense<0.000000e+00> : vector<10000xf32>
    %reduce_sum3A_21 = vector.multi_reduction <add>, %exp3A, %reduce_sum3A [1] : vector<10000x2xf32> to vector<10000xf32>
    %broadcast_in_dim3A_22 = vector.shape_cast %reduce_sum3A_21 : vector<10000xf32> to vector<10000x1xf32>
    %log3A = math.log %broadcast_in_dim3A_22 : vector<10000x1xf32>
    %add3A_23 = arith.addf %broadcast_in_dim3A_19, %log3A : vector<10000x1xf32>
    %sub3A_24 = vector.broadcast %add3A_23 : vector<10000x1xf32> to vector<10000x2xf32>
    %sub3A_25 = arith.subf %slice3A_17, %sub3A_24 : vector<10000x2xf32>
    %swap3A = arith.constant 0 : index
    %swap3A_26 = arith.constant 0 : index
    %swap3A_27 = vector.load %arg3[%swap3A, %swap3A_26] : memref<10000x2xf32, #tpu.memory_space<vmem>>, vector<10000x2xf32>
    tpu.vector_store %arg3[%swap3A, %swap3A_26], %sub3A_25 {strides = array<i32>} : memref<10000x2xf32, #tpu.memory_space<vmem>>, vector<10000x2xf32>,
    return
  }
}

</mosaic_0001>

<sc_bundles>
// kernel: kernel.12.cloned.1.call-start
scs
__scs_entry_jumppad:
0x0: {  	(pc) =	sbr.rel $0x88, $3  }
0x1: {  	(tag) =	ssettag $0x0;
	lr =	simm.s32 $0x1  }
0x2: {  	[smem:$0x3F9B] =	sst lr;
	_ =	strace $0xD0000000  }
0x3: {  	_ = 	snop  }
0x4: {  	_ = 	snop  }
0x5: {  	_ = 	snop  }
0x6: {  	_ = 	snop  }
0x7: {  	_ = 	snop  }
__scs_overlays_trampoline_lowered:
0x8: {  	[smem:$0x3FAA] =	sst s0  }
0x9: {  	[smem:$0x3FAB] =	sst s1  }
0xa: {  	[smem:$0x3FAC] =	sst s2  }
0xb: {  	[smem:$0x3FAD] =	sst s3  }
0xc: {  	[smem:$0x3FAE] =	sst s4  }
0xd: {  	[smem:$0x3FAF] =	sst s5  }
0xe: {  	[smem:$0x3FB0] =	sst s6  }
0xf: {  	[smem:$0x3FB1] =	sst s7  }
0x10: {  	[smem:$0x3FB2] =	sst s8  }
0x11: {  	[smem:$0x3FB3] =	sst s9;
	s0 =	simm.s32 @!p0 $0x0  }
0x12: {  	s1 =	sld [smem:$0x3F99];
	s0 =	simm.s32 @p0 $0x1  }
0x13: {  	[smem:$0x3FB4] =	sst s0;
	s0 =	simm.s32 @!p1 $0x0  }
0x14: {  	s2 =	sld [smem:$0x3F98];
	s0 =	simm.s32 @p1 $0x1  }
0x15: {  	[smem:$0x3FB5] =	sst s0;
	s0 =	simm.s32 @!p2 $0x0  }
0x16: {  	s3 =	sld [smem:$0x3FDB];
	s0 =	simm.s32 @p2 $0x1  }
0x17: {  	s4 =	simm.s32 $0x1BF5;
	[smem:$0x3FB7] =	sst s0  }
0x18: {  	s0 =	sld [smem:$0x3F9A];
	_ =	swait.ge [sflag:s4], $0x0  }
0x19: {  	s7 =	sld [smem:$0x3F9B]  }
0x1a: {  	s8 =	sadd.s32 $0xFFFFE003, lr  }
0x1b: {  	s9 =	sadd.s32 $0xFFFFFEF7, lr;
	s5 =	simm.s32 $0xFFFFFFFF;
	p2 =	slt.u32 s8, $0xFFFFF086  }
0x1c: {  	p1 =	slt.u32 s9, $0xF7A;
	s5 =	simm.s32 @!p2 $0x0  }
0x1d: {  	s5 =	simm.s32 @p1 $0x1;
	p0 =	seq.s32 s7, s2  }
0x1e: {  	s7 =	smul.u32 @!p0 $0xF7A, s2;
	p2 =	seq.s32 @!p0 s5, $0x0  }
0x1f: {  	s9 =	smul.u32 $0xF7A, s1;
	s8 =	simm.s32 @!p0 $0x1BF5;
	p2 =	por !p2, p0  }
0x20: {  	[sflag:s8] =	ssyncset.s32 @!p0 $0xFFFFF086;
	s6 =	sadd.s32 @!p0 s3, s7;
	s7 =	simm.s32 @!p0 $0x108  }
0x21: {  	s3 =	sadd.s32 s3, s9;
	s6 =	sadd.s32 @!p0 $0x88, s6;
	s7 =	simm.s32 @p2 $0x1082  }
0x22: {  	[simem:s7], [sflag:s8] =	dma.local @!p0 [hbm:s6], $0xF7A  }
0x23: {  	s9 =	sor.u32 $0xD0000000, s2;
	s6 =	simm.s32 $0x108;
	_ =	swait.ge @!p0 [sflag:s8], $0x0  }
0x24: {  	s3 =	sadd.s32 $0x88, s3;
	s6 =	simm.s32 @!p1 $0x1082;
	[sflag:s4] =	ssyncset.s32 $0xFFFFF086  }
0x25: {  	[simem:s6], [sflag:s4] =	dma.local [hbm:s3], $0xF7A  }
0x26: {  	[smem:$0x3F9B] =	sst s1;
	(tag) =	ssettag s2;
	_ =	strace s9  }
0x27: {  	s1 =	sld [smem:$0x3FAB]  }
0x28: {  	s2 =	sld [smem:$0x3FAC]  }
0x29: {  	s4 =	sld [smem:$0x3FAE]  }
0x2a: {  	p0 =	seq.s32 s5, $0x0;
	s5 =	sld [smem:$0x3FAF]  }
0x2b: {  	s6 =	sld [smem:$0x3FB0]  }
0x2c: {  	s7 =	sld [smem:$0x3FB1]  }
0x2d: {  	s3 =	simm.s32 $0x108;
	s8 =	sld [smem:$0x3FB2]  }
0x2e: {  	s3 =	simm.s32 @!p0 $0x1082;
	s9 =	sld [smem:$0x3FB3]  }
0x2f: {  	lr =	sadd.s32 s0, s3;
	s0 =	sld [smem:$0x3FAA]  }
0x30: {  	s3 =	sld [smem:$0x3FAD]  }
0x31: {  	[smem:$0x3FB6] =	sst s10  }
0x32: {  	s10 =	sld [smem:$0x3FB4];
	_ =	sdelay $0x3  }
0x33: {  	p0 =	seq.s32 s10, $0x1;
	s10 =	sld [smem:$0x3FB6];
	_ =	sdelay $0x3  }
0x34: {  	[smem:$0x3FB6] =	sst s10  }
0x35: {  	s10 =	sld [smem:$0x3FB5];
	_ =	sdelay $0x3  }
0x36: {  	p1 =	seq.s32 s10, $0x1;
	s10 =	sld [smem:$0x3FB6];
	_ =	sdelay $0x3  }
0x37: {  	[smem:$0x3FB6] =	sst s10  }
0x38: {  	s10 =	sld [smem:$0x3FB7]  }
0x39: {  	_ = 	snop;
	(pc) =	sbr.ind lr, $3  }
0x3a: {  	_ = 	snop  }
0x3b: {  	_ = 	snop  }
0x3c: {  	p2 =	seq.s32 s10, $0x1;
	s10 =	sld [smem:$0x3FB6]  }
0x3d: {  	_ =	shalt  }
0x3e: {  	_ =	shalt  }
0x3f: {  	_ =	shalt  }
0x40: {  	_ =	shalt  }
0x41: {  	_ =	shalt  }
0x42: {  	_ =	shalt  }
0x43: {  	_ =	shalt  }
0x44: {  	_ =	shalt  }
0x45: {  	_ =	shalt  }
0x46: {  	_ =	shalt  }
0x47: {  	_ =	shalt  }
0x48: {  	_ =	shalt  }
0x49: {  	_ =	shalt  }
0x4a: {  	_ =	shalt  }
0x4b: {  	_ =	shalt  }
0x4c: {  	_ =	shalt  }
0x4d: {  	_ =	shalt  }
0x4e: {  	_ =	shalt  }
0x4f: {  	_ =	shalt  }
0x50: {  	_ =	shalt  }
0x51: {  	_ =	shalt  }
0x52: {  	_ =	shalt  }
0x53: {  	_ =	shalt  }
0x54: {  	_ =	shalt  }
0x55: {  	_ =	shalt  }
0x56: {  	_ =	shalt  }
0x57: {  	_ =	shalt  }
0x58: {  	_ =	shalt  }
0x59: {  	_ =	shalt  }
0x5a: {  	_ =	shalt  }
0x5b: {  	_ =	shalt  }
0x5c: {  	_ =	shalt  }
0x5d: {  	_ =	shalt  }
0x5e: {  	_ =	shalt  }
0x5f: {  	_ =	shalt  }
0x60: {  	_ =	shalt  }
0x61: {  	_ =	shalt  }
0x62: {  	_ =	shalt  }
0x63: {  	_ =	shalt  }
0x64: {  	_ =	shalt  }
0x65: {  	_ =	shalt  }
0x66: {  	_ =	shalt  }
0x67: {  	_ =	shalt  }
0x68: {  	_ =	shalt  }
0x69: {  	_ =	shalt  }
0x6a: {  	_ =	shalt  }
0x6b: {  	_ =	shalt  }
0x6c: {  	_ =	shalt  }
0x6d: {  	_ =	shalt  }
0x6e: {  	_ =	shalt  }
0x6f: {  	_ =	shalt  }
0x70: {  	_ =	shalt  }
0x71: {  	_ =	shalt  }
0x72: {  	_ =	shalt  }
0x73: {  	_ =	shalt  }
0x74: {  	_ =	shalt  }
0x75: {  	_ =	shalt  }
0x76: {  	_ =	shalt  }
0x77: {  	_ =	shalt  }
0x78: {  	_ =	shalt  }
0x79: {  	_ =	shalt  }
0x7a: {  	_ =	shalt  }
0x7b: {  	_ =	shalt  }
0x7c: {  	_ =	shalt  }
0x7d: {  	_ =	shalt  }
0x7e: {  	_ =	shalt  }
0x7f: {  	_ =	shalt  }
0x80: {  	_ =	shalt  }
0x81: {  	_ =	shalt  }
0x82: {  	_ =	shalt  }
0x83: {  	_ =	shalt  }
0x84: {  	_ =	shalt  }
0x85: {  	_ =	shalt  }
0x86: {  	_ =	shalt  }
0x87: {  	_ =	shalt  }
.Lfunc_end0:
.L_simem_size_0:
called_computation.1_lowered:
.L_overlay_start_0:
0x88: {  	s2 =	sld [smem:$0x3FD9]  }
0x89: {  	s3 =	sld [smem:$0x3FFE];
	_ =	sdelay $0x1  }
0x8a: {  	s1 =	srdreg.scid  }
0x8b: {  	s0 =	sand.u32 $0x1, s1  }
0x8c: {  	s16 =	sshll.u32 s0, $0xA;
	s2 =	sadd.s32 s3, s2  }
0x8d: {  	s2 =	sadd.s32 s2, s16  }
0x8e: {  	[smem:$0x3FC2] =	sst s2  }
0x8f: {  	_ = 	snop  }
0x90: {  	(tm) =	ssettm $0x1  }
0x91: {  	s17 =	sld [smem:$0x3FFB];
	_ =	sdelay $0x3  }
0x92: {  	_ =	strace s17  }
0x93: {  	s2 =	sld [smem:$0x3FFC];
	_ =	sdelay $0x3  }
0x94: {  	_ =	strace s2  }
0x95: {  	s2 =	sld [smem:$0x3FFD];
	_ =	sdelay $0x3  }
0x96: {  	_ =	strace s2  }
0x97: {  	_ =	strace $0x8FFFFFFF  }
0x98: {  	s18 =	sld [smem:$0x3FDB];
	_ =	sdelay $0x1  }
0x99: {  	s19 =	simm.s32 $_scs_section_size  }
0x9a: {  	s4 =	simm.s32 $_size__tile_overlayer_lowered;
	s5 =	simm.s32 $_tile_overlayer_lowered  }
0x9b: {  	s22 =	simm.s32 $0x1BFF;
	s21 =	sshll.u32 s5, $0x1;
	s2 =	sadd.s32 s19, s18  }
0x9c: {  	s6 =	simm.s32 $0x0;
	s20 =	sshll.u32 s4, $0x1;
	s4 =	sadd.s32 s21, s2  }
0x9d: {  	[timem:s6], [sflag:s22] =	dma.local [hbm:s4], s20  }
0x9e: {  	_ =	swait.ge [sflag:s22], s20  }
0x9f: {  	s3 =	ssub.s32 $0x0, s20;
	[sflag:s22] =	ssyncset.done $0x0  }
0xa0: {  	[sflag:s22] =	ssyncadd.s32 s3;
	_ =	sdelay $0x1  }
0xa1: {  	s23 =	simm.s32 $0x1B8B  }
0xa2: {  	_ =	swait.ge [sflag:s23], $0x1  }
0xa3: {  	[sflag:s23] =	ssyncset.done $0x0  }
0xa4: {  	s25 =	simm.s32 $0x1B8E;
	s24 =	sld [smem:$0x3FFE];
	[sflag:s23] =	ssyncadd.s32 $0xFFFFFFFF  }
0xa5: {  	s26 =	simm.s32 $execute0_lowered;
	[smem:$0x3FD2] =	sst s25  }
0xa6: {  	s4 =	sshll.u32 s26, $0x1;
	_ =	strace $0x80000049;
	[dreg:$0x1] =	wrdreg $0xFFFFFFFF  }
0xa7: {  	s28 =	simm.s32 $_size_execute0_lowered;
	s2 =	sadd.s32 s2, s4;
	[dreg:$0x0] =	wrdreg $0x0  }
0xa8: {  	s4 =	sshll.u32 s28, $0x1;
	[dreg:$0x2] =	wrdreg s2  }
0xa9: {  	[dreg:$0x3] =	wrdreg s4  }
0xaa: {  	[dreg:$0x4] =	wrdreg $0xC0  }
0xab: {  	_ =	task [dreg:s6], $0x5FFFF  }
0xac: {  	[dreg:$0x1] =	wrdreg $0xFFFFFFFF  }
0xad: {  	[dreg:$0x0] =	wrdreg $0x60  }
0xae: {  	[dreg:$0x2] =	wrdreg s24  }
0xaf: {  	[dreg:$0x3] =	wrdreg $0x0  }
0xb0: {  	[dreg:$0x4] =	wrdreg $0x9  }
0xb1: {  	_ =	task.clear_ibuf [dreg:s6], $0x5FFFF;
	_ =	strace $0x90000049  }
0xb2: {  	s29 =	simm.s32 $0x9;
	_ =	strace $0x8000004B  }
0xb3: {  	_ =	swait.ge [sflag:s29], $0x1  }
0xb4: {  	[sflag:s29] =	ssyncadd.s32 $0xFFFFFFFF  }
0xb5: {  	_ =	strace $0x9000004B  }
0xb6: {  	_ =	sfence  }
0xb7: {  	s30 =	sld [smem:$0x0];
	_ =	sdelay $0x2  }
0xb8: {  	s31 =	sshll.u32 s1, $0xD;
	s1 =	sshrl.u32 s1, $0x2  }
0xb9: {  	s3 =	sand.u32 $0x4000, s31;
	s1 =	sadd.s32 s1, s30  }
0xba: {  	s0 =	sor.u32 s3, s0;
	s1 =	sshll.u32 s1, $0x11  }
0xbb: {  	s0 =	sor.u32 s1, s0  }
0xbc: {  	s0 =	sadd.s32 $0x8F2B, s0  }
0xbd: {  	[sflag:s0] =	ssyncadd.remote.s32 $0x1  }
0xbe: {  	_ =	sfence.sel $0xFFFF  }
0xbf: {  	[dreg:$0x0] =	wrdreg $0xFFFFFFFF;
	(pc) =	sbr.abs _section_cstart, $3  }
0xc0: {  	[dreg:$0x1] =	wrdreg $0xFFFFFFFF  }
0xc1: {  	_ =	task.clear_ibuf [dreg:s6], $0x2FFFF;
	_ =	strace $0x9FFFFFFF  }
0xc2: {  	(tm) =	ssettm $0x7FFFFFFF  }
0xc3: {  	_ =	shalt  }
tec
execute0_lowered:
.L_overlay_start_1:
0x0: {  	(tag) =	ssettag $0x1  }
0x1: {  	s0 =	rddreg [dreg:$0x0]  }
0x2: {  	s2 =	rddreg [dreg:$0x1];
	s11 =	stileid.u32;
	s5 =	simm.s32 $0x0  }
0x3: {  	s3 =	srdreg.scid;
	s7 =	simm.s32 $0xB800;
	s15 =	simm.s32 $0xA  }
0x4: {  	s18 =	simm.s32 $0x9;
	s19 =	simm.s32 $0x80;
	s1 =	smul.u32 $0x5C, s11  }
0x5: {  	s28 =	simm.s32 $0x1;
	s29 =	simm.s32 $0x2;
	s4 =	smul.u32 $0x48, s11  }
0x6: {  	s30 =	simm.s32 $0x3;
	s31 =	simm.s32 $0x4;
	s8 =	smul.u32 $0x2800, s11  }
0x7: {  	[smem:$0x7FF] =	sst s5;
	s3 =	sand.u32 $0x1, s3;
	s9 =	smul.u32 $0xA000, s11  }
0x8: {  	s24 =	sshll.u32 s11, $0x6;
	p0 =	seq.s32 s3, $0x0;
	s6 =	smul.u32 $0x28000, s3  }
0x9: {  	_ =	strace $0x8000004A;
	s3 =	ssub.s32 $0x2, s3;
	s5 =	sadd.s32 $0x5C0, s4  }
0xa: {  	s4 =	sadd.s32 $0x17000, s0;
	s21 =	sshrl.u32 s3, $0x1;
	s7 =	simm.s32 @!p0 $0x9000  }
0xb: {  	s23 =	sshrl.u32 s9, $0x2;
	s13 =	sadd.s32 s8, s2;
	s9 =	sor.u32 $0x1C0A, s24  }
0xc: {  	s24 =	simm.s32 $0xA000;
	s5 =	smov.u32 @p0 s1;
	s20 =	sadd.s32 s8, s6  }
0xd: {  	s3 =	ssub.s32 s3, s21;
	[dreg:$0x3] =	wrdreg s7;
	s8 =	sadd.s32 $0x1BE20, s0  }
0xe: {  	s14 =	sshrl.u32 s13, $0x3;
	s13 =	simm.s32 $0x7;
	s21 =	simm.s32 $0x8  }
0xf: {  	s1 =	sshll.u32 s5, $0x4;
	s5 =	sshrl.u32 s20, $0x3;
	s11 =	smax.u32 s3, $0x1  }
0x10: {  	s20 =	simm.s32 $0x9000;
	s1 =	sadd.s32 s1, s0;
	s10 =	sadd.s32 s5, s0  }
0x11: {  	s5 =	simm.s32 $0x5C;
	s0 =	simm.s32 $0x5;
	s22 =	sadd.s32 $0xC800, s1  }
0x12: {  	s5 =	simm.s32 @!p0 $0x48;
	s1 =	sadd.s32 $0x1600, s1;
	[dreg:$0x4] =	wrdreg s22  }
0x13: {  	s26 =	sadd.s32 $0x1C000, s10;
	[dreg:$0x5] =	wrdreg s1;
	s1 =	sadd.s32 s23, s2  }
0x14: {  	[dreg:$0x6] =	wrdreg s26;
	s22 =	simm.s32 $0x9800;
	s26 =	simm.s32 $0xA800  }
0x15: {  	s23 =	simm.s32 $0x0;
	s25 =	sadd.s32 $0xF00, s1;
	s1 =	sadd.s32 $0x1E00, s1  }
0x16: {  	s16 =	sshrl.u32 s25, $0x3;
	s17 =	sshrl.u32 s1, $0x3;
	s1 =	simm.s32 $0x6  }
.LBB2_1:
0x17: {  	s3 =	simm.s32 $0x0;
	s6 =	rddreg [dreg:$0x4];
	s7 =	simm.s32 $0x2800  }
0x18: {  	[tilespmem:s7], [sflag:$0x9] =	stream.linear.gather [hbm4b:s6+s3], $0x3400, $0x38;
	[tilespmem:$0xB000] =	vst v63  }
0x19: {  	s25 =	rddreg [dreg:$0x5];
	s10 =	simm.s32 $0x5C00  }
0x1a: {  	[tilespmem:s10], [sflag:$0x9] =	stream.linear.gather [hbm4b:s25+s3], $0x3400, $0x38;
	[tilespmem:$0xB000] =	vst v63  }
0x1b: {  	[spmem:s14], [sflag:s9] =	dma.local [hbm:s8], $0x1E0  }
0x1c: {  	_ =	swait.ge [sflag:s15], $0x1E0  }
0x1d: {  	[sflag:s15] =	ssyncset.done $0x0  }
0x1e: {  	[sflag:s15] =	ssyncadd.s32 $0xFFFFFE20  }
0x1f: {  	[spmem:s16], [sflag:s9] =	dma.local [hbm:s8], $0x1E0  }
0x20: {  	_ =	swait.ge [sflag:s15], $0x1E0  }
0x21: {  	[sflag:s15] =	ssyncset.done $0x0  }
0x22: {  	[sflag:s15] =	ssyncadd.s32 $0xFFFFFE20  }
0x23: {  	[spmem:s17], [sflag:s9] =	dma.local [hbm:s8], $0x140  }
0x24: {  	_ =	swait.ge [sflag:s15], $0x140  }
0x25: {  	[sflag:s15] =	ssyncset.done $0x0  }
0x26: {  	[sflag:s15] =	ssyncadd.s32 $0xFFFFFEC0  }
0x27: {  	_ =	swait.ge [sflag:s18], $0x3400  }
0x28: {  	[sflag:s18] =	ssyncset.done $0x0  }
0x29: {  	[sflag:s18] =	ssyncadd.s32 $0xFFFFCC00  }
0x2a: {  	_ =	swait.ge [sflag:s18], $0x3400  }
0x2b: {  	[sflag:s18] =	ssyncset.done $0x0  }
0x2c: {  	[sflag:s18] =	ssyncadd.s32 $0xFFFFCC00  }
0x2d: {  	[bflag:$0x0] =	sbarrier.arrive $0xFFFF  }
0x2e: {  	[tilespmem:s20], [sflag:$0x1] =	stream.indirect.gather [hbm4b:s4+s19], $0x10, s7, s19, $0xb8;
	[tilespmem:$0xB000] =	vst v63  }
0x2f: {  	s10 =	simm.s32 $0x2880  }
0x30: {  	[tilespmem:s22], [sflag:$0x2] =	stream.indirect.gather [hbm4b:s4+s19], $0x10, s10, s19, $0xb8;
	[tilespmem:$0xB000] =	vst v63  }
0x31: {  	s12 =	simm.s32 $0x2900  }
0x32: {  	[tilespmem:s24], [sflag:$0x3] =	stream.indirect.gather [hbm4b:s4+s19], $0x10, s12, s19, $0xb8;
	[tilespmem:$0xB000] =	vst v63  }
0x33: {  	s25 =	simm.s32 $0x2980  }
0x34: {  	[tilespmem:s26], [sflag:$0x4] =	stream.indirect.gather [hbm4b:s4+s19], $0x10, s25, s19, $0xb8;
	[tilespmem:$0xB000] =	vst v63  }
0x35: {  	s3 =	simm.s32 $0x0;
	s25 =	simm.s32 $0x4  }
.LBB2_2:
0x36: {  	_ =	swait.ge [sflag:s28], $0x800  }
0x37: {  	s6 =	sshra.s32 s3, $0x2;
	[sflag:s28] =	ssyncset.done $0x0  }
0x38: {  	s7 =	sadd.s32 $0x5C00, s6;
	[sflag:s28] =	ssyncadd.s32 $0xFFFFF800  }
0x39: {  	[spmem:s2] =	stream.indirect.scatter.add.f32 [tilespmem:s20], [sflag:$0x5], $0x10, s7, s19, $0xb8;
	[tilespmem:$0xB000] =	vst v63  }
0x3a: {  	_ =	swait.ge [sflag:s29], $0x800  }
0x3b: {  	[sflag:s29] =	ssyncset.done $0x0  }
0x3c: {  	s10 =	sadd.s32 $0x5C80, s6;
	[sflag:s29] =	ssyncadd.s32 $0xFFFFF800  }
0x3d: {  	[spmem:s2] =	stream.indirect.scatter.add.f32 [tilespmem:s22], [sflag:$0x6], $0x10, s10, s19, $0xb8;
	[tilespmem:$0xB000] =	vst v63  }
0x3e: {  	_ =	swait.ge [sflag:s30], $0x800  }
0x3f: {  	[sflag:s30] =	ssyncset.done $0x0  }
0x40: {  	s12 =	sadd.s32 $0x5D00, s6;
	[sflag:s30] =	ssyncadd.s32 $0xFFFFF800  }
0x41: {  	[spmem:s2] =	stream.indirect.scatter.add.f32 [tilespmem:s24], [sflag:$0x7], $0x10, s12, s19, $0xb8;
	[tilespmem:$0xB000] =	vst v63  }
0x42: {  	_ =	swait.ge [sflag:s31], $0x800  }
0x43: {  	[sflag:s31] =	ssyncset.done $0x0  }
0x44: {  	s6 =	sadd.s32 $0x5D80, s6;
	[sflag:s31] =	ssyncadd.s32 $0xFFFFF800  }
0x45: {  	[spmem:s2] =	stream.indirect.scatter.add.f32 [tilespmem:s26], [sflag:$0x8], $0x10, s6, s19, $0xb8;
	[tilespmem:$0xB000] =	vst v63  }
0x46: {  	p0 =	sge.u32 s25, s5;
	_ =	swait.ge [sflag:s0], $0x800  }
0x47: {  	s7 =	simm.s32 @!p0 $0x80;
	s6 =	sshra.s32 @!p0 s3, $0x2;
	[sflag:s0] =	ssyncset.done $0x0  }
0x48: {  	s12 =	simm.s32 @!p0 $0x9000;
	s6 =	sadd.s32 @!p0 $0x2A00, s6;
	[sflag:s0] =	ssyncadd.s32 $0xFFFFF800  }
0x49: {  	[tilespmem:s12], [sflag:$0x1] =	stream.indirect.gather @!p0 [hbm4b:s4+s7], $0x10, s6, s7, $0xb8;
	[tilespmem:$0xB000] =	vst v63  }
0x4a: {  	s7 =	sadd.s32 $0x1, s25  }
0x4b: {  	s10 =	sadd.s32 $0x2, s25;
	_ =	swait.ge [sflag:s1], $0x800;
	p0 =	sge.u32 s7, s5  }
0x4c: {  	[sflag:s1] =	ssyncset.done $0x0;
	s6 =	sshra.s32 @!p0 s3, $0x2;
	s7 =	simm.s32 @!p0 $0x80  }
0x4d: {  	s12 =	simm.s32 @!p0 $0x9800;
	[sflag:s1] =	ssyncadd.s32 $0xFFFFF800;
	s6 =	sadd.s32 @!p0 $0x2A80, s6  }
0x4e: {  	[tilespmem:s12], [sflag:$0x2] =	stream.indirect.gather @!p0 [hbm4b:s4+s7], $0x10, s6, s7, $0xb8;
	[tilespmem:$0xB000] =	vst v63  }
0x4f: {  	p0 =	sge.u32 s10, s5;
	_ =	swait.ge [sflag:s13], $0x800  }
0x50: {  	s6 =	sshra.s32 @!p0 s3, $0x2;
	s7 =	simm.s32 @!p0 $0x80;
	[sflag:s13] =	ssyncset.done $0x0  }
0x51: {  	s12 =	simm.s32 @!p0 $0xA000;
	s6 =	sadd.s32 @!p0 $0x2B00, s6;
	[sflag:s13] =	ssyncadd.s32 $0xFFFFF800  }
0x52: {  	[tilespmem:s12], [sflag:$0x3] =	stream.indirect.gather @!p0 [hbm4b:s4+s7], $0x10, s6, s7, $0xb8;
	[tilespmem:$0xB000] =	vst v63  }
0x53: {  	s12 =	sadd.s32 $0x3, s25  }
0x54: {  	_ =	swait.ge [sflag:s21], $0x800;
	p0 =	sge.u32 s12, s5  }
0x55: {  	[sflag:s21] =	ssyncset.done $0x0;
	s6 =	sshra.s32 @!p0 s3, $0x2  }
0x56: {  	s7 =	simm.s32 @!p0 $0x80;
	s12 =	simm.s32 @!p0 $0xA800;
	s10 =	rddreg [dreg:$0x3]  }
0x57: {  	s3 =	sadd.s32 $0x800, s3;
	[sflag:s21] =	ssyncadd.s32 $0xFFFFF800;
	s6 =	sadd.s32 @!p0 $0x2B80, s6  }
0x58: {  	[tilespmem:s12], [sflag:$0x4] =	stream.indirect.gather @!p0 [hbm4b:s4+s7], $0x10, s6, s7, $0xb8;
	[tilespmem:$0xB000] =	vst v63  }
0x59: {  	p0 =	sne.s32 s10, s3  }
.Ltmp0:
0x5a: {  	_ = 	snop;
	(pc) =	sbr.rel @p0 .LBB2_2-.Ltmp0, $2  }
0x5b: {  	_ =	sdelay $0x2  }
0x5c: {  	s25 =	sadd.s32 $0x4, s25  }
0x5d: {  	s23 =	sadd.s32 $0x1, s23  }
0x5e: {  	[bflag:$0x0] =	sbarrier.arrive $0xFFFF;
	p0 =	sne.s32 s23, s11  }
.Ltmp1:
0x5f: {  	s3 =	rddreg [dreg:$0x6];
	(pc) =	sbr.rel @p0 .LBB2_1-.Ltmp1, $4  }
0x60: {  	[hbm:s3], [sflag:s9] =	dma.local [spmem:s14], $0x500  }
0x61: {  	_ =	swait.ge [sflag:s15], $0x500  }
0x62: {  	[sflag:s15] =	ssyncset.done $0x0  }
0x63: {  	[sflag:s15] =	ssyncadd.s32 $0xFFFFFB00  }
0x64: {  	_ =	sfence.sel $0x180000  }
0x65: {  	[bflag:$0x0] =	sbarrier.arrive $0xFFFF  }
0x66: {  	_ =	strace $0x9000004A  }
0x67: {  	s0 =	stileid.u32;
	[bflag:$0x2] =	sbarrier.arrive $0xFFFF  }
0x68: {  	p0 =	sne.s32 s0, $0x0;
	s0 =	rddreg [dreg:$0x2]  }
0x69: {  	s0 =	sadd.s32 @!p0 $0x100000, s0  }
0x6a: {  	[sflag:s0] =	ssyncadd.tile.s32 @!p0 $0x1;
	_ =	shalt  }
.Lfunc_end2:
_tile_overlayer_lowered:
.L_overlay_start_2:
0x6b: {  	(tag) =	ssettag $0x2  }
0x6c: {  	s0 =	rddreg [dreg:$0x0];
	s2 =	stileid.u32  }
0x6d: {  	s1 =	rddreg [dreg:$0x1];
	p0 =	sne.s32 s2, $0x0  }
0x6e: {  	s3 =	rddreg [dreg:$0x2];
	[bflag:$0x3] =	sbarrier.arrive $0xFFFF;
	s2 =	simm.s32 @!p0 $0x1C0A  }
0x6f: {  	[timem:s3], [sflag:s2] =	dma.local @!p0 [hbm:s0], s1  }
0x70: {  	s0 =	simm.s32 @!p0 $0xA  }
0x71: {  	_ =	swait.ge @!p0 [sflag:s0], s1  }
0x72: {  	s1 =	ssub.s32 @!p0 $0x0, s1;
	[sflag:s0] =	ssyncset.done @!p0 $0x0  }
0x73: {  	[sflag:s0] =	ssyncadd.s32 @!p0 s1  }
0x74: {  	[bflag:$0x3] =	sbarrier.arrive $0xFFFF  }
0x75: {  	_ =	shalt  }

// kernel: kernel.15.cloned.1.call-start
scs
__scs_entry_jumppad:
0x0: {  	(pc) =	sbr.rel $0x88, $3  }
0x1: {  	(tag) =	ssettag $0x0;
	lr =	simm.s32 $0x1  }
0x2: {  	[smem:$0x3F9B] =	sst lr;
	_ =	strace $0xD0000000  }
0x3: {  	_ = 	snop  }
0x4: {  	_ = 	snop  }
0x5: {  	_ = 	snop  }
0x6: {  	_ = 	snop  }
0x7: {  	_ = 	snop  }
__scs_overlays_trampoline_lowered:
0x8: {  	[smem:$0x3FAA] =	sst s0  }
0x9: {  	[smem:$0x3FAB] =	sst s1  }
0xa: {  	[smem:$0x3FAC] =	sst s2  }
0xb: {  	[smem:$0x3FAD] =	sst s3  }
0xc: {  	[smem:$0x3FAE] =	sst s4  }
0xd: {  	[smem:$0x3FAF] =	sst s5  }
0xe: {  	[smem:$0x3FB0] =	sst s6  }
0xf: {  	[smem:$0x3FB1] =	sst s7  }
0x10: {  	[smem:$0x3FB2] =	sst s8  }
0x11: {  	[smem:$0x3FB3] =	sst s9;
	s0 =	simm.s32 @!p0 $0x0  }
0x12: {  	s1 =	sld [smem:$0x3F99];
	s0 =	simm.s32 @p0 $0x1  }
0x13: {  	[smem:$0x3FB4] =	sst s0;
	s0 =	simm.s32 @!p1 $0x0  }
0x14: {  	s2 =	sld [smem:$0x3F98];
	s0 =	simm.s32 @p1 $0x1  }
0x15: {  	[smem:$0x3FB5] =	sst s0;
	s0 =	simm.s32 @!p2 $0x0  }
0x16: {  	s3 =	sld [smem:$0x3FDB];
	s0 =	simm.s32 @p2 $0x1  }
0x17: {  	s4 =	simm.s32 $0x1BF5;
	[smem:$0x3FB7] =	sst s0  }
0x18: {  	s0 =	sld [smem:$0x3F9A];
	_ =	swait.ge [sflag:s4], $0x0  }
0x19: {  	s7 =	sld [smem:$0x3F9B]  }
0x1a: {  	s8 =	sadd.s32 $0xFFFFE003, lr  }
0x1b: {  	s9 =	sadd.s32 $0xFFFFFEF7, lr;
	s5 =	simm.s32 $0xFFFFFFFF;
	p2 =	slt.u32 s8, $0xFFFFF086  }
0x1c: {  	p1 =	slt.u32 s9, $0xF7A;
	s5 =	simm.s32 @!p2 $0x0  }
0x1d: {  	s5 =	simm.s32 @p1 $0x1;
	p0 =	seq.s32 s7, s2  }
0x1e: {  	s7 =	smul.u32 @!p0 $0xF7A, s2;
	p2 =	seq.s32 @!p0 s5, $0x0  }
0x1f: {  	s9 =	smul.u32 $0xF7A, s1;
	s8 =	simm.s32 @!p0 $0x1BF5;
	p2 =	por !p2, p0  }
0x20: {  	[sflag:s8] =	ssyncset.s32 @!p0 $0xFFFFF086;
	s6 =	sadd.s32 @!p0 s3, s7;
	s7 =	simm.s32 @!p0 $0x108  }
0x21: {  	s3 =	sadd.s32 s3, s9;
	s6 =	sadd.s32 @!p0 $0x88, s6;
	s7 =	simm.s32 @p2 $0x1082  }
0x22: {  	[simem:s7], [sflag:s8] =	dma.local @!p0 [hbm:s6], $0xF7A  }
0x23: {  	s9 =	sor.u32 $0xD0000000, s2;
	s6 =	simm.s32 $0x108;
	_ =	swait.ge @!p0 [sflag:s8], $0x0  }
0x24: {  	s3 =	sadd.s32 $0x88, s3;
	s6 =	simm.s32 @!p1 $0x1082;
	[sflag:s4] =	ssyncset.s32 $0xFFFFF086  }
0x25: {  	[simem:s6], [sflag:s4] =	dma.local [hbm:s3], $0xF7A  }
0x26: {  	[smem:$0x3F9B] =	sst s1;
	(tag) =	ssettag s2;
	_ =	strace s9  }
0x27: {  	s1 =	sld [smem:$0x3FAB]  }
0x28: {  	s2 =	sld [smem:$0x3FAC]  }
0x29: {  	s4 =	sld [smem:$0x3FAE]  }
0x2a: {  	p0 =	seq.s32 s5, $0x0;
	s5 =	sld [smem:$0x3FAF]  }
0x2b: {  	s6 =	sld [smem:$0x3FB0]  }
0x2c: {  	s7 =	sld [smem:$0x3FB1]  }
0x2d: {  	s3 =	simm.s32 $0x108;
	s8 =	sld [smem:$0x3FB2]  }
0x2e: {  	s3 =	simm.s32 @!p0 $0x1082;
	s9 =	sld [smem:$0x3FB3]  }
0x2f: {  	lr =	sadd.s32 s0, s3;
	s0 =	sld [smem:$0x3FAA]  }
0x30: {  	s3 =	sld [smem:$0x3FAD]  }
0x31: {  	[smem:$0x3FB6] =	sst s10  }
0x32: {  	s10 =	sld [smem:$0x3FB4];
	_ =	sdelay $0x3  }
0x33: {  	p0 =	seq.s32 s10, $0x1;
	s10 =	sld [smem:$0x3FB6];
	_ =	sdelay $0x3  }
0x34: {  	[smem:$0x3FB6] =	sst s10  }
0x35: {  	s10 =	sld [smem:$0x3FB5];
	_ =	sdelay $0x3  }
0x36: {  	p1 =	seq.s32 s10, $0x1;
	s10 =	sld [smem:$0x3FB6];
	_ =	sdelay $0x3  }
0x37: {  	[smem:$0x3FB6] =	sst s10  }
0x38: {  	s10 =	sld [smem:$0x3FB7]  }
0x39: {  	_ = 	snop;
	(pc) =	sbr.ind lr, $3  }
0x3a: {  	_ = 	snop  }
0x3b: {  	_ = 	snop  }
0x3c: {  	p2 =	seq.s32 s10, $0x1;
	s10 =	sld [smem:$0x3FB6]  }
0x3d: {  	_ =	shalt  }
0x3e: {  	_ =	shalt  }
0x3f: {  	_ =	shalt  }
0x40: {  	_ =	shalt  }
0x41: {  	_ =	shalt  }
0x42: {  	_ =	shalt  }
0x43: {  	_ =	shalt  }
0x44: {  	_ =	shalt  }
0x45: {  	_ =	shalt  }
0x46: {  	_ =	shalt  }
0x47: {  	_ =	shalt  }
0x48: {  	_ =	shalt  }
0x49: {  	_ =	shalt  }
0x4a: {  	_ =	shalt  }
0x4b: {  	_ =	shalt  }
0x4c: {  	_ =	shalt  }
0x4d: {  	_ =	shalt  }
0x4e: {  	_ =	shalt  }
0x4f: {  	_ =	shalt  }
0x50: {  	_ =	shalt  }
0x51: {  	_ =	shalt  }
0x52: {  	_ =	shalt  }
0x53: {  	_ =	shalt  }
0x54: {  	_ =	shalt  }
0x55: {  	_ =	shalt  }
0x56: {  	_ =	shalt  }
0x57: {  	_ =	shalt  }
0x58: {  	_ =	shalt  }
0x59: {  	_ =	shalt  }
0x5a: {  	_ =	shalt  }
0x5b: {  	_ =	shalt  }
0x5c: {  	_ =	shalt  }
0x5d: {  	_ =	shalt  }
0x5e: {  	_ =	shalt  }
0x5f: {  	_ =	shalt  }
0x60: {  	_ =	shalt  }
0x61: {  	_ =	shalt  }
0x62: {  	_ =	shalt  }
0x63: {  	_ =	shalt  }
0x64: {  	_ =	shalt  }
0x65: {  	_ =	shalt  }
0x66: {  	_ =	shalt  }
0x67: {  	_ =	shalt  }
0x68: {  	_ =	shalt  }
0x69: {  	_ =	shalt  }
0x6a: {  	_ =	shalt  }
0x6b: {  	_ =	shalt  }
0x6c: {  	_ =	shalt  }
0x6d: {  	_ =	shalt  }
0x6e: {  	_ =	shalt  }
0x6f: {  	_ =	shalt  }
0x70: {  	_ =	shalt  }
0x71: {  	_ =	shalt  }
0x72: {  	_ =	shalt  }
0x73: {  	_ =	shalt  }
0x74: {  	_ =	shalt  }
0x75: {  	_ =	shalt  }
0x76: {  	_ =	shalt  }
0x77: {  	_ =	shalt  }
0x78: {  	_ =	shalt  }
0x79: {  	_ =	shalt  }
0x7a: {  	_ =	shalt  }
0x7b: {  	_ =	shalt  }
0x7c: {  	_ =	shalt  }
0x7d: {  	_ =	shalt  }
0x7e: {  	_ =	shalt  }
0x7f: {  	_ =	shalt  }
0x80: {  	_ =	shalt  }
0x81: {  	_ =	shalt  }
0x82: {  	_ =	shalt  }
0x83: {  	_ =	shalt  }
0x84: {  	_ =	shalt  }
0x85: {  	_ =	shalt  }
0x86: {  	_ =	shalt  }
0x87: {  	_ =	shalt  }
.Lfunc_end0:
.L_simem_size_0:
called_computation.2_lowered:
.L_overlay_start_0:
0x88: {  	s2 =	sld [smem:$0x3FD9]  }
0x89: {  	s3 =	sld [smem:$0x3FFE];
	_ =	sdelay $0x1  }
0x8a: {  	s1 =	srdreg.scid  }
0x8b: {  	s0 =	sand.u32 $0x1, s1  }
0x8c: {  	s16 =	sshll.u32 s0, $0xA;
	s2 =	sadd.s32 s3, s2  }
0x8d: {  	s2 =	sadd.s32 s2, s16  }
0x8e: {  	[smem:$0x3FC2] =	sst s2  }
0x8f: {  	_ = 	snop  }
0x90: {  	(tm) =	ssettm $0x1  }
0x91: {  	s17 =	sld [smem:$0x3FFB];
	_ =	sdelay $0x3  }
0x92: {  	_ =	strace s17  }
0x93: {  	s2 =	sld [smem:$0x3FFC];
	_ =	sdelay $0x3  }
0x94: {  	_ =	strace s2  }
0x95: {  	s2 =	sld [smem:$0x3FFD];
	_ =	sdelay $0x3  }
0x96: {  	_ =	strace s2  }
0x97: {  	_ =	strace $0x8FFFFFFF  }
0x98: {  	s18 =	sld [smem:$0x3FDB];
	_ =	sdelay $0x1  }
0x99: {  	s19 =	simm.s32 $_scs_section_size  }
0x9a: {  	s4 =	simm.s32 $_size__tile_overlayer_lowered;
	s5 =	simm.s32 $_tile_overlayer_lowered  }
0x9b: {  	s22 =	simm.s32 $0x1BFF;
	s21 =	sshll.u32 s5, $0x1;
	s2 =	sadd.s32 s19, s18  }
0x9c: {  	s6 =	simm.s32 $0x0;
	s20 =	sshll.u32 s4, $0x1;
	s4 =	sadd.s32 s21, s2  }
0x9d: {  	[timem:s6], [sflag:s22] =	dma.local [hbm:s4], s20  }
0x9e: {  	_ =	swait.ge [sflag:s22], s20  }
0x9f: {  	s3 =	ssub.s32 $0x0, s20;
	[sflag:s22] =	ssyncset.done $0x0  }
0xa0: {  	[sflag:s22] =	ssyncadd.s32 s3;
	_ =	sdelay $0x1  }
0xa1: {  	s23 =	simm.s32 $0x1B8B  }
0xa2: {  	_ =	swait.ge [sflag:s23], $0x1  }
0xa3: {  	[sflag:s23] =	ssyncset.done $0x0  }
0xa4: {  	s25 =	simm.s32 $0x1B8E;
	s24 =	sld [smem:$0x3FFE];
	[sflag:s23] =	ssyncadd.s32 $0xFFFFFFFF  }
0xa5: {  	s26 =	simm.s32 $execute0_lowered;
	[smem:$0x3FD2] =	sst s25  }
0xa6: {  	s4 =	sshll.u32 s26, $0x1;
	_ =	strace $0x8000004C;
	[dreg:$0x1] =	wrdreg $0xFFFFFFFF  }
0xa7: {  	s28 =	simm.s32 $_size_execute0_lowered;
	s2 =	sadd.s32 s2, s4;
	[dreg:$0x0] =	wrdreg $0x0  }
0xa8: {  	s4 =	sshll.u32 s28, $0x1;
	[dreg:$0x2] =	wrdreg s2  }
0xa9: {  	[dreg:$0x3] =	wrdreg s4  }
0xaa: {  	[dreg:$0x4] =	wrdreg $0xC0  }
0xab: {  	_ =	task [dreg:s6], $0x5FFFF  }
0xac: {  	[dreg:$0x1] =	wrdreg $0xFFFFFFFF  }
0xad: {  	[dreg:$0x0] =	wrdreg $0x60  }
0xae: {  	[dreg:$0x2] =	wrdreg s24  }
0xaf: {  	[dreg:$0x3] =	wrdreg $0x0  }
0xb0: {  	[dreg:$0x4] =	wrdreg $0x9  }
0xb1: {  	_ =	task.clear_ibuf [dreg:s6], $0x5FFFF;
	_ =	strace $0x9000004C  }
0xb2: {  	s29 =	simm.s32 $0x9;
	_ =	strace $0x8000004E  }
0xb3: {  	_ =	swait.ge [sflag:s29], $0x1  }
0xb4: {  	[sflag:s29] =	ssyncadd.s32 $0xFFFFFFFF  }
0xb5: {  	_ =	strace $0x9000004E  }
0xb6: {  	_ =	sfence  }
0xb7: {  	s30 =	sld [smem:$0x0];
	_ =	sdelay $0x2  }
0xb8: {  	s31 =	sshll.u32 s1, $0xD;
	s1 =	sshrl.u32 s1, $0x2  }
0xb9: {  	s3 =	sand.u32 $0x4000, s31;
	s1 =	sadd.s32 s1, s30  }
0xba: {  	s0 =	sor.u32 s3, s0;
	s1 =	sshll.u32 s1, $0x11  }
0xbb: {  	s0 =	sor.u32 s1, s0  }
0xbc: {  	s0 =	sadd.s32 $0x8F2B, s0  }
0xbd: {  	[sflag:s0] =	ssyncadd.remote.s32 $0x1  }
0xbe: {  	_ =	sfence.sel $0xFFFF  }
0xbf: {  	[dreg:$0x0] =	wrdreg $0xFFFFFFFF;
	(pc) =	sbr.abs _section_cstart, $3  }
0xc0: {  	[dreg:$0x1] =	wrdreg $0xFFFFFFFF  }
0xc1: {  	_ =	task.clear_ibuf [dreg:s6], $0x2FFFF;
	_ =	strace $0x9FFFFFFF  }
0xc2: {  	(tm) =	ssettm $0x7FFFFFFF  }
0xc3: {  	_ =	shalt  }
tec
execute0_lowered:
.L_overlay_start_1:
0x0: {  	(tag) =	ssettag $0x1  }
0x1: {  	s0 =	rddreg [dreg:$0x0]  }
0x2: {  	s2 =	rddreg [dreg:$0x1];
	s11 =	stileid.u32  }
0x3: {  	s1 =	srdreg.scid;
	s4 =	simm.s32 $0x0;
	s10 =	simm.s32 $0xC800  }
0x4: {  	s15 =	simm.s32 $0xA;
	s18 =	simm.s32 $0x9;
	s19 =	simm.s32 $0x80  }
0x5: {  	s28 =	simm.s32 $0x1;
	s29 =	simm.s32 $0x2;
	s3 =	smul.u32 $0x64, s11  }
0x6: {  	s30 =	simm.s32 $0x3;
	s31 =	simm.s32 $0x4;
	s8 =	smul.u32 $0x1400, s11  }
0x7: {  	s1 =	sand.u32 $0x1, s1;
	s9 =	sshll.u32 s11, $0x6;
	s11 =	smul.u32 $0x5000, s11  }
0x8: {  	[smem:$0x7FF] =	sst s4;
	s4 =	sadd.s32 $0x17000, s0;
	s5 =	smul.u32 $0x14000, s1  }
0x9: {  	_ =	strace $0x8000004D;
	p0 =	seq.s32 s1, $0x0;
	s6 =	sadd.s32 $0x640, s9  }
0xa: {  	s1 =	ssub.s32 $0x2, s1;
	s9 =	sor.u32 $0x1C0A, s9;
	s6 =	smov.u32 @p0 s3  }
0xb: {  	s22 =	sshrl.u32 s1, $0x1;
	s10 =	simm.s32 @!p0 $0x8000;
	s24 =	sshrl.u32 s11, $0x2  }
0xc: {  	s13 =	sadd.s32 s8, s2;
	s20 =	sadd.s32 s8, s5;
	s21 =	sshll.u32 s6, $0x4  }
0xd: {  	s5 =	simm.s32 $0x64;
	s1 =	ssub.s32 s1, s22;
	[dreg:$0x3] =	wrdreg s10  }
0xe: {  	s10 =	sadd.s32 s24, s2;
	s8 =	sadd.s32 $0x19710, s0;
	s14 =	sshrl.u32 s13, $0x3  }
0xf: {  	s22 =	simm.s32 $0x8000;
	s24 =	simm.s32 $0x8400;
	s13 =	simm.s32 $0x7  }
0x10: {  	s3 =	sshrl.u32 s20, $0x3;
	s7 =	sadd.s32 s21, s0;
	s5 =	simm.s32 @!p0 $0x40  }
0x11: {  	s26 =	sadd.s32 $0x780, s10;
	s17 =	sadd.s32 $0xF00, s10;
	s11 =	smax.u32 s1, $0x1  }
0x12: {  	s20 =	simm.s32 $0x7C00;
	s1 =	simm.s32 $0x6;
	s21 =	simm.s32 $0x8  }
0x13: {  	s3 =	sadd.s32 s3, s0;
	s23 =	sadd.s32 $0xC800, s7;
	s25 =	sadd.s32 $0x1600, s7  }
0x14: {  	s16 =	sshrl.u32 s26, $0x3;
	s17 =	sshrl.u32 s17, $0x3;
	[dreg:$0x4] =	wrdreg s23  }
0x15: {  	s26 =	simm.s32 $0x8800;
	[dreg:$0x5] =	wrdreg s25;
	s3 =	sadd.s32 $0x19800, s3  }
0x16: {  	s0 =	simm.s32 $0x5;
	s23 =	simm.s32 $0x0;
	[dreg:$0x6] =	wrdreg s3  }
.LBB2_1:
0x17: {  	s3 =	simm.s32 $0x0;
	s6 =	rddreg [dreg:$0x4];
	s7 =	simm.s32 $0x1400  }
0x18: {  	[tilespmem:s7], [sflag:$0x9] =	stream.linear.gather [hbm4b:s6+s3], $0x3400, $0x38;
	[tilespmem:$0x8C00] =	vst v63  }
0x19: {  	s25 =	rddreg [dreg:$0x5];
	s10 =	simm.s32 $0x4800  }
0x1a: {  	[tilespmem:s10], [sflag:$0x9] =	stream.linear.gather [hbm4b:s25+s3], $0x3400, $0x38;
	[tilespmem:$0x8C00] =	vst v63  }
0x1b: {  	[spmem:s14], [sflag:s9] =	dma.local [hbm:s8], $0xF0  }
0x1c: {  	_ =	swait.ge [sflag:s15], $0xF0  }
0x1d: {  	[sflag:s15] =	ssyncset.done $0x0  }
0x1e: {  	[sflag:s15] =	ssyncadd.s32 $0xFFFFFF10  }
0x1f: {  	[spmem:s16], [sflag:s9] =	dma.local [hbm:s8], $0xF0  }
0x20: {  	_ =	swait.ge [sflag:s15], $0xF0  }
0x21: {  	[sflag:s15] =	ssyncset.done $0x0  }
0x22: {  	[sflag:s15] =	ssyncadd.s32 $0xFFFFFF10  }
0x23: {  	[spmem:s17], [sflag:s9] =	dma.local [hbm:s8], $0xA0  }
0x24: {  	_ =	swait.ge [sflag:s15], $0xA0  }
0x25: {  	[sflag:s15] =	ssyncset.done $0x0  }
0x26: {  	[sflag:s15] =	ssyncadd.s32 $0xFFFFFF60  }
0x27: {  	_ =	swait.ge [sflag:s18], $0x3400  }
0x28: {  	[sflag:s18] =	ssyncset.done $0x0  }
0x29: {  	[sflag:s18] =	ssyncadd.s32 $0xFFFFCC00  }
0x2a: {  	_ =	swait.ge [sflag:s18], $0x3400  }
0x2b: {  	[sflag:s18] =	ssyncset.done $0x0  }
0x2c: {  	[sflag:s18] =	ssyncadd.s32 $0xFFFFCC00  }
0x2d: {  	[bflag:$0x0] =	sbarrier.arrive $0xFFFF  }
0x2e: {  	[tilespmem:s20], [sflag:$0x1] =	stream.indirect.gather [hbm4b:s4+s19], $0x8, s7, s19, $0xb8;
	[tilespmem:$0x8C00] =	vst v63  }
0x2f: {  	s10 =	simm.s32 $0x1480  }
0x30: {  	[tilespmem:s22], [sflag:$0x2] =	stream.indirect.gather [hbm4b:s4+s19], $0x8, s10, s19, $0xb8;
	[tilespmem:$0x8C00] =	vst v63  }
0x31: {  	s12 =	simm.s32 $0x1500  }
0x32: {  	[tilespmem:s24], [sflag:$0x3] =	stream.indirect.gather [hbm4b:s4+s19], $0x8, s12, s19, $0xb8;
	[tilespmem:$0x8C00] =	vst v63  }
0x33: {  	s25 =	simm.s32 $0x1580  }
0x34: {  	[tilespmem:s26], [sflag:$0x4] =	stream.indirect.gather [hbm4b:s4+s19], $0x8, s25, s19, $0xb8;
	[tilespmem:$0x8C00] =	vst v63  }
0x35: {  	s3 =	simm.s32 $0x0;
	s25 =	simm.s32 $0x4  }
.LBB2_2:
0x36: {  	_ =	swait.ge [sflag:s28], $0x400  }
0x37: {  	s6 =	sshra.s32 s3, $0x2;
	[sflag:s28] =	ssyncset.done $0x0  }
0x38: {  	s7 =	sadd.s32 $0x4800, s6;
	[sflag:s28] =	ssyncadd.s32 $0xFFFFFC00  }
0x39: {  	[spmem:s2] =	stream.indirect.scatter.add.f32 [tilespmem:s20], [sflag:$0x5], $0x8, s7, s19, $0xb8;
	[tilespmem:$0x8C00] =	vst v63  }
0x3a: {  	_ =	swait.ge [sflag:s29], $0x400  }
0x3b: {  	[sflag:s29] =	ssyncset.done $0x0  }
0x3c: {  	s10 =	sadd.s32 $0x4880, s6;
	[sflag:s29] =	ssyncadd.s32 $0xFFFFFC00  }
0x3d: {  	[spmem:s2] =	stream.indirect.scatter.add.f32 [tilespmem:s22], [sflag:$0x6], $0x8, s10, s19, $0xb8;
	[tilespmem:$0x8C00] =	vst v63  }
0x3e: {  	_ =	swait.ge [sflag:s30], $0x400  }
0x3f: {  	[sflag:s30] =	ssyncset.done $0x0  }
0x40: {  	s12 =	sadd.s32 $0x4900, s6;
	[sflag:s30] =	ssyncadd.s32 $0xFFFFFC00  }
0x41: {  	[spmem:s2] =	stream.indirect.scatter.add.f32 [tilespmem:s24], [sflag:$0x7], $0x8, s12, s19, $0xb8;
	[tilespmem:$0x8C00] =	vst v63  }
0x42: {  	_ =	swait.ge [sflag:s31], $0x400  }
0x43: {  	[sflag:s31] =	ssyncset.done $0x0  }
0x44: {  	s6 =	sadd.s32 $0x4980, s6;
	[sflag:s31] =	ssyncadd.s32 $0xFFFFFC00  }
0x45: {  	[spmem:s2] =	stream.indirect.scatter.add.f32 [tilespmem:s26], [sflag:$0x8], $0x8, s6, s19, $0xb8;
	[tilespmem:$0x8C00] =	vst v63  }
0x46: {  	p0 =	sge.u32 s25, s5;
	_ =	swait.ge [sflag:s0], $0x400  }
0x47: {  	s7 =	simm.s32 @!p0 $0x80;
	s6 =	sshra.s32 @!p0 s3, $0x2;
	[sflag:s0] =	ssyncset.done $0x0  }
0x48: {  	s12 =	simm.s32 @!p0 $0x7C00;
	s6 =	sadd.s32 @!p0 $0x1600, s6;
	[sflag:s0] =	ssyncadd.s32 $0xFFFFFC00  }
0x49: {  	[tilespmem:s12], [sflag:$0x1] =	stream.indirect.gather @!p0 [hbm4b:s4+s7], $0x8, s6, s7, $0xb8;
	[tilespmem:$0x8C00] =	vst v63  }
0x4a: {  	s7 =	sadd.s32 $0x1, s25  }
0x4b: {  	s10 =	sadd.s32 $0x2, s25;
	_ =	swait.ge [sflag:s1], $0x400;
	p0 =	sge.u32 s7, s5  }
0x4c: {  	[sflag:s1] =	ssyncset.done $0x0;
	s6 =	sshra.s32 @!p0 s3, $0x2;
	s7 =	simm.s32 @!p0 $0x80  }
0x4d: {  	s12 =	simm.s32 @!p0 $0x8000;
	[sflag:s1] =	ssyncadd.s32 $0xFFFFFC00;
	s6 =	sadd.s32 @!p0 $0x1680, s6  }
0x4e: {  	[tilespmem:s12], [sflag:$0x2] =	stream.indirect.gather @!p0 [hbm4b:s4+s7], $0x8, s6, s7, $0xb8;
	[tilespmem:$0x8C00] =	vst v63  }
0x4f: {  	p0 =	sge.u32 s10, s5;
	_ =	swait.ge [sflag:s13], $0x400  }
0x50: {  	s6 =	sshra.s32 @!p0 s3, $0x2;
	s7 =	simm.s32 @!p0 $0x80;
	[sflag:s13] =	ssyncset.done $0x0  }
0x51: {  	s12 =	simm.s32 @!p0 $0x8400;
	s6 =	sadd.s32 @!p0 $0x1700, s6;
	[sflag:s13] =	ssyncadd.s32 $0xFFFFFC00  }
0x52: {  	[tilespmem:s12], [sflag:$0x3] =	stream.indirect.gather @!p0 [hbm4b:s4+s7], $0x8, s6, s7, $0xb8;
	[tilespmem:$0x8C00] =	vst v63  }
0x53: {  	s12 =	sadd.s32 $0x3, s25  }
0x54: {  	_ =	swait.ge [sflag:s21], $0x400;
	p0 =	sge.u32 s12, s5  }
0x55: {  	[sflag:s21] =	ssyncset.done $0x0;
	s6 =	sshra.s32 @!p0 s3, $0x2  }
0x56: {  	s7 =	simm.s32 @!p0 $0x80;
	s12 =	simm.s32 @!p0 $0x8800;
	s10 =	rddreg [dreg:$0x3]  }
0x57: {  	s3 =	sadd.s32 $0x800, s3;
	[sflag:s21] =	ssyncadd.s32 $0xFFFFFC00;
	s6 =	sadd.s32 @!p0 $0x1780, s6  }
0x58: {  	[tilespmem:s12], [sflag:$0x4] =	stream.indirect.gather @!p0 [hbm4b:s4+s7], $0x8, s6, s7, $0xb8;
	[tilespmem:$0x8C00] =	vst v63  }
0x59: {  	p0 =	sne.s32 s10, s3  }
.Ltmp0:
0x5a: {  	_ = 	snop;
	(pc) =	sbr.rel @p0 .LBB2_2-.Ltmp0, $2  }
0x5b: {  	_ =	sdelay $0x2  }
0x5c: {  	s25 =	sadd.s32 $0x4, s25  }
0x5d: {  	s23 =	sadd.s32 $0x1, s23  }
0x5e: {  	[bflag:$0x0] =	sbarrier.arrive $0xFFFF;
	p0 =	sne.s32 s23, s11  }
.Ltmp1:
0x5f: {  	s3 =	rddreg [dreg:$0x6];
	(pc) =	sbr.rel @p0 .LBB2_1-.Ltmp1, $4  }
0x60: {  	[hbm:s3], [sflag:s9] =	dma.local [spmem:s14], $0x280  }
0x61: {  	_ =	swait.ge [sflag:s15], $0x280  }
0x62: {  	[sflag:s15] =	ssyncset.done $0x0  }
0x63: {  	[sflag:s15] =	ssyncadd.s32 $0xFFFFFD80  }
0x64: {  	_ =	sfence.sel $0x180000  }
0x65: {  	[bflag:$0x0] =	sbarrier.arrive $0xFFFF  }
0x66: {  	_ =	strace $0x9000004D  }
0x67: {  	s0 =	stileid.u32;
	[bflag:$0x2] =	sbarrier.arrive $0xFFFF  }
0x68: {  	p0 =	sne.s32 s0, $0x0;
	s0 =	rddreg [dreg:$0x2]  }
0x69: {  	s0 =	sadd.s32 @!p0 $0x100000, s0  }
0x6a: {  	[sflag:s0] =	ssyncadd.tile.s32 @!p0 $0x1;
	_ =	shalt  }
.Lfunc_end2:
_tile_overlayer_lowered:
.L_overlay_start_2:
0x6b: {  	(tag) =	ssettag $0x2  }
0x6c: {  	s0 =	rddreg [dreg:$0x0];
	s2 =	stileid.u32  }
0x6d: {  	s1 =	rddreg [dreg:$0x1];
	p0 =	sne.s32 s2, $0x0  }
0x6e: {  	s3 =	rddreg [dreg:$0x2];
	[bflag:$0x3] =	sbarrier.arrive $0xFFFF;
	s2 =	simm.s32 @!p0 $0x1C0A  }
0x6f: {  	[timem:s3], [sflag:s2] =	dma.local @!p0 [hbm:s0], s1  }
0x70: {  	s0 =	simm.s32 @!p0 $0xA  }
0x71: {  	_ =	swait.ge @!p0 [sflag:s0], s1  }
0x72: {  	s1 =	ssub.s32 @!p0 $0x0, s1;
	[sflag:s0] =	ssyncset.done @!p0 $0x0  }
0x73: {  	[sflag:s0] =	ssyncadd.s32 @!p0 s1  }
0x74: {  	[bflag:$0x3] =	sbarrier.arrive $0xFFFF  }
0x75: {  	_ =	shalt  }

// kernel: kernel.9.cloned.1.call-start
scs
__scs_entry_jumppad:
0x0: {  	(pc) =	sbr.rel $0x88, $3  }
0x1: {  	(tag) =	ssettag $0x0;
	lr =	simm.s32 $0x1  }
0x2: {  	[smem:$0x3F9B] =	sst lr;
	_ =	strace $0xD0000000  }
0x3: {  	_ = 	snop  }
0x4: {  	_ = 	snop  }
0x5: {  	_ = 	snop  }
0x6: {  	_ = 	snop  }
0x7: {  	_ = 	snop  }
__scs_overlays_trampoline_lowered:
0x8: {  	[smem:$0x3FAA] =	sst s0  }
0x9: {  	[smem:$0x3FAB] =	sst s1  }
0xa: {  	[smem:$0x3FAC] =	sst s2  }
0xb: {  	[smem:$0x3FAD] =	sst s3  }
0xc: {  	[smem:$0x3FAE] =	sst s4  }
0xd: {  	[smem:$0x3FAF] =	sst s5  }
0xe: {  	[smem:$0x3FB0] =	sst s6  }
0xf: {  	[smem:$0x3FB1] =	sst s7  }
0x10: {  	[smem:$0x3FB2] =	sst s8  }
0x11: {  	[smem:$0x3FB3] =	sst s9;
	s0 =	simm.s32 @!p0 $0x0  }
0x12: {  	s1 =	sld [smem:$0x3F99];
	s0 =	simm.s32 @p0 $0x1  }
0x13: {  	[smem:$0x3FB4] =	sst s0;
	s0 =	simm.s32 @!p1 $0x0  }
0x14: {  	s2 =	sld [smem:$0x3F98];
	s0 =	simm.s32 @p1 $0x1  }
0x15: {  	[smem:$0x3FB5] =	sst s0;
	s0 =	simm.s32 @!p2 $0x0  }
0x16: {  	s3 =	sld [smem:$0x3FDB];
	s0 =	simm.s32 @p2 $0x1  }
0x17: {  	s4 =	simm.s32 $0x1BF5;
	[smem:$0x3FB7] =	sst s0  }
0x18: {  	s0 =	sld [smem:$0x3F9A];
	_ =	swait.ge [sflag:s4], $0x0  }
0x19: {  	s7 =	sld [smem:$0x3F9B]  }
0x1a: {  	s8 =	sadd.s32 $0xFFFFE003, lr  }
0x1b: {  	s9 =	sadd.s32 $0xFFFFFEF7, lr;
	s5 =	simm.s32 $0xFFFFFFFF;
	p2 =	slt.u32 s8, $0xFFFFF086  }
0x1c: {  	p1 =	slt.u32 s9, $0xF7A;
	s5 =	simm.s32 @!p2 $0x0  }
0x1d: {  	s5 =	simm.s32 @p1 $0x1;
	p0 =	seq.s32 s7, s2  }
0x1e: {  	s7 =	smul.u32 @!p0 $0xF7A, s2;
	p2 =	seq.s32 @!p0 s5, $0x0  }
0x1f: {  	s9 =	smul.u32 $0xF7A, s1;
	s8 =	simm.s32 @!p0 $0x1BF5;
	p2 =	por !p2, p0  }
0x20: {  	[sflag:s8] =	ssyncset.s32 @!p0 $0xFFFFF086;
	s6 =	sadd.s32 @!p0 s3, s7;
	s7 =	simm.s32 @!p0 $0x108  }
0x21: {  	s3 =	sadd.s32 s3, s9;
	s6 =	sadd.s32 @!p0 $0x88, s6;
	s7 =	simm.s32 @p2 $0x1082  }
0x22: {  	[simem:s7], [sflag:s8] =	dma.local @!p0 [hbm:s6], $0xF7A  }
0x23: {  	s9 =	sor.u32 $0xD0000000, s2;
	s6 =	simm.s32 $0x108;
	_ =	swait.ge @!p0 [sflag:s8], $0x0  }
0x24: {  	s3 =	sadd.s32 $0x88, s3;
	s6 =	simm.s32 @!p1 $0x1082;
	[sflag:s4] =	ssyncset.s32 $0xFFFFF086  }
0x25: {  	[simem:s6], [sflag:s4] =	dma.local [hbm:s3], $0xF7A  }
0x26: {  	[smem:$0x3F9B] =	sst s1;
	(tag) =	ssettag s2;
	_ =	strace s9  }
0x27: {  	s1 =	sld [smem:$0x3FAB]  }
0x28: {  	s2 =	sld [smem:$0x3FAC]  }
0x29: {  	s4 =	sld [smem:$0x3FAE]  }
0x2a: {  	p0 =	seq.s32 s5, $0x0;
	s5 =	sld [smem:$0x3FAF]  }
0x2b: {  	s6 =	sld [smem:$0x3FB0]  }
0x2c: {  	s7 =	sld [smem:$0x3FB1]  }
0x2d: {  	s3 =	simm.s32 $0x108;
	s8 =	sld [smem:$0x3FB2]  }
0x2e: {  	s3 =	simm.s32 @!p0 $0x1082;
	s9 =	sld [smem:$0x3FB3]  }
0x2f: {  	lr =	sadd.s32 s0, s3;
	s0 =	sld [smem:$0x3FAA]  }
0x30: {  	s3 =	sld [smem:$0x3FAD]  }
0x31: {  	[smem:$0x3FB6] =	sst s10  }
0x32: {  	s10 =	sld [smem:$0x3FB4];
	_ =	sdelay $0x3  }
0x33: {  	p0 =	seq.s32 s10, $0x1;
	s10 =	sld [smem:$0x3FB6];
	_ =	sdelay $0x3  }
0x34: {  	[smem:$0x3FB6] =	sst s10  }
0x35: {  	s10 =	sld [smem:$0x3FB5];
	_ =	sdelay $0x3  }
0x36: {  	p1 =	seq.s32 s10, $0x1;
	s10 =	sld [smem:$0x3FB6];
	_ =	sdelay $0x3  }
0x37: {  	[smem:$0x3FB6] =	sst s10  }
0x38: {  	s10 =	sld [smem:$0x3FB7]  }
0x39: {  	_ = 	snop;
	(pc) =	sbr.ind lr, $3  }
0x3a: {  	_ = 	snop  }
0x3b: {  	_ = 	snop  }
0x3c: {  	p2 =	seq.s32 s10, $0x1;
	s10 =	sld [smem:$0x3FB6]  }
0x3d: {  	_ =	shalt  }
0x3e: {  	_ =	shalt  }
0x3f: {  	_ =	shalt  }
0x40: {  	_ =	shalt  }
0x41: {  	_ =	shalt  }
0x42: {  	_ =	shalt  }
0x43: {  	_ =	shalt  }
0x44: {  	_ =	shalt  }
0x45: {  	_ =	shalt  }
0x46: {  	_ =	shalt  }
0x47: {  	_ =	shalt  }
0x48: {  	_ =	shalt  }
0x49: {  	_ =	shalt  }
0x4a: {  	_ =	shalt  }
0x4b: {  	_ =	shalt  }
0x4c: {  	_ =	shalt  }
0x4d: {  	_ =	shalt  }
0x4e: {  	_ =	shalt  }
0x4f: {  	_ =	shalt  }
0x50: {  	_ =	shalt  }
0x51: {  	_ =	shalt  }
0x52: {  	_ =	shalt  }
0x53: {  	_ =	shalt  }
0x54: {  	_ =	shalt  }
0x55: {  	_ =	shalt  }
0x56: {  	_ =	shalt  }
0x57: {  	_ =	shalt  }
0x58: {  	_ =	shalt  }
0x59: {  	_ =	shalt  }
0x5a: {  	_ =	shalt  }
0x5b: {  	_ =	shalt  }
0x5c: {  	_ =	shalt  }
0x5d: {  	_ =	shalt  }
0x5e: {  	_ =	shalt  }
0x5f: {  	_ =	shalt  }
0x60: {  	_ =	shalt  }
0x61: {  	_ =	shalt  }
0x62: {  	_ =	shalt  }
0x63: {  	_ =	shalt  }
0x64: {  	_ =	shalt  }
0x65: {  	_ =	shalt  }
0x66: {  	_ =	shalt  }
0x67: {  	_ =	shalt  }
0x68: {  	_ =	shalt  }
0x69: {  	_ =	shalt  }
0x6a: {  	_ =	shalt  }
0x6b: {  	_ =	shalt  }
0x6c: {  	_ =	shalt  }
0x6d: {  	_ =	shalt  }
0x6e: {  	_ =	shalt  }
0x6f: {  	_ =	shalt  }
0x70: {  	_ =	shalt  }
0x71: {  	_ =	shalt  }
0x72: {  	_ =	shalt  }
0x73: {  	_ =	shalt  }
0x74: {  	_ =	shalt  }
0x75: {  	_ =	shalt  }
0x76: {  	_ =	shalt  }
0x77: {  	_ =	shalt  }
0x78: {  	_ =	shalt  }
0x79: {  	_ =	shalt  }
0x7a: {  	_ =	shalt  }
0x7b: {  	_ =	shalt  }
0x7c: {  	_ =	shalt  }
0x7d: {  	_ =	shalt  }
0x7e: {  	_ =	shalt  }
0x7f: {  	_ =	shalt  }
0x80: {  	_ =	shalt  }
0x81: {  	_ =	shalt  }
0x82: {  	_ =	shalt  }
0x83: {  	_ =	shalt  }
0x84: {  	_ =	shalt  }
0x85: {  	_ =	shalt  }
0x86: {  	_ =	shalt  }
0x87: {  	_ =	shalt  }
.Lfunc_end0:
.L_simem_size_0:
called_computation_lowered:
.L_overlay_start_0:
0x88: {  	s2 =	sld [smem:$0x3FD9]  }
0x89: {  	s3 =	sld [smem:$0x3FFE];
	_ =	sdelay $0x1  }
0x8a: {  	s1 =	srdreg.scid  }
0x8b: {  	s0 =	sand.u32 $0x1, s1  }
0x8c: {  	s16 =	sshll.u32 s0, $0xA;
	s2 =	sadd.s32 s3, s2  }
0x8d: {  	s2 =	sadd.s32 s2, s16  }
0x8e: {  	[smem:$0x3FC2] =	sst s2  }
0x8f: {  	_ = 	snop  }
0x90: {  	(tm) =	ssettm $0x1  }
0x91: {  	s17 =	sld [smem:$0x3FFB];
	_ =	sdelay $0x3  }
0x92: {  	_ =	strace s17  }
0x93: {  	s2 =	sld [smem:$0x3FFC];
	_ =	sdelay $0x3  }
0x94: {  	_ =	strace s2  }
0x95: {  	s2 =	sld [smem:$0x3FFD];
	_ =	sdelay $0x3  }
0x96: {  	_ =	strace s2  }
0x97: {  	_ =	strace $0x8FFFFFFF  }
0x98: {  	s18 =	sld [smem:$0x3FDB];
	_ =	sdelay $0x1  }
0x99: {  	s19 =	simm.s32 $_scs_section_size  }
0x9a: {  	s4 =	simm.s32 $_size__tile_overlayer_lowered;
	s5 =	simm.s32 $_tile_overlayer_lowered  }
0x9b: {  	s22 =	simm.s32 $0x1BFF;
	s21 =	sshll.u32 s5, $0x1;
	s2 =	sadd.s32 s19, s18  }
0x9c: {  	s6 =	simm.s32 $0x0;
	s20 =	sshll.u32 s4, $0x1;
	s4 =	sadd.s32 s21, s2  }
0x9d: {  	[timem:s6], [sflag:s22] =	dma.local [hbm:s4], s20  }
0x9e: {  	_ =	swait.ge [sflag:s22], s20  }
0x9f: {  	s3 =	ssub.s32 $0x0, s20;
	[sflag:s22] =	ssyncset.done $0x0  }
0xa0: {  	[sflag:s22] =	ssyncadd.s32 s3;
	_ =	sdelay $0x1  }
0xa1: {  	s23 =	simm.s32 $0x1B8B  }
0xa2: {  	_ =	swait.ge [sflag:s23], $0x1  }
0xa3: {  	[sflag:s23] =	ssyncset.done $0x0  }
0xa4: {  	s25 =	simm.s32 $0x1B8E;
	s24 =	sld [smem:$0x3FFE];
	[sflag:s23] =	ssyncadd.s32 $0xFFFFFFFF  }
0xa5: {  	s26 =	simm.s32 $execute0_lowered;
	[smem:$0x3FD2] =	sst s25  }
0xa6: {  	s4 =	sshll.u32 s26, $0x1;
	_ =	strace $0x80000046;
	[dreg:$0x1] =	wrdreg $0xFFFFFFFF  }
0xa7: {  	s28 =	simm.s32 $_size_execute0_lowered;
	s2 =	sadd.s32 s2, s4;
	[dreg:$0x0] =	wrdreg $0x0  }
0xa8: {  	s4 =	sshll.u32 s28, $0x1;
	[dreg:$0x2] =	wrdreg s2  }
0xa9: {  	[dreg:$0x3] =	wrdreg s4  }
0xaa: {  	[dreg:$0x4] =	wrdreg $0xC0  }
0xab: {  	_ =	task [dreg:s6], $0x5FFFF  }
0xac: {  	[dreg:$0x1] =	wrdreg $0xFFFFFFFF  }
0xad: {  	[dreg:$0x0] =	wrdreg $0x60  }
0xae: {  	[dreg:$0x2] =	wrdreg s24  }
0xaf: {  	[dreg:$0x3] =	wrdreg $0x0  }
0xb0: {  	[dreg:$0x4] =	wrdreg $0x9  }
0xb1: {  	_ =	task.clear_ibuf [dreg:s6], $0x5FFFF;
	_ =	strace $0x90000046  }
0xb2: {  	s29 =	simm.s32 $0x9;
	_ =	strace $0x80000048  }
0xb3: {  	_ =	swait.ge [sflag:s29], $0x1  }
0xb4: {  	[sflag:s29] =	ssyncadd.s32 $0xFFFFFFFF  }
0xb5: {  	_ =	strace $0x90000048  }
0xb6: {  	_ =	sfence  }
0xb7: {  	s30 =	sld [smem:$0x0];
	_ =	sdelay $0x2  }
0xb8: {  	s31 =	sshll.u32 s1, $0xD;
	s1 =	sshrl.u32 s1, $0x2  }
0xb9: {  	s3 =	sand.u32 $0x4000, s31;
	s1 =	sadd.s32 s1, s30  }
0xba: {  	s0 =	sor.u32 s3, s0;
	s1 =	sshll.u32 s1, $0x11  }
0xbb: {  	s0 =	sor.u32 s1, s0  }
0xbc: {  	s0 =	sadd.s32 $0x8F2B, s0  }
0xbd: {  	[sflag:s0] =	ssyncadd.remote.s32 $0x1  }
0xbe: {  	_ =	sfence.sel $0xFFFF  }
0xbf: {  	[dreg:$0x0] =	wrdreg $0xFFFFFFFF;
	(pc) =	sbr.abs _section_cstart, $3  }
0xc0: {  	[dreg:$0x1] =	wrdreg $0xFFFFFFFF  }
0xc1: {  	_ =	task.clear_ibuf [dreg:s6], $0x2FFFF;
	_ =	strace $0x9FFFFFFF  }
0xc2: {  	(tm) =	ssettm $0x7FFFFFFF  }
0xc3: {  	_ =	shalt  }
tec
execute0_lowered:
.L_overlay_start_1:
0x0: {  	(tag) =	ssettag $0x1  }
0x1: {  	s4 =	rddreg [dreg:$0x0]  }
0x2: {  	s2 =	rddreg [dreg:$0x1]  }
0x3: {  	s0 =	rddreg [dreg:$0x2];
	s3 =	simm.s32 $0x0  }
0x4: {  	s1 =	stileid.u32;
	s5 =	srdreg.scid;
	s10 =	simm.s32 $0x3700  }
0x5: {  	s11 =	simm.s32 $0x6;
	s12 =	simm.s32 $0x5;
	s13 =	simm.s32 $0x80  }
0x6: {  	s14 =	simm.s32 $0x3680;
	s15 =	simm.s32 $0x1;
	s16 =	simm.s32 $0x2  }
0x7: {  	s17 =	simm.s32 $0x3;
	s18 =	simm.s32 $0x4;
	s21 =	simm.s32 $0x0  }
0x8: {  	[smem:$0x7FF] =	sst s3;
	s6 =	smul.u32 $0x64, s1;
	s5 =	sand.u32 $0x1, s5  }
0x9: {  	s19 =	sshll.u32 s1, $0x6;
	s7 =	smul.u32 $0x280, s1;
	p0 =	seq.s32 s5, $0x0  }
0xa: {  	s8 =	sadd.s32 $0x640, s19;
	s9 =	smul.u32 $0x2800, s5;
	_ =	strace $0x80000047  }
0xb: {  	s5 =	ssub.s32 $0x2, s5;
	s19 =	sor.u32 $0x1C06, s19;
	s8 =	smov.u32 @p0 s6  }
0xc: {  	s31 =	sshrl.u32 s5, $0x1;
	s6 =	sshll.u32 s8, $0x4;
	s30 =	sadd.s32 s7, s9  }
0xd: {  	s9 =	ssub.s32 s5, s31;
	s6 =	sadd.s32 s6, s4;
	s8 =	sshrl.u32 s30, $0x3  }
0xe: {  	s8 =	sadd.s32 s8, s4;
	s4 =	simm.s32 $0x19;
	s5 =	sadd.s32 $0x1600, s6  }
0xf: {  	s6 =	sadd.s32 s7, s2;
	s4 =	simm.s32 @!p0 $0x10;
	s7 =	sadd.s32 $0xBE00, s8  }
0x10: {  	v0 =	vimm.f32 $1.000000000e+00;
	v1 =	vimm.f32 $0.0e+00;
	s8 =	smax.u32 s9, $0x1;
	s9 =	simm.s32 $0x280;
	s20 =	sshrl.u32 s6, $0x3  }
.LBB2_1:
0x11: {  	[tilespmem:s9], [sflag:$0x5] =	stream.linear.gather [hbm4b:s5+s3], $0x3400, $0x38;
	[tilespmem:$0x3980] =	vst v63  }
0x12: {  	[tilespmem:$0x3680] =	vst v0  }
0x13: {  	[tilespmem:$0x3690] =	vst v0  }
0x14: {  	[tilespmem:$0x36A0] =	vst v0  }
0x15: {  	[tilespmem:$0x36B0] =	vst v0  }
0x16: {  	[tilespmem:$0x36C0] =	vst v0  }
0x17: {  	[tilespmem:$0x36D0] =	vst v0  }
0x18: {  	[tilespmem:$0x36E0] =	vst v0  }
0x19: {  	[tilespmem:$0x36F0] =	vst v0  }
0x1a: {  	[tilespmem:$0x3700] =	vst v1  }
0x1b: {  	[tilespmem:$0x3710] =	vst v1  }
0x1c: {  	[tilespmem:$0x3720] =	vst v1  }
0x1d: {  	[tilespmem:$0x3730] =	vst v1  }
0x1e: {  	[tilespmem:$0x3740] =	vst v1  }
0x1f: {  	[tilespmem:$0x3750] =	vst v1  }
0x20: {  	[tilespmem:$0x3760] =	vst v1  }
0x21: {  	[tilespmem:$0x3770] =	vst v1  }
0x22: {  	[tilespmem:$0x3780] =	vst v1  }
0x23: {  	[tilespmem:$0x3790] =	vst v1  }
0x24: {  	[tilespmem:$0x37A0] =	vst v1  }
0x25: {  	[tilespmem:$0x37B0] =	vst v1  }
0x26: {  	[tilespmem:$0x37C0] =	vst v1  }
0x27: {  	[tilespmem:$0x37D0] =	vst v1  }
0x28: {  	[tilespmem:$0x37E0] =	vst v1  }
0x29: {  	[tilespmem:$0x37F0] =	vst v1  }
0x2a: {  	[tilespmem:$0x3800] =	vst v1  }
0x2b: {  	[tilespmem:$0x3810] =	vst v1  }
0x2c: {  	[tilespmem:$0x3820] =	vst v1  }
0x2d: {  	[tilespmem:$0x3830] =	vst v1  }
0x2e: {  	[tilespmem:$0x3840] =	vst v1  }
0x2f: {  	[tilespmem:$0x3850] =	vst v1  }
0x30: {  	[tilespmem:$0x3860] =	vst v1  }
0x31: {  	[tilespmem:$0x3870] =	vst v1  }
0x32: {  	[tilespmem:$0x3880] =	vst v1  }
0x33: {  	[tilespmem:$0x3890] =	vst v1  }
0x34: {  	[tilespmem:$0x38A0] =	vst v1  }
0x35: {  	[tilespmem:$0x38B0] =	vst v1  }
0x36: {  	[tilespmem:$0x38C0] =	vst v1  }
0x37: {  	[tilespmem:$0x38D0] =	vst v1  }
0x38: {  	[tilespmem:$0x38E0] =	vst v1  }
0x39: {  	[tilespmem:$0x38F0] =	vst v1  }
0x3a: {  	[tilespmem:$0x3900] =	vst v1  }
0x3b: {  	[tilespmem:$0x3910] =	vst v1  }
0x3c: {  	[tilespmem:$0x3920] =	vst v1  }
0x3d: {  	[tilespmem:$0x3930] =	vst v1  }
0x3e: {  	[tilespmem:$0x3940] =	vst v1  }
0x3f: {  	[tilespmem:$0x3950] =	vst v1  }
0x40: {  	[tilespmem:$0x3960] =	vst v1  }
0x41: {  	[tilespmem:$0x3970] =	vst v1  }
0x42: {  	[spmem:s6] =	stream.linear.scatter [tilespmem:s10], [sflag:$0x6], $0x280, $0x38;
	[tilespmem:$0x3980] =	vst v63  }
0x43: {  	_ =	swait.ge [sflag:s11], $0x280  }
0x44: {  	[sflag:s11] =	ssyncset.done $0x0  }
0x45: {  	p1 =	sne.s32 s4, $0x1;
	[sflag:s11] =	ssyncadd.s32 $0xFFFFFD80  }
.Ltmp0:
0x46: {  	_ =	swait.ge [sflag:s12], $0x3400;
	(pc) =	sbr.rel @!p1 .LBB2_4-.Ltmp0, $4  }
0x47: {  	[sflag:s12] =	ssyncset.done $0x0  }
0x48: {  	[sflag:s12] =	ssyncadd.s32 $0xFFFFCC00  }
0x49: {  	[bflag:$0x0] =	sbarrier.arrive $0xFFFF  }
0x4a: {  	s22 =	simm.s32 $0x400;
	s23 =	sadd.s32 $0xFFFFFFFF, s4;
	p0 =	por $0x0, $0x0  }
0x4b: {  	s24 =	simm.s32 $0x280  }
0x4c: {  	[spmem:s2] =	stream.indirect.scatter.add.f32 [tilespmem:s14], [sflag:$0x1], $0x1, s24, s13, $0xb8;
	[tilespmem:$0x3980] =	vst v63  }
0x4d: {  	s30 =	simm.s32 $0x300  }
0x4e: {  	[spmem:s2] =	stream.indirect.scatter.add.f32 [tilespmem:s14], [sflag:$0x2], $0x1, s30, s13, $0xb8;
	[tilespmem:$0x3980] =	vst v63  }
0x4f: {  	s31 =	simm.s32 $0x380  }
0x50: {  	[spmem:s2] =	stream.indirect.scatter.add.f32 [tilespmem:s14], [sflag:$0x3], $0x1, s31, s13, $0xb8;
	[tilespmem:$0x3980] =	vst v63  }
0x51: {  	_ = 	snop  }
0x52: {  	[spmem:s2] =	stream.indirect.scatter.add.f32 [tilespmem:s14], [sflag:$0x4], $0x1, s22, s13, $0xb8;
	[tilespmem:$0x3980] =	vst v63  }
0x53: {  	_ =	swait.ge [sflag:s15], $0x80  }
0x54: {  	[sflag:s15] =	ssyncset.done $0x0  }
0x55: {  	[sflag:s15] =	ssyncadd.s32 $0xFFFFFF80  }
0x56: {  	_ =	swait.ge [sflag:s16], $0x80  }
0x57: {  	[sflag:s16] =	ssyncset.done $0x0  }
0x58: {  	p1 =	sne.s32 s23, $0x1;
	[sflag:s16] =	ssyncadd.s32 $0xFFFFFF80  }
.Ltmp1:
0x59: {  	_ =	swait.ge [sflag:s17], $0x80;
	(pc) =	sbr.rel @!p1 .LBB2_4-.Ltmp1, $4  }
0x5a: {  	[sflag:s17] =	ssyncset.done $0x0  }
0x5b: {  	[sflag:s17] =	ssyncadd.s32 $0xFFFFFF80  }
0x5c: {  	s23 =	sadd.s32 $0xFFFFFFFF, s23;
	_ =	swait.ge [sflag:s18], $0x80  }
0x5d: {  	p0 =	por $0x1, $0x1;
	s22 =	simm.s32 $0x600;
	[sflag:s18] =	ssyncset.done $0x0  }
.LBB2_3:
0x5e: {  	p1 =	sne.s32 s23, $0x1;
	s24 =	sadd.s32 $0xFFFFFE80, s22;
	[sflag:s18] =	ssyncadd.s32 $0xFFFFFF80  }
0x5f: {  	[spmem:s2] =	stream.indirect.scatter.add.f32 [tilespmem:s14], [sflag:$0x1], $0x1, s24, s13, $0xb8;
	[tilespmem:$0x3980] =	vst v63  }
0x60: {  	s23 =	sadd.s32 $0xFFFFFFFF, s23;
	s24 =	sadd.s32 $0xFFFFFF00, s22  }
0x61: {  	[spmem:s2] =	stream.indirect.scatter.add.f32 [tilespmem:s14], [sflag:$0x2], $0x1, s24, s13, $0xb8;
	[tilespmem:$0x3980] =	vst v63  }
0x62: {  	s24 =	sadd.s32 $0xFFFFFF80, s22  }
0x63: {  	[spmem:s2] =	stream.indirect.scatter.add.f32 [tilespmem:s14], [sflag:$0x3], $0x1, s24, s13, $0xb8;
	[tilespmem:$0x3980] =	vst v63  }
0x64: {  	_ = 	snop  }
0x65: {  	[spmem:s2] =	stream.indirect.scatter.add.f32 [tilespmem:s14], [sflag:$0x4], $0x1, s22, s13, $0xb8;
	[tilespmem:$0x3980] =	vst v63  }
0x66: {  	_ =	swait.ge [sflag:s15], $0x80  }
0x67: {  	[sflag:s15] =	ssyncset.done $0x0  }
0x68: {  	[sflag:s15] =	ssyncadd.s32 $0xFFFFFF80  }
0x69: {  	_ =	swait.ge [sflag:s16], $0x80  }
0x6a: {  	[sflag:s16] =	ssyncset.done $0x0  }
0x6b: {  	[sflag:s16] =	ssyncadd.s32 $0xFFFFFF80  }
.Ltmp2:
0x6c: {  	_ =	swait.ge [sflag:s17], $0x80;
	(pc) =	sbr.rel @p1 .LBB2_3-.Ltmp2, $4  }
0x6d: {  	[sflag:s17] =	ssyncset.done $0x0  }
0x6e: {  	[sflag:s17] =	ssyncadd.s32 $0xFFFFFF80  }
0x6f: {  	_ =	swait.ge [sflag:s18], $0x80  }
0x70: {  	s22 =	sadd.s32 $0x200, s22;
	[sflag:s18] =	ssyncset.done $0x0  }
.LBB2_4:
0x71: {  	s23 =	sadd.s32 $0xFFFFFE80, s22;
	[sflag:s18] =	ssyncadd.s32 @p0 $0xFFFFFF80  }
0x72: {  	[spmem:s2] =	stream.indirect.scatter.add.f32 [tilespmem:s14], [sflag:$0x1], $0x1, s23, s13, $0xb8;
	[tilespmem:$0x3980] =	vst v63  }
0x73: {  	s30 =	sadd.s32 $0xFFFFFF00, s22  }
0x74: {  	[spmem:s2] =	stream.indirect.scatter.add.f32 [tilespmem:s14], [sflag:$0x2], $0x1, s30, s13, $0xb8;
	[tilespmem:$0x3980] =	vst v63  }
0x75: {  	s31 =	sadd.s32 $0xFFFFFF80, s22  }
0x76: {  	[spmem:s2] =	stream.indirect.scatter.add.f32 [tilespmem:s14], [sflag:$0x3], $0x1, s31, s13, $0xb8;
	[tilespmem:$0x3980] =	vst v63  }
0x77: {  	_ = 	snop  }
0x78: {  	[spmem:s2] =	stream.indirect.scatter.add.f32 [tilespmem:s14], [sflag:$0x4], $0x1, s22, s13, $0xb8;
	[tilespmem:$0x3980] =	vst v63  }
0x79: {  	_ =	swait.ge [sflag:s15], $0x80  }
0x7a: {  	[sflag:s15] =	ssyncset.done $0x0  }
0x7b: {  	[sflag:s15] =	ssyncadd.s32 $0xFFFFFF80  }
0x7c: {  	_ =	swait.ge [sflag:s16], $0x80  }
0x7d: {  	[sflag:s16] =	ssyncset.done $0x0  }
0x7e: {  	[sflag:s16] =	ssyncadd.s32 $0xFFFFFF80  }
0x7f: {  	_ =	swait.ge [sflag:s17], $0x80  }
0x80: {  	[sflag:s17] =	ssyncset.done $0x0  }
0x81: {  	[sflag:s17] =	ssyncadd.s32 $0xFFFFFF80  }
0x82: {  	_ =	swait.ge [sflag:s18], $0x80  }
0x83: {  	s21 =	sadd.s32 $0x1, s21;
	[sflag:s18] =	ssyncset.done $0x0  }
0x84: {  	p0 =	sne.s32 s21, s8;
	[sflag:s18] =	ssyncadd.s32 $0xFFFFFF80  }
.Ltmp3:
0x85: {  	[bflag:$0x0] =	sbarrier.arrive $0xFFFF;
	(pc) =	sbr.rel @p0 .LBB2_1-.Ltmp3, $4  }
0x86: {  	[hbm:s7], [sflag:s19] =	dma.local [spmem:s20], $0x50  }
0x87: {  	_ =	swait.ge [sflag:s11], $0x50  }
0x88: {  	[sflag:s11] =	ssyncset.done $0x0  }
0x89: {  	[sflag:s11] =	ssyncadd.s32 $0xFFFFFFB0  }
0x8a: {  	_ =	sfence.sel $0x180000  }
0x8b: {  	[bflag:$0x0] =	sbarrier.arrive $0xFFFF  }
0x8c: {  	p0 =	sne.s32 s1, $0x0;
	_ =	strace $0x90000047  }
0x8d: {  	s0 =	sadd.s32 @!p0 $0x100000, s0;
	[bflag:$0x2] =	sbarrier.arrive $0xFFFF  }
0x8e: {  	[sflag:s0] =	ssyncadd.tile.s32 @!p0 $0x1;
	_ =	shalt  }
.Lfunc_end2:
_tile_overlayer_lowered:
.L_overlay_start_2:
0x8f: {  	(tag) =	ssettag $0x2  }
0x90: {  	s0 =	rddreg [dreg:$0x0];
	s2 =	stileid.u32  }
0x91: {  	s1 =	rddreg [dreg:$0x1];
	p0 =	sne.s32 s2, $0x0  }
0x92: {  	s3 =	rddreg [dreg:$0x2];
	[bflag:$0x3] =	sbarrier.arrive $0xFFFF;
	s2 =	simm.s32 @!p0 $0x1C06  }
0x93: {  	[timem:s3], [sflag:s2] =	dma.local @!p0 [hbm:s0], s1  }
0x94: {  	s0 =	simm.s32 @!p0 $0x6  }
0x95: {  	_ =	swait.ge @!p0 [sflag:s0], s1  }
0x96: {  	s1 =	ssub.s32 @!p0 $0x0, s1;
	[sflag:s0] =	ssyncset.done @!p0 $0x0  }
0x97: {  	[sflag:s0] =	ssyncadd.s32 @!p0 s1  }
0x98: {  	[bflag:$0x3] =	sbarrier.arrive $0xFFFF  }
0x99: {  	_ =	shalt  }

</sc_bundles>
